<compile_context>
chip_gen: v7x
topology: tpu7x:2x2x1
jax: 0.10.2.dev20260603
libtpu: 0.0.44.dev20260713+nightly
codegen_flags: <defaults>
</compile_context>

<pallas_src>
import functools

import jax
import jax.numpy as jnp
from jax import lax
from jax.experimental import pallas as pl
from jax.experimental.pallas import tpu as pltpu
from jax.experimental.pallas import tpu_sc as plsc

_N = 10000
_D = 128
_E = 320000
_NP = 10240
_CH = 40
_ROWS = _E // _CH
_NSUB = 16
_NSTG = 5
_SROWS = _ROWS // _NSUB // _NSTG
_SLICE = _NP // _NSUB
_KAPPA = 0.95

_mesh = plsc.VectorSubcoreMesh(core_axis_name="c", subcore_axis_name="s")


_CHA = 40
_ASTG = 5
_ASROWS = _E // _CHA // _NSUB // _ASTG


def _deg_body(dst4d, zrow, deg_out, dstb, ones_v, deg_sh, sem):
    c = lax.axis_index("c")
    s = lax.axis_index("s")
    for k in range((_CHA + 15) // 16):
        ones_v[pl.ds(min(16 * k, _CHA - 16), 16)] = jnp.full((16,), 1.0,
                                                            jnp.float32)
    pltpu.sync_copy(zrow, deg_sh.at[pl.ds(s * _SLICE, _SLICE)])
    for st in range(_ASTG):
        pltpu.sync_copy(dst4d.at[s, st], dstb.at[st])
    plsc.subcore_barrier()
    half = _ASROWS // 2

    def grp(g, carry):
        st = g // (half // 10)
        gg = g % (half // 10)
        descs = [
            pltpu.async_copy(
                ones_v, deg_sh.at[dstb.at[st, c * half + gg * 10 + b]], sem,
                add=True,
            )
            for b in range(10)
        ]
        for d in descs:
            d.wait()
        return carry

    lax.fori_loop(0, _ASTG * (half // 10), grp, 0)
    plsc.subcore_barrier()
    pltpu.sync_copy(deg_sh.at[pl.ds(s * _SLICE, _SLICE)],
                    deg_out.at[c, pl.ds(s * _SLICE, _SLICE)])


_deg_call = functools.partial(
    pl.kernel,
    out_type=jax.ShapeDtypeStruct((2, _NP), jnp.float32),
    mesh=_mesh,
    scratch_types=[
        pltpu.VMEM((_ASTG, _ASROWS, _CHA), jnp.int32),
        pltpu.VMEM((_CHA,), jnp.float32),
        pltpu.VMEM_SHARED((_NP,), jnp.float32),
        pltpu.SemaphoreType.DMA,
    ],
)(_deg_body)


_NB = 4


def _seg_body(h2_t, e2_t, src4d, dst4d, s1_out, s2_out,
              srcb, dstb, rows, acc_sh, g0, g1, g2, g3,
              s0, s1sem, s2sem, s3sem):
    c = lax.axis_index("c")
    s = lax.axis_index("s")
    gsems = [g0, g1, g2, g3]
    ssems = [s0, s1sem, s2sem, s3sem]

    def zr(r, carry):
        for k in range(_D // 16):
            rows[0, r, pl.ds(16 * k, 16)] = jnp.zeros((16,), jnp.float32)
        return carry

    lax.fori_loop(0, _CH, zr, 0)
    zdescs = [
        pltpu.async_copy(rows.at[0],
                         acc_sh.at[pl.ds(s * _SLICE + k * _CH, _CH)], g0)
        for k in range(_SLICE // _CH)
    ]
    for d in zdescs:
        d.wait()
    plsc.subcore_barrier()

    def make_stage(table):
        def stage(st, carry):
            pltpu.sync_copy(src4d.at[s, st], srcb)
            pltpu.sync_copy(dst4d.at[s, st], dstb)

            def grp(g, carry2):
                gd = []
                for b in range(_NB):
                    @pl.when(g > 0)
                    def _(b=b):
                        pltpu.make_async_copy(
                            table.at[pl.ds(0, _CH)], rows.at[b], ssems[b]
                        ).wait()
                    gd.append(
                        pltpu.async_copy(
                            table.at[srcb.at[g * _NB + b]], rows.at[b], gsems[b]
                        )
                    )
                for b in range(_NB):
                    gd[b].wait()
                    pltpu.async_copy(
                        rows.at[b], acc_sh.at[dstb.at[g * _NB + b]], ssems[b],
                        add=True,
                    )
                return carry2

            lax.fori_loop(0, _SROWS // _NB, grp, 0)
            for b in range(_NB):
                pltpu.make_async_copy(
                    table.at[pl.ds(0, _CH)], rows.at[b], ssems[b]
                ).wait()
            return carry

        return stage

    @pl.when(c == 0)
    def _():
        lax.fori_loop(0, _NSTG, make_stage(h2_t), 0)

    @pl.when(c == 1)
    def _():
        lax.fori_loop(0, _NSTG, make_stage(e2_t), 0)

    plsc.subcore_barrier()

    @pl.when(c == 0)
    def _():
        pltpu.sync_copy(acc_sh.at[pl.ds(s * _SLICE, _SLICE)],
                        s1_out.at[pl.ds(s * _SLICE, _SLICE)])

    @pl.when(c == 1)
    def _():
        pltpu.sync_copy(acc_sh.at[pl.ds(s * _SLICE, _SLICE)],
                        s2_out.at[pl.ds(s * _SLICE, _SLICE)])


_seg_call = functools.partial(
    pl.kernel,
    out_type=(
        jax.ShapeDtypeStruct((_NP, _D), jnp.float32),
        jax.ShapeDtypeStruct((_NP, _D), jnp.float32),
    ),
    mesh=_mesh,
    scratch_types=[
        pltpu.VMEM((_SROWS, _CH), jnp.int32),
        pltpu.VMEM((_SROWS, _CH), jnp.int32),
        pltpu.VMEM((_NB, _CH, _D), jnp.float32),
        pltpu.VMEM_SHARED((_NP, _D), jnp.float32),
    ] + [pltpu.SemaphoreType.DMA] * 8,
)(_seg_body)


_BR = 1000


def _dense_body(feat, emb, wg, fm, d0, d1, h2, e2):
    di = lax.rsqrt(d0[...] + d1[...] + 1.0)
    h = jnp.dot(feat[...], wg[...], preferred_element_type=jnp.float32)
    h2[...] = h * di
    m = lax.dot_general(fm[...], fm[...], (((0,), (0,)), ((), ())),
                        preferred_element_type=jnp.float32)
    nrm = jnp.sqrt(jnp.sum(m * m)) + 1e-5
    e2[...] = jnp.dot(emb[...], m, preferred_element_type=jnp.float32) * (_KAPPA / nrm)


def _dense_call(features, embeddings, W_gcn, Fmat, d0, d1):
    return pl.pallas_call(
        _dense_body,
        grid=(_N // _BR,),
        in_specs=[
            pl.BlockSpec((_BR, _D), lambda i: (i, 0)),
            pl.BlockSpec((_BR, _D), lambda i: (i, 0)),
            pl.BlockSpec((_D, _D), lambda i: (0, 0)),
            pl.BlockSpec((_D, _D), lambda i: (0, 0)),
            pl.BlockSpec((_BR, 1), lambda i: (i, 0)),
            pl.BlockSpec((_BR, 1), lambda i: (i, 0)),
        ],
        out_specs=[
            pl.BlockSpec((_BR, _D), lambda i: (i, 0)),
            pl.BlockSpec((_BR, _D), lambda i: (i, 0)),
        ],
        out_shape=[
            jax.ShapeDtypeStruct((_N, _D), jnp.float32),
            jax.ShapeDtypeStruct((_N, _D), jnp.float32),
        ],
    )(features, embeddings, W_gcn, Fmat, d0, d1)


def _comb_body(feat, wg, d0, d1, s1, s2, b, out):
    di = lax.rsqrt(d0[...] + d1[...] + 1.0)
    h = jnp.dot(feat[...], wg[...], preferred_element_type=jnp.float32)
    out[...] = di * s1[...] + s2[...] + (di * di) * h + b[...]


def _comb_call(features, W_gcn, d0, d1, s1, s2, b2d):
    return pl.pallas_call(
        _comb_body,
        grid=(_N // _BR,),
        in_specs=[
            pl.BlockSpec((_BR, _D), lambda i: (i, 0)),
            pl.BlockSpec((_D, _D), lambda i: (0, 0)),
            pl.BlockSpec((_BR, 1), lambda i: (i, 0)),
            pl.BlockSpec((_BR, 1), lambda i: (i, 0)),
            pl.BlockSpec((_BR, _D), lambda i: (i, 0)),
            pl.BlockSpec((_BR, _D), lambda i: (i, 0)),
            pl.BlockSpec((1, _D), lambda i: (0, 0)),
        ],
        out_specs=pl.BlockSpec((_BR, _D), lambda i: (i, 0)),
        out_shape=jax.ShapeDtypeStruct((_N, _D), jnp.float32),
    )(features, W_gcn, d0, d1, s1, s2, b2d)


def kernel(features, sparse_adj, W_gcn, b_gcn, Fmat, embeddings):
    src4d = sparse_adj[0].astype(jnp.int32).reshape(_NSUB, _NSTG, _SROWS, _CH)
    dst4d = sparse_adj[1].astype(jnp.int32).reshape(_NSUB, _NSTG, _SROWS, _CH)
    dst4d_a = sparse_adj[1].astype(jnp.int32).reshape(_NSUB, _ASTG, _ASROWS,
                                                      _CHA)
    zrow = jnp.zeros((_SLICE,), jnp.float32)

    degp = _deg_call(dst4d_a, zrow)
    d0 = degp[0].reshape(_NP, 1)
    d1 = degp[1].reshape(_NP, 1)
    h2, e2 = _dense_call(features, embeddings, W_gcn, Fmat, d0, d1)
    s1, s2 = _seg_call(h2, e2, src4d, dst4d)
    out = _comb_call(features, W_gcn, d0, d1, s1, s2, b_gcn.reshape(1, _D))
    return out

# --- scband reference (transcript-rebuilt; emitter-appended) ---
"""Pipeline reference for scband-soft-eignn-31044023616077 (READ-ONLY COPY).

The authoritative reference and input builder live on the scoring server;
editing this copy changes nothing except your own understanding.
"""

import jax, jax.numpy as jnp
import numpy as np

N = 10000
D = 128
E = 320000


def setup_inputs(seed: int = 0) -> dict:
    key = jax.random.key(seed)
    k1, k2, k3, k4, k5, k6 = jax.random.split(key, 6)
    features = jax.random.normal(k1, (N, D), dtype=jnp.float32)
    sparse_adj = jax.random.randint(k2, (2, E), 0, N)
    # GCNConv linear weight (xavier-uniform init per module), bias zeros
    limit = float(np.sqrt(6.0 / (D + D)))
    W_gcn = jax.random.uniform(k3, (D, D), dtype=jnp.float32, minval=-limit, maxval=limit)
    b_gcn = jnp.zeros((D,), dtype=jnp.float32)
    # self.F = rand(out, out); self.embeddings = 0.01*rand(num_nodes, out)
    Fmat = jax.random.uniform(k4, (D, D), dtype=jnp.float32)
    embeddings = 0.01 * jax.random.uniform(k5, (N, D), dtype=jnp.float32)
    return {"features": features, "sparse_adj": sparse_adj, "W_gcn": W_gcn,
            "b_gcn": b_gcn, "Fmat": Fmat, "embeddings": embeddings}


def reference(features, sparse_adj, W_gcn, b_gcn, Fmat, embeddings):
    kappa = 0.95
    src = sparse_adj[0]
    dst = sparse_adj[1]

    # --- baseGNN with num_layers=1: single GCNConv(normalize=True), eval mode ---
    # add self-loops, symmetric normalization D^{-1/2}(A+I)D^{-1/2}
    loop = jnp.arange(N, dtype=src.dtype)
    src2 = jnp.concatenate([src, loop])
    dst2 = jnp.concatenate([dst, loop])
    ones = jnp.ones(src2.shape[0], dtype=features.dtype)
    deg = jax.ops.segment_sum(ones, dst2, num_segments=N)
    dinv = jnp.where(deg > 0, 1.0 / jnp.sqrt(deg), 0.0)
    norm = dinv[src2] * dinv[dst2]
    h = features @ W_gcn  # GCNConv.lin (bias handled after aggregation)
    msg = h[src2] * norm[:, None]
    gcn_out = jax.ops.segment_sum(msg, dst2, num_segments=N) + b_gcn

    # --- self.project(): W = F^T F / (||F^T F|| + eps) ---
    W = Fmat.T @ Fmat
    W = W / (jnp.linalg.norm(W) + 1e-05)

    # --- kappa * (adj @ embeddings) @ W + gcn_out (raw adjacency SpMM) ---
    agg = jax.ops.segment_sum(embeddings[src], dst, num_segments=N)
    outputs = kappa * (agg @ W) + gcn_out
    return outputs

if __name__ == "__main__":
    import jax
    _d = setup_inputs()
    print(jax.jit(kernel)(*tuple(_d.values())))

</pallas_src>

<mosaic_0001>
#map = affine_map<(d0, d1) -> (0, 0)>
#map1 = affine_map<(d0, d1) -> (0, 0, 0, 0)>
module attributes {stable_mosaic.version = 14 : i64} {
  func.func @_seg_body(%arg0: i32, %arg1: i32, %arg2: memref<10000x128xf32, #tpu.memory_space<hbm>>, %arg3: memref<10000x128xf32, #tpu.memory_space<hbm>>, %arg4: memref<16x5x100x40xi32, #tpu.memory_space<hbm>>, %arg5: memref<16x5x100x40xi32, #tpu.memory_space<hbm>>, %arg6: memref<10240x128xf32, #tpu.memory_space<hbm>>, %arg7: memref<10240x128xf32, #tpu.memory_space<hbm>>, %arg8: memref<100x40xi32, #tpu.memory_space<vmem>>, %arg9: memref<100x40xi32, #tpu.memory_space<vmem>>, %arg10: memref<4x40x128xf32, #tpu.memory_space<vmem>>, %arg11: memref<10240x128xf32, #tpu.memory_space<vmem_shared>>, %arg12: memref<!tpu.dma_semaphore, #tpu.memory_space<semaphore_mem>>, %arg13: memref<!tpu.dma_semaphore, #tpu.memory_space<semaphore_mem>>, %arg14: memref<!tpu.dma_semaphore, #tpu.memory_space<semaphore_mem>>, %arg15: memref<!tpu.dma_semaphore, #tpu.memory_space<semaphore_mem>>, %arg16: memref<!tpu.dma_semaphore, #tpu.memory_space<semaphore_mem>>, %arg17: memref<!tpu.dma_semaphore, #tpu.memory_space<semaphore_mem>>, %arg18: memref<!tpu.dma_semaphore, #tpu.memory_space<semaphore_mem>>, %arg19: memref<!tpu.dma_semaphore, #tpu.memory_space<semaphore_mem>>) attributes {dimension_semantics = [#tpu.dimension_semantics<core_parallel>, #tpu.dimension_semantics<subcore_parallel>], iteration_bounds = array<i64: 2, 16>, scalar_prefetch = 0 : i64, scratch_operands = 12 : i64, tpu.core_type = #tpu.core_type<sc_vector_subcore>, window_params = [{transform_indices = #map}, {transform_indices = #map}, {transform_indices = #map1}, {transform_indices = #map1}, {transform_indices = #map}, {transform_indices = #map}]} {
    %scan3A = arith.constant 0 : i32
    %scan3A_0 = arith.constant 0 : i32
    %scan3A_1 = arith.constant 40 : i32
    %scan3A_2 = arith.addi %scan3A_0, %scan3A_1 : i32
    %scan3A_3 = arith.constant 1 : i32
    scf.for %scan3A_499 = %scan3A_0 to %scan3A_2 step %scan3A_3  : i32 {
      %broadcast_in_dim3A = arith.constant 0.000000e+00 : f32
      %broadcast_in_dim3A_500 = vector.broadcast %broadcast_in_dim3A : f32 to vector<16xf32>
      %swap3A = arith.constant 0 : i32
      %swap3A_501 = arith.index_cast %swap3A : i32 to index
      %swap3A_502 = arith.index_cast %scan3A_499 : i32 to index
      %swap3A_503 = arith.constant 0 : index
      %swap3A_504 = tpu.vector_load %arg10[%swap3A_501, %swap3A_502, %swap3A_503] {strides = array<i32>} : memref<4x40x128xf32, #tpu.memory_space<vmem>>, vector<1x1x16xf32>,
      %swap3A_505 = vector.shape_cast %swap3A_504 : vector<1x1x16xf32> to vector<16xf32>
      %swap3A_506 = vector.shape_cast %broadcast_in_dim3A_500 : vector<16xf32> to vector<1x1x16xf32>
      tpu.vector_store %arg10[%swap3A_501, %swap3A_502, %swap3A_503], %swap3A_506 {strides = array<i32>} : memref<4x40x128xf32, #tpu.memory_space<vmem>>, vector<1x1x16xf32>,
      %broadcast_in_dim3A_507 = arith.constant 0.000000e+00 : f32
      %broadcast_in_dim3A_508 = vector.broadcast %broadcast_in_dim3A_507 : f32 to vector<16xf32>
      %swap3A_509 = arith.constant 0 : i32
      %swap3A_510 = arith.index_cast %swap3A_509 : i32 to index
      %swap3A_511 = arith.index_cast %scan3A_499 : i32 to index
      %swap3A_512 = arith.constant 16 : index
      %swap3A_513 = tpu.vector_load %arg10[%swap3A_510, %swap3A_511, %swap3A_512] {strides = array<i32>} : memref<4x40x128xf32, #tpu.memory_space<vmem>>, vector<1x1x16xf32>,
      %swap3A_514 = vector.shape_cast %swap3A_513 : vector<1x1x16xf32> to vector<16xf32>
      %swap3A_515 = vector.shape_cast %broadcast_in_dim3A_508 : vector<16xf32> to vector<1x1x16xf32>
      tpu.vector_store %arg10[%swap3A_510, %swap3A_511, %swap3A_512], %swap3A_515 {strides = array<i32>} : memref<4x40x128xf32, #tpu.memory_space<vmem>>, vector<1x1x16xf32>,
      %broadcast_in_dim3A_516 = arith.constant 0.000000e+00 : f32
      %broadcast_in_dim3A_517 = vector.broadcast %broadcast_in_dim3A_516 : f32 to vector<16xf32>
      %swap3A_518 = arith.constant 0 : i32
      %swap3A_519 = arith.index_cast %swap3A_518 : i32 to index
      %swap3A_520 = arith.index_cast %scan3A_499 : i32 to index
      %swap3A_521 = arith.constant 32 : index
      %swap3A_522 = tpu.vector_load %arg10[%swap3A_519, %swap3A_520, %swap3A_521] {strides = array<i32>} : memref<4x40x128xf32, #tpu.memory_space<vmem>>, vector<1x1x16xf32>,
      %swap3A_523 = vector.shape_cast %swap3A_522 : vector<1x1x16xf32> to vector<16xf32>
      %swap3A_524 = vector.shape_cast %broadcast_in_dim3A_517 : vector<16xf32> to vector<1x1x16xf32>
      tpu.vector_store %arg10[%swap3A_519, %swap3A_520, %swap3A_521], %swap3A_524 {strides = array<i32>} : memref<4x40x128xf32, #tpu.memory_space<vmem>>, vector<1x1x16xf32>,
      %broadcast_in_dim3A_525 = arith.constant 0.000000e+00 : f32
      %broadcast_in_dim3A_526 = vector.broadcast %broadcast_in_dim3A_525 : f32 to vector<16xf32>
      %swap3A_527 = arith.constant 0 : i32
      %swap3A_528 = arith.index_cast %swap3A_527 : i32 to index
      %swap3A_529 = arith.index_cast %scan3A_499 : i32 to index
      %swap3A_530 = arith.constant 48 : index
      %swap3A_531 = tpu.vector_load %arg10[%swap3A_528, %swap3A_529, %swap3A_530] {strides = array<i32>} : memref<4x40x128xf32, #tpu.memory_space<vmem>>, vector<1x1x16xf32>,
      %swap3A_532 = vector.shape_cast %swap3A_531 : vector<1x1x16xf32> to vector<16xf32>
      %swap3A_533 = vector.shape_cast %broadcast_in_dim3A_526 : vector<16xf32> to vector<1x1x16xf32>
      tpu.vector_store %arg10[%swap3A_528, %swap3A_529, %swap3A_530], %swap3A_533 {strides = array<i32>} : memref<4x40x128xf32, #tpu.memory_space<vmem>>, vector<1x1x16xf32>,
      %broadcast_in_dim3A_534 = arith.constant 0.000000e+00 : f32
      %broadcast_in_dim3A_535 = vector.broadcast %broadcast_in_dim3A_534 : f32 to vector<16xf32>
      %swap3A_536 = arith.constant 0 : i32
      %swap3A_537 = arith.index_cast %swap3A_536 : i32 to index
      %swap3A_538 = arith.index_cast %scan3A_499 : i32 to index
      %swap3A_539 = arith.constant 64 : index
      %swap3A_540 = tpu.vector_load %arg10[%swap3A_537, %swap3A_538, %swap3A_539] {strides = array<i32>} : memref<4x40x128xf32, #tpu.memory_space<vmem>>, vector<1x1x16xf32>,
      %swap3A_541 = vector.shape_cast %swap3A_540 : vector<1x1x16xf32> to vector<16xf32>
      %swap3A_542 = vector.shape_cast %broadcast_in_dim3A_535 : vector<16xf32> to vector<1x1x16xf32>
      tpu.vector_store %arg10[%swap3A_537, %swap3A_538, %swap3A_539], %swap3A_542 {strides = array<i32>} : memref<4x40x128xf32, #tpu.memory_space<vmem>>, vector<1x1x16xf32>,
      %broadcast_in_dim3A_543 = arith.constant 0.000000e+00 : f32
      %broadcast_in_dim3A_544 = vector.broadcast %broadcast_in_dim3A_543 : f32 to vector<16xf32>
      %swap3A_545 = arith.constant 0 : i32
      %swap3A_546 = arith.index_cast %swap3A_545 : i32 to index
      %swap3A_547 = arith.index_cast %scan3A_499 : i32 to index
      %swap3A_548 = arith.constant 80 : index
      %swap3A_549 = tpu.vector_load %arg10[%swap3A_546, %swap3A_547, %swap3A_548] {strides = array<i32>} : memref<4x40x128xf32, #tpu.memory_space<vmem>>, vector<1x1x16xf32>,
      %swap3A_550 = vector.shape_cast %swap3A_549 : vector<1x1x16xf32> to vector<16xf32>
      %swap3A_551 = vector.shape_cast %broadcast_in_dim3A_544 : vector<16xf32> to vector<1x1x16xf32>
      tpu.vector_store %arg10[%swap3A_546, %swap3A_547, %swap3A_548], %swap3A_551 {strides = array<i32>} : memref<4x40x128xf32, #tpu.memory_space<vmem>>, vector<1x1x16xf32>,
      %broadcast_in_dim3A_552 = arith.constant 0.000000e+00 : f32
      %broadcast_in_dim3A_553 = vector.broadcast %broadcast_in_dim3A_552 : f32 to vector<16xf32>
      %swap3A_554 = arith.constant 0 : i32
      %swap3A_555 = arith.index_cast %swap3A_554 : i32 to index
      %swap3A_556 = arith.index_cast %scan3A_499 : i32 to index
      %swap3A_557 = arith.constant 96 : index
      %swap3A_558 = tpu.vector_load %arg10[%swap3A_555, %swap3A_556, %swap3A_557] {strides = array<i32>} : memref<4x40x128xf32, #tpu.memory_space<vmem>>, vector<1x1x16xf32>,
      %swap3A_559 = vector.shape_cast %swap3A_558 : vector<1x1x16xf32> to vector<16xf32>
      %swap3A_560 = vector.shape_cast %broadcast_in_dim3A_553 : vector<16xf32> to vector<1x1x16xf32>
      tpu.vector_store %arg10[%swap3A_555, %swap3A_556, %swap3A_557], %swap3A_560 {strides = array<i32>} : memref<4x40x128xf32, #tpu.memory_space<vmem>>, vector<1x1x16xf32>,
      %broadcast_in_dim3A_561 = arith.constant 0.000000e+00 : f32
      %broadcast_in_dim3A_562 = vector.broadcast %broadcast_in_dim3A_561 : f32 to vector<16xf32>
      %swap3A_563 = arith.constant 0 : i32
      %swap3A_564 = arith.index_cast %swap3A_563 : i32 to index
      %swap3A_565 = arith.index_cast %scan3A_499 : i32 to index
      %swap3A_566 = arith.constant 112 : index
      %swap3A_567 = tpu.vector_load %arg10[%swap3A_564, %swap3A_565, %swap3A_566] {strides = array<i32>} : memref<4x40x128xf32, #tpu.memory_space<vmem>>, vector<1x1x16xf32>,
      %swap3A_568 = vector.shape_cast %swap3A_567 : vector<1x1x16xf32> to vector<16xf32>
      %swap3A_569 = vector.shape_cast %broadcast_in_dim3A_562 : vector<16xf32> to vector<1x1x16xf32>
      tpu.vector_store %arg10[%swap3A_564, %swap3A_565, %swap3A_566], %swap3A_569 {strides = array<i32>} : memref<4x40x128xf32, #tpu.memory_space<vmem>>, vector<1x1x16xf32>,
    }
    %scan3A_4 = arith.constant 40 : i32
    %mul3A = arith.constant 640 : i32
    %mul3A_5 = arith.muli %arg1, %mul3A : i32
    %add3A = arith.constant 0 : i32
    %add3A_6 = arith.addi %mul3A_5, %add3A : i32
    %dma_start3A = arith.constant 0 : i32
    %dma_start3A_7 = arith.constant 0 : i32
    %dma_start3A_8 = arith.constant 0 : i32
    %dma_start3A_9 = tpu.memref_slice %arg10[%dma_start3A, %dma_start3A_7, %dma_start3A_8] : memref<4x40x128xf32, #tpu.memory_space<vmem>> -> memref<1x40x128xf32, #tpu.memory_space<vmem>>
    %dma_start3A_10 = tpu.memref_squeeze %dma_start3A_9 : memref<1x40x128xf32, #tpu.memory_space<vmem>> -> memref<40x128xf32, #tpu.memory_space<vmem>>
    %dma_start3A_11 = arith.constant 0 : i32
    %dma_start3A_12 = tpu.memref_slice %arg11[%add3A_6, %dma_start3A_11] : memref<10240x128xf32, #tpu.memory_space<vmem_shared>> -> memref<40x128xf32, #tpu.memory_space<vmem_shared>>
    %dma_start3A_13 = arith.constant 0 : i32
    %dma_start3A_14 = tpu.memref_slice %arg11[%add3A_6, %dma_start3A_13] : memref<10240x128xf32, #tpu.memory_space<vmem_shared>> -> memref<40x128xf32, #tpu.memory_space<vmem_shared>>
    %dma_start3A_15 = arith.constant 0 : i32
    %dma_start3A_16 = arith.constant 0 : i32
    %dma_start3A_17 = tpu.memref_slice %arg10[%dma_start3A, %dma_start3A_15, %dma_start3A_16] : memref<4x40x128xf32, #tpu.memory_space<vmem>> -> memref<1x40x128xf32, #tpu.memory_space<vmem>>
    %dma_start3A_18 = tpu.memref_squeeze %dma_start3A_17 : memref<1x40x128xf32, #tpu.memory_space<vmem>> -> memref<40x128xf32, #tpu.memory_space<vmem>>
    tpu.enqueue_dma source(%dma_start3A_18 : memref<40x128xf32, #tpu.memory_space<vmem>>) target(%dma_start3A_14 : memref<40x128xf32, #tpu.memory_space<vmem_shared>>) target_semaphore(%arg12 : memref<!tpu.dma_semaphore, #tpu.memory_space<semaphore_mem>>)
    %mul3A_19 = arith.constant 640 : i32
    %mul3A_20 = arith.muli %arg1, %mul3A_19 : i32
    %add3A_21 = arith.constant 40 : i32
    %add3A_22 = arith.addi %mul3A_20, %add3A_21 : i32
    %dma_start3A_23 = arith.constant 0 : i32
    %dma_start3A_24 = arith.constant 0 : i32
    %dma_start3A_25 = arith.constant 0 : i32
    %dma_start3A_26 = tpu.memref_slice %arg10[%dma_start3A_23, %dma_start3A_24, %dma_start3A_25] : memref<4x40x128xf32, #tpu.memory_space<vmem>> -> memref<1x40x128xf32, #tpu.memory_space<vmem>>
    %dma_start3A_27 = tpu.memref_squeeze %dma_start3A_26 : memref<1x40x128xf32, #tpu.memory_space<vmem>> -> memref<40x128xf32, #tpu.memory_space<vmem>>
    %dma_start3A_28 = arith.constant 0 : i32
    %dma_start3A_29 = tpu.memref_slice %arg11[%add3A_22, %dma_start3A_28] : memref<10240x128xf32, #tpu.memory_space<vmem_shared>> -> memref<40x128xf32, #tpu.memory_space<vmem_shared>>
    %dma_start3A_30 = arith.constant 0 : i32
    %dma_start3A_31 = tpu.memref_slice %arg11[%add3A_22, %dma_start3A_30] : memref<10240x128xf32, #tpu.memory_space<vmem_shared>> -> memref<40x128xf32, #tpu.memory_space<vmem_shared>>
    %dma_start3A_32 = arith.constant 0 : i32
    %dma_start3A_33 = arith.constant 0 : i32
    %dma_start3A_34 = tpu.memref_slice %arg10[%dma_start3A_23, %dma_start3A_32, %dma_start3A_33] : memref<4x40x128xf32, #tpu.memory_space<vmem>> -> memref<1x40x128xf32, #tpu.memory_space<vmem>>
    %dma_start3A_35 = tpu.memref_squeeze %dma_start3A_34 : memref<1x40x128xf32, #tpu.memory_space<vmem>> -> memref<40x128xf32, #tpu.memory_space<vmem>>
    tpu.enqueue_dma source(%dma_start3A_35 : memref<40x128xf32, #tpu.memory_space<vmem>>) target(%dma_start3A_31 : memref<40x128xf32, #tpu.memory_space<vmem_shared>>) target_semaphore(%arg12 : memref<!tpu.dma_semaphore, #tpu.memory_space<semaphore_mem>>)
    %mul3A_36 = arith.constant 640 : i32
    %mul3A_37 = arith.muli %arg1, %mul3A_36 : i32
    %add3A_38 = arith.constant 80 : i32
    %add3A_39 = arith.addi %mul3A_37, %add3A_38 : i32
    %dma_start3A_40 = arith.constant 0 : i32
    %dma_start3A_41 = arith.constant 0 : i32
    %dma_start3A_42 = arith.constant 0 : i32
    %dma_start3A_43 = tpu.memref_slice %arg10[%dma_start3A_40, %dma_start3A_41, %dma_start3A_42] : memref<4x40x128xf32, #tpu.memory_space<vmem>> -> memref<1x40x128xf32, #tpu.memory_space<vmem>>
    %dma_start3A_44 = tpu.memref_squeeze %dma_start3A_43 : memref<1x40x128xf32, #tpu.memory_space<vmem>> -> memref<40x128xf32, #tpu.memory_space<vmem>>
    %dma_start3A_45 = arith.constant 0 : i32
    %dma_start3A_46 = tpu.memref_slice %arg11[%add3A_39, %dma_start3A_45] : memref<10240x128xf32, #tpu.memory_space<vmem_shared>> -> memref<40x128xf32, #tpu.memory_space<vmem_shared>>
    %dma_start3A_47 = arith.constant 0 : i32
    %dma_start3A_48 = tpu.memref_slice %arg11[%add3A_39, %dma_start3A_47] : memref<10240x128xf32, #tpu.memory_space<vmem_shared>> -> memref<40x128xf32, #tpu.memory_space<vmem_shared>>
    %dma_start3A_49 = arith.constant 0 : i32
    %dma_start3A_50 = arith.constant 0 : i32
    %dma_start3A_51 = tpu.memref_slice %arg10[%dma_start3A_40, %dma_start3A_49, %dma_start3A_50] : memref<4x40x128xf32, #tpu.memory_space<vmem>> -> memref<1x40x128xf32, #tpu.memory_space<vmem>>
    %dma_start3A_52 = tpu.memref_squeeze %dma_start3A_51 : memref<1x40x128xf32, #tpu.memory_space<vmem>> -> memref<40x128xf32, #tpu.memory_space<vmem>>
    tpu.enqueue_dma source(%dma_start3A_52 : memref<40x128xf32, #tpu.memory_space<vmem>>) target(%dma_start3A_48 : memref<40x128xf32, #tpu.memory_space<vmem_shared>>) target_semaphore(%arg12 : memref<!tpu.dma_semaphore, #tpu.memory_space<semaphore_mem>>)
    %mul3A_53 = arith.constant 640 : i32
    %mul3A_54 = arith.muli %arg1, %mul3A_53 : i32
    %add3A_55 = arith.constant 120 : i32
    %add3A_56 = arith.addi %mul3A_54, %add3A_55 : i32
    %dma_start3A_57 = arith.constant 0 : i32
    %dma_start3A_58 = arith.constant 0 : i32
    %dma_start3A_59 = arith.constant 0 : i32
    %dma_start3A_60 = tpu.memref_slice %arg10[%dma_start3A_57, %dma_start3A_58, %dma_start3A_59] : memref<4x40x128xf32, #tpu.memory_space<vmem>> -> memref<1x40x128xf32, #tpu.memory_space<vmem>>
    %dma_start3A_61 = tpu.memref_squeeze %dma_start3A_60 : memref<1x40x128xf32, #tpu.memory_space<vmem>> -> memref<40x128xf32, #tpu.memory_space<vmem>>
    %dma_start3A_62 = arith.constant 0 : i32
    %dma_start3A_63 = tpu.memref_slice %arg11[%add3A_56, %dma_start3A_62] : memref<10240x128xf32, #tpu.memory_space<vmem_shared>> -> memref<40x128xf32, #tpu.memory_space<vmem_shared>>
    %dma_start3A_64 = arith.constant 0 : i32
    %dma_start3A_65 = tpu.memref_slice %arg11[%add3A_56, %dma_start3A_64] : memref<10240x128xf32, #tpu.memory_space<vmem_shared>> -> memref<40x128xf32, #tpu.memory_space<vmem_shared>>
    %dma_start3A_66 = arith.constant 0 : i32
    %dma_start3A_67 = arith.constant 0 : i32
    %dma_start3A_68 = tpu.memref_slice %arg10[%dma_start3A_57, %dma_start3A_66, %dma_start3A_67] : memref<4x40x128xf32, #tpu.memory_space<vmem>> -> memref<1x40x128xf32, #tpu.memory_space<vmem>>
    %dma_start3A_69 = tpu.memref_squeeze %dma_start3A_68 : memref<1x40x128xf32, #tpu.memory_space<vmem>> -> memref<40x128xf32, #tpu.memory_space<vmem>>
    tpu.enqueue_dma source(%dma_start3A_69 : memref<40x128xf32, #tpu.memory_space<vmem>>) target(%dma_start3A_65 : memref<40x128xf32, #tpu.memory_space<vmem_shared>>) target_semaphore(%arg12 : memref<!tpu.dma_semaphore, #tpu.memory_space<semaphore_mem>>)
    %mul3A_70 = arith.constant 640 : i32
    %mul3A_71 = arith.muli %arg1, %mul3A_70 : i32
    %add3A_72 = arith.constant 160 : i32
    %add3A_73 = arith.addi %mul3A_71, %add3A_72 : i32
    %dma_start3A_74 = arith.constant 0 : i32
    %dma_start3A_75 = arith.constant 0 : i32
    %dma_start3A_76 = arith.constant 0 : i32
    %dma_start3A_77 = tpu.memref_slice %arg10[%dma_start3A_74, %dma_start3A_75, %dma_start3A_76] : memref<4x40x128xf32, #tpu.memory_space<vmem>> -> memref<1x40x128xf32, #tpu.memory_space<vmem>>
    %dma_start3A_78 = tpu.memref_squeeze %dma_start3A_77 : memref<1x40x128xf32, #tpu.memory_space<vmem>> -> memref<40x128xf32, #tpu.memory_space<vmem>>
    %dma_start3A_79 = arith.constant 0 : i32
    %dma_start3A_80 = tpu.memref_slice %arg11[%add3A_73, %dma_start3A_79] : memref<10240x128xf32, #tpu.memory_space<vmem_shared>> -> memref<40x128xf32, #tpu.memory_space<vmem_shared>>
    %dma_start3A_81 = arith.constant 0 : i32
    %dma_start3A_82 = tpu.memref_slice %arg11[%add3A_73, %dma_start3A_81] : memref<10240x128xf32, #tpu.memory_space<vmem_shared>> -> memref<40x128xf32, #tpu.memory_space<vmem_shared>>
    %dma_start3A_83 = arith.constant 0 : i32
    %dma_start3A_84 = arith.constant 0 : i32
    %dma_start3A_85 = tpu.memref_slice %arg10[%dma_start3A_74, %dma_start3A_83, %dma_start3A_84] : memref<4x40x128xf32, #tpu.memory_space<vmem>> -> memref<1x40x128xf32, #tpu.memory_space<vmem>>
    %dma_start3A_86 = tpu.memref_squeeze %dma_start3A_85 : memref<1x40x128xf32, #tpu.memory_space<vmem>> -> memref<40x128xf32, #tpu.memory_space<vmem>>
    tpu.enqueue_dma source(%dma_start3A_86 : memref<40x128xf32, #tpu.memory_space<vmem>>) target(%dma_start3A_82 : memref<40x128xf32, #tpu.memory_space<vmem_shared>>) target_semaphore(%arg12 : memref<!tpu.dma_semaphore, #tpu.memory_space<semaphore_mem>>)
    %mul3A_87 = arith.constant 640 : i32
    %mul3A_88 = arith.muli %arg1, %mul3A_87 : i32
    %add3A_89 = arith.constant 200 : i32
    %add3A_90 = arith.addi %mul3A_88, %add3A_89 : i32
    %dma_start3A_91 = arith.constant 0 : i32
    %dma_start3A_92 = arith.constant 0 : i32
    %dma_start3A_93 = arith.constant 0 : i32
    %dma_start3A_94 = tpu.memref_slice %arg10[%dma_start3A_91, %dma_start3A_92, %dma_start3A_93] : memref<4x40x128xf32, #tpu.memory_space<vmem>> -> memref<1x40x128xf32, #tpu.memory_space<vmem>>
    %dma_start3A_95 = tpu.memref_squeeze %dma_start3A_94 : memref<1x40x128xf32, #tpu.memory_space<vmem>> -> memref<40x128xf32, #tpu.memory_space<vmem>>
    %dma_start3A_96 = arith.constant 0 : i32
    %dma_start3A_97 = tpu.memref_slice %arg11[%add3A_90, %dma_start3A_96] : memref<10240x128xf32, #tpu.memory_space<vmem_shared>> -> memref<40x128xf32, #tpu.memory_space<vmem_shared>>
    %dma_start3A_98 = arith.constant 0 : i32
    %dma_start3A_99 = tpu.memref_slice %arg11[%add3A_90, %dma_start3A_98] : memref<10240x128xf32, #tpu.memory_space<vmem_shared>> -> memref<40x128xf32, #tpu.memory_space<vmem_shared>>
    %dma_start3A_100 = arith.constant 0 : i32
    %dma_start3A_101 = arith.constant 0 : i32
    %dma_start3A_102 = tpu.memref_slice %arg10[%dma_start3A_91, %dma_start3A_100, %dma_start3A_101] : memref<4x40x128xf32, #tpu.memory_space<vmem>> -> memref<1x40x128xf32, #tpu.memory_space<vmem>>
    %dma_start3A_103 = tpu.memref_squeeze %dma_start3A_102 : memref<1x40x128xf32, #tpu.memory_space<vmem>> -> memref<40x128xf32, #tpu.memory_space<vmem>>
    tpu.enqueue_dma source(%dma_start3A_103 : memref<40x128xf32, #tpu.memory_space<vmem>>) target(%dma_start3A_99 : memref<40x128xf32, #tpu.memory_space<vmem_shared>>) target_semaphore(%arg12 : memref<!tpu.dma_semaphore, #tpu.memory_space<semaphore_mem>>)
    %mul3A_104 = arith.constant 640 : i32
    %mul3A_105 = arith.muli %arg1, %mul3A_104 : i32
    %add3A_106 = arith.constant 240 : i32
    %add3A_107 = arith.addi %mul3A_105, %add3A_106 : i32
    %dma_start3A_108 = arith.constant 0 : i32
    %dma_start3A_109 = arith.constant 0 : i32
    %dma_start3A_110 = arith.constant 0 : i32
    %dma_start3A_111 = tpu.memref_slice %arg10[%dma_start3A_108, %dma_start3A_109, %dma_start3A_110] : memref<4x40x128xf32, #tpu.memory_space<vmem>> -> memref<1x40x128xf32, #tpu.memory_space<vmem>>
    %dma_start3A_112 = tpu.memref_squeeze %dma_start3A_111 : memref<1x40x128xf32, #tpu.memory_space<vmem>> -> memref<40x128xf32, #tpu.memory_space<vmem>>
    %dma_start3A_113 = arith.constant 0 : i32
    %dma_start3A_114 = tpu.memref_slice %arg11[%add3A_107, %dma_start3A_113] : memref<10240x128xf32, #tpu.memory_space<vmem_shared>> -> memref<40x128xf32, #tpu.memory_space<vmem_shared>>
    %dma_start3A_115 = arith.constant 0 : i32
    %dma_start3A_116 = tpu.memref_slice %arg11[%add3A_107, %dma_start3A_115] : memref<10240x128xf32, #tpu.memory_space<vmem_shared>> -> memref<40x128xf32, #tpu.memory_space<vmem_shared>>
    %dma_start3A_117 = arith.constant 0 : i32
    %dma_start3A_118 = arith.constant 0 : i32
    %dma_start3A_119 = tpu.memref_slice %arg10[%dma_start3A_108, %dma_start3A_117, %dma_start3A_118] : memref<4x40x128xf32, #tpu.memory_space<vmem>> -> memref<1x40x128xf32, #tpu.memory_space<vmem>>
    %dma_start3A_120 = tpu.memref_squeeze %dma_start3A_119 : memref<1x40x128xf32, #tpu.memory_space<vmem>> -> memref<40x128xf32, #tpu.memory_space<vmem>>
    tpu.enqueue_dma source(%dma_start3A_120 : memref<40x128xf32, #tpu.memory_space<vmem>>) target(%dma_start3A_116 : memref<40x128xf32, #tpu.memory_space<vmem_shared>>) target_semaphore(%arg12 : memref<!tpu.dma_semaphore, #tpu.memory_space<semaphore_mem>>)
    %mul3A_121 = arith.constant 640 : i32
    %mul3A_122 = arith.muli %arg1, %mul3A_121 : i32
    %add3A_123 = arith.constant 280 : i32
    %add3A_124 = arith.addi %mul3A_122, %add3A_123 : i32
    %dma_start3A_125 = arith.constant 0 : i32
    %dma_start3A_126 = arith.constant 0 : i32
    %dma_start3A_127 = arith.constant 0 : i32
    %dma_start3A_128 = tpu.memref_slice %arg10[%dma_start3A_125, %dma_start3A_126, %dma_start3A_127] : memref<4x40x128xf32, #tpu.memory_space<vmem>> -> memref<1x40x128xf32, #tpu.memory_space<vmem>>
    %dma_start3A_129 = tpu.memref_squeeze %dma_start3A_128 : memref<1x40x128xf32, #tpu.memory_space<vmem>> -> memref<40x128xf32, #tpu.memory_space<vmem>>
    %dma_start3A_130 = arith.constant 0 : i32
    %dma_start3A_131 = tpu.memref_slice %arg11[%add3A_124, %dma_start3A_130] : memref<10240x128xf32, #tpu.memory_space<vmem_shared>> -> memref<40x128xf32, #tpu.memory_space<vmem_shared>>
    %dma_start3A_132 = arith.constant 0 : i32
    %dma_start3A_133 = tpu.memref_slice %arg11[%add3A_124, %dma_start3A_132] : memref<10240x128xf32, #tpu.memory_space<vmem_shared>> -> memref<40x128xf32, #tpu.memory_space<vmem_shared>>
    %dma_start3A_134 = arith.constant 0 : i32
    %dma_start3A_135 = arith.constant 0 : i32
    %dma_start3A_136 = tpu.memref_slice %arg10[%dma_start3A_125, %dma_start3A_134, %dma_start3A_135] : memref<4x40x128xf32, #tpu.memory_space<vmem>> -> memref<1x40x128xf32, #tpu.memory_space<vmem>>
    %dma_start3A_137 = tpu.memref_squeeze %dma_start3A_136 : memref<1x40x128xf32, #tpu.memory_space<vmem>> -> memref<40x128xf32, #tpu.memory_space<vmem>>
    tpu.enqueue_dma source(%dma_start3A_137 : memref<40x128xf32, #tpu.memory_space<vmem>>) target(%dma_start3A_133 : memref<40x128xf32, #tpu.memory_space<vmem_shared>>) target_semaphore(%arg12 : memref<!tpu.dma_semaphore, #tpu.memory_space<semaphore_mem>>)
    %mul3A_138 = arith.constant 640 : i32
    %mul3A_139 = arith.muli %arg1, %mul3A_138 : i32
    %add3A_140 = arith.constant 320 : i32
    %add3A_141 = arith.addi %mul3A_139, %add3A_140 : i32
    %dma_start3A_142 = arith.constant 0 : i32
    %dma_start3A_143 = arith.constant 0 : i32
    %dma_start3A_144 = arith.constant 0 : i32
    %dma_start3A_145 = tpu.memref_slice %arg10[%dma_start3A_142, %dma_start3A_143, %dma_start3A_144] : memref<4x40x128xf32, #tpu.memory_space<vmem>> -> memref<1x40x128xf32, #tpu.memory_space<vmem>>
    %dma_start3A_146 = tpu.memref_squeeze %dma_start3A_145 : memref<1x40x128xf32, #tpu.memory_space<vmem>> -> memref<40x128xf32, #tpu.memory_space<vmem>>
    %dma_start3A_147 = arith.constant 0 : i32
    %dma_start3A_148 = tpu.memref_slice %arg11[%add3A_141, %dma_start3A_147] : memref<10240x128xf32, #tpu.memory_space<vmem_shared>> -> memref<40x128xf32, #tpu.memory_space<vmem_shared>>
    %dma_start3A_149 = arith.constant 0 : i32
    %dma_start3A_150 = tpu.memref_slice %arg11[%add3A_141, %dma_start3A_149] : memref<10240x128xf32, #tpu.memory_space<vmem_shared>> -> memref<40x128xf32, #tpu.memory_space<vmem_shared>>
    %dma_start3A_151 = arith.constant 0 : i32
    %dma_start3A_152 = arith.constant 0 : i32
    %dma_start3A_153 = tpu.memref_slice %arg10[%dma_start3A_142, %dma_start3A_151, %dma_start3A_152] : memref<4x40x128xf32, #tpu.memory_space<vmem>> -> memref<1x40x128xf32, #tpu.memory_space<vmem>>
    %dma_start3A_154 = tpu.memref_squeeze %dma_start3A_153 : memref<1x40x128xf32, #tpu.memory_space<vmem>> -> memref<40x128xf32, #tpu.memory_space<vmem>>
    tpu.enqueue_dma source(%dma_start3A_154 : memref<40x128xf32, #tpu.memory_space<vmem>>) target(%dma_start3A_150 : memref<40x128xf32, #tpu.memory_space<vmem_shared>>) target_semaphore(%arg12 : memref<!tpu.dma_semaphore, #tpu.memory_space<semaphore_mem>>)
    %mul3A_155 = arith.constant 640 : i32
    %mul3A_156 = arith.muli %arg1, %mul3A_155 : i32
    %add3A_157 = arith.constant 360 : i32
    %add3A_158 = arith.addi %mul3A_156, %add3A_157 : i32
    %dma_start3A_159 = arith.constant 0 : i32
    %dma_start3A_160 = arith.constant 0 : i32
    %dma_start3A_161 = arith.constant 0 : i32
    %dma_start3A_162 = tpu.memref_slice %arg10[%dma_start3A_159, %dma_start3A_160, %dma_start3A_161] : memref<4x40x128xf32, #tpu.memory_space<vmem>> -> memref<1x40x128xf32, #tpu.memory_space<vmem>>
    %dma_start3A_163 = tpu.memref_squeeze %dma_start3A_162 : memref<1x40x128xf32, #tpu.memory_space<vmem>> -> memref<40x128xf32, #tpu.memory_space<vmem>>
    %dma_start3A_164 = arith.constant 0 : i32
    %dma_start3A_165 = tpu.memref_slice %arg11[%add3A_158, %dma_start3A_164] : memref<10240x128xf32, #tpu.memory_space<vmem_shared>> -> memref<40x128xf32, #tpu.memory_space<vmem_shared>>
    %dma_start3A_166 = arith.constant 0 : i32
    %dma_start3A_167 = tpu.memref_slice %arg11[%add3A_158, %dma_start3A_166] : memref<10240x128xf32, #tpu.memory_space<vmem_shared>> -> memref<40x128xf32, #tpu.memory_space<vmem_shared>>
    %dma_start3A_168 = arith.constant 0 : i32
    %dma_start3A_169 = arith.constant 0 : i32
    %dma_start3A_170 = tpu.memref_slice %arg10[%dma_start3A_159, %dma_start3A_168, %dma_start3A_169] : memref<4x40x128xf32, #tpu.memory_space<vmem>> -> memref<1x40x128xf32, #tpu.memory_space<vmem>>
    %dma_start3A_171 = tpu.memref_squeeze %dma_start3A_170 : memref<1x40x128xf32, #tpu.memory_space<vmem>> -> memref<40x128xf32, #tpu.memory_space<vmem>>
    tpu.enqueue_dma source(%dma_start3A_171 : memref<40x128xf32, #tpu.memory_space<vmem>>) target(%dma_start3A_167 : memref<40x128xf32, #tpu.memory_space<vmem_shared>>) target_semaphore(%arg12 : memref<!tpu.dma_semaphore, #tpu.memory_space<semaphore_mem>>)
    %mul3A_172 = arith.constant 640 : i32
    %mul3A_173 = arith.muli %arg1, %mul3A_172 : i32
    %add3A_174 = arith.constant 400 : i32
    %add3A_175 = arith.addi %mul3A_173, %add3A_174 : i32
    %dma_start3A_176 = arith.constant 0 : i32
    %dma_start3A_177 = arith.constant 0 : i32
    %dma_start3A_178 = arith.constant 0 : i32
    %dma_start3A_179 = tpu.memref_slice %arg10[%dma_start3A_176, %dma_start3A_177, %dma_start3A_178] : memref<4x40x128xf32, #tpu.memory_space<vmem>> -> memref<1x40x128xf32, #tpu.memory_space<vmem>>
    %dma_start3A_180 = tpu.memref_squeeze %dma_start3A_179 : memref<1x40x128xf32, #tpu.memory_space<vmem>> -> memref<40x128xf32, #tpu.memory_space<vmem>>
    %dma_start3A_181 = arith.constant 0 : i32
    %dma_start3A_182 = tpu.memref_slice %arg11[%add3A_175, %dma_start3A_181] : memref<10240x128xf32, #tpu.memory_space<vmem_shared>> -> memref<40x128xf32, #tpu.memory_space<vmem_shared>>
    %dma_start3A_183 = arith.constant 0 : i32
    %dma_start3A_184 = tpu.memref_slice %arg11[%add3A_175, %dma_start3A_183] : memref<10240x128xf32, #tpu.memory_space<vmem_shared>> -> memref<40x128xf32, #tpu.memory_space<vmem_shared>>
    %dma_start3A_185 = arith.constant 0 : i32
    %dma_start3A_186 = arith.constant 0 : i32
    %dma_start3A_187 = tpu.memref_slice %arg10[%dma_start3A_176, %dma_start3A_185, %dma_start3A_186] : memref<4x40x128xf32, #tpu.memory_space<vmem>> -> memref<1x40x128xf32, #tpu.memory_space<vmem>>
    %dma_start3A_188 = tpu.memref_squeeze %dma_start3A_187 : memref<1x40x128xf32, #tpu.memory_space<vmem>> -> memref<40x128xf32, #tpu.memory_space<vmem>>
    tpu.enqueue_dma source(%dma_start3A_188 : memref<40x128xf32, #tpu.memory_space<vmem>>) target(%dma_start3A_184 : memref<40x128xf32, #tpu.memory_space<vmem_shared>>) target_semaphore(%arg12 : memref<!tpu.dma_semaphore, #tpu.memory_space<semaphore_mem>>)
    %mul3A_189 = arith.constant 640 : i32
    %mul3A_190 = arith.muli %arg1, %mul3A_189 : i32
    %add3A_191 = arith.constant 440 : i32
    %add3A_192 = arith.addi %mul3A_190, %add3A_191 : i32
    %dma_start3A_193 = arith.constant 0 : i32
    %dma_start3A_194 = arith.constant 0 : i32
    %dma_start3A_195 = arith.constant 0 : i32
    %dma_start3A_196 = tpu.memref_slice %arg10[%dma_start3A_193, %dma_start3A_194, %dma_start3A_195] : memref<4x40x128xf32, #tpu.memory_space<vmem>> -> memref<1x40x128xf32, #tpu.memory_space<vmem>>
    %dma_start3A_197 = tpu.memref_squeeze %dma_start3A_196 : memref<1x40x128xf32, #tpu.memory_space<vmem>> -> memref<40x128xf32, #tpu.memory_space<vmem>>
    %dma_start3A_198 = arith.constant 0 : i32
    %dma_start3A_199 = tpu.memref_slice %arg11[%add3A_192, %dma_start3A_198] : memref<10240x128xf32, #tpu.memory_space<vmem_shared>> -> memref<40x128xf32, #tpu.memory_space<vmem_shared>>
    %dma_start3A_200 = arith.constant 0 : i32
    %dma_start3A_201 = tpu.memref_slice %arg11[%add3A_192, %dma_start3A_200] : memref<10240x128xf32, #tpu.memory_space<vmem_shared>> -> memref<40x128xf32, #tpu.memory_space<vmem_shared>>
    %dma_start3A_202 = arith.constant 0 : i32
    %dma_start3A_203 = arith.constant 0 : i32
    %dma_start3A_204 = tpu.memref_slice %arg10[%dma_start3A_193, %dma_start3A_202, %dma_start3A_203] : memref<4x40x128xf32, #tpu.memory_space<vmem>> -> memref<1x40x128xf32, #tpu.memory_space<vmem>>
    %dma_start3A_205 = tpu.memref_squeeze %dma_start3A_204 : memref<1x40x128xf32, #tpu.memory_space<vmem>> -> memref<40x128xf32, #tpu.memory_space<vmem>>
    tpu.enqueue_dma source(%dma_start3A_205 : memref<40x128xf32, #tpu.memory_space<vmem>>) target(%dma_start3A_201 : memref<40x128xf32, #tpu.memory_space<vmem_shared>>) target_semaphore(%arg12 : memref<!tpu.dma_semaphore, #tpu.memory_space<semaphore_mem>>)
    %mul3A_206 = arith.constant 640 : i32
    %mul3A_207 = arith.muli %arg1, %mul3A_206 : i32
    %add3A_208 = arith.constant 480 : i32
    %add3A_209 = arith.addi %mul3A_207, %add3A_208 : i32
    %dma_start3A_210 = arith.constant 0 : i32
    %dma_start3A_211 = arith.constant 0 : i32
    %dma_start3A_212 = arith.constant 0 : i32
    %dma_start3A_213 = tpu.memref_slice %arg10[%dma_start3A_210, %dma_start3A_211, %dma_start3A_212] : memref<4x40x128xf32, #tpu.memory_space<vmem>> -> memref<1x40x128xf32, #tpu.memory_space<vmem>>
    %dma_start3A_214 = tpu.memref_squeeze %dma_start3A_213 : memref<1x40x128xf32, #tpu.memory_space<vmem>> -> memref<40x128xf32, #tpu.memory_space<vmem>>
    %dma_start3A_215 = arith.constant 0 : i32
    %dma_start3A_216 = tpu.memref_slice %arg11[%add3A_209, %dma_start3A_215] : memref<10240x128xf32, #tpu.memory_space<vmem_shared>> -> memref<40x128xf32, #tpu.memory_space<vmem_shared>>
    %dma_start3A_217 = arith.constant 0 : i32
    %dma_start3A_218 = tpu.memref_slice %arg11[%add3A_209, %dma_start3A_217] : memref<10240x128xf32, #tpu.memory_space<vmem_shared>> -> memref<40x128xf32, #tpu.memory_space<vmem_shared>>
    %dma_start3A_219 = arith.constant 0 : i32
    %dma_start3A_220 = arith.constant 0 : i32
    %dma_start3A_221 = tpu.memref_slice %arg10[%dma_start3A_210, %dma_start3A_219, %dma_start3A_220] : memref<4x40x128xf32, #tpu.memory_space<vmem>> -> memref<1x40x128xf32, #tpu.memory_space<vmem>>
    %dma_start3A_222 = tpu.memref_squeeze %dma_start3A_221 : memref<1x40x128xf32, #tpu.memory_space<vmem>> -> memref<40x128xf32, #tpu.memory_space<vmem>>
    tpu.enqueue_dma source(%dma_start3A_222 : memref<40x128xf32, #tpu.memory_space<vmem>>) target(%dma_start3A_218 : memref<40x128xf32, #tpu.memory_space<vmem_shared>>) target_semaphore(%arg12 : memref<!tpu.dma_semaphore, #tpu.memory_space<semaphore_mem>>)
    %mul3A_223 = arith.constant 640 : i32
    %mul3A_224 = arith.muli %arg1, %mul3A_223 : i32
    %add3A_225 = arith.constant 520 : i32
    %add3A_226 = arith.addi %mul3A_224, %add3A_225 : i32
    %dma_start3A_227 = arith.constant 0 : i32
    %dma_start3A_228 = arith.constant 0 : i32
    %dma_start3A_229 = arith.constant 0 : i32
    %dma_start3A_230 = tpu.memref_slice %arg10[%dma_start3A_227, %dma_start3A_228, %dma_start3A_229] : memref<4x40x128xf32, #tpu.memory_space<vmem>> -> memref<1x40x128xf32, #tpu.memory_space<vmem>>
    %dma_start3A_231 = tpu.memref_squeeze %dma_start3A_230 : memref<1x40x128xf32, #tpu.memory_space<vmem>> -> memref<40x128xf32, #tpu.memory_space<vmem>>
    %dma_start3A_232 = arith.constant 0 : i32
    %dma_start3A_233 = tpu.memref_slice %arg11[%add3A_226, %dma_start3A_232] : memref<10240x128xf32, #tpu.memory_space<vmem_shared>> -> memref<40x128xf32, #tpu.memory_space<vmem_shared>>
    %dma_start3A_234 = arith.constant 0 : i32
    %dma_start3A_235 = tpu.memref_slice %arg11[%add3A_226, %dma_start3A_234] : memref<10240x128xf32, #tpu.memory_space<vmem_shared>> -> memref<40x128xf32, #tpu.memory_space<vmem_shared>>
    %dma_start3A_236 = arith.constant 0 : i32
    %dma_start3A_237 = arith.constant 0 : i32
    %dma_start3A_238 = tpu.memref_slice %arg10[%dma_start3A_227, %dma_start3A_236, %dma_start3A_237] : memref<4x40x128xf32, #tpu.memory_space<vmem>> -> memref<1x40x128xf32, #tpu.memory_space<vmem>>
    %dma_start3A_239 = tpu.memref_squeeze %dma_start3A_238 : memref<1x40x128xf32, #tpu.memory_space<vmem>> -> memref<40x128xf32, #tpu.memory_space<vmem>>
    tpu.enqueue_dma source(%dma_start3A_239 : memref<40x128xf32, #tpu.memory_space<vmem>>) target(%dma_start3A_235 : memref<40x128xf32, #tpu.memory_space<vmem_shared>>) target_semaphore(%arg12 : memref<!tpu.dma_semaphore, #tpu.memory_space<semaphore_mem>>)
    %mul3A_240 = arith.constant 640 : i32
    %mul3A_241 = arith.muli %arg1, %mul3A_240 : i32
    %add3A_242 = arith.constant 560 : i32
    %add3A_243 = arith.addi %mul3A_241, %add3A_242 : i32
    %dma_start3A_244 = arith.constant 0 : i32
    %dma_start3A_245 = arith.constant 0 : i32
    %dma_start3A_246 = arith.constant 0 : i32
    %dma_start3A_247 = tpu.memref_slice %arg10[%dma_start3A_244, %dma_start3A_245, %dma_start3A_246] : memref<4x40x128xf32, #tpu.memory_space<vmem>> -> memref<1x40x128xf32, #tpu.memory_space<vmem>>
    %dma_start3A_248 = tpu.memref_squeeze %dma_start3A_247 : memref<1x40x128xf32, #tpu.memory_space<vmem>> -> memref<40x128xf32, #tpu.memory_space<vmem>>
    %dma_start3A_249 = arith.constant 0 : i32
    %dma_start3A_250 = tpu.memref_slice %arg11[%add3A_243, %dma_start3A_249] : memref<10240x128xf32, #tpu.memory_space<vmem_shared>> -> memref<40x128xf32, #tpu.memory_space<vmem_shared>>
    %dma_start3A_251 = arith.constant 0 : i32
    %dma_start3A_252 = tpu.memref_slice %arg11[%add3A_243, %dma_start3A_251] : memref<10240x128xf32, #tpu.memory_space<vmem_shared>> -> memref<40x128xf32, #tpu.memory_space<vmem_shared>>
    %dma_start3A_253 = arith.constant 0 : i32
    %dma_start3A_254 = arith.constant 0 : i32
    %dma_start3A_255 = tpu.memref_slice %arg10[%dma_start3A_244, %dma_start3A_253, %dma_start3A_254] : memref<4x40x128xf32, #tpu.memory_space<vmem>> -> memref<1x40x128xf32, #tpu.memory_space<vmem>>
    %dma_start3A_256 = tpu.memref_squeeze %dma_start3A_255 : memref<1x40x128xf32, #tpu.memory_space<vmem>> -> memref<40x128xf32, #tpu.memory_space<vmem>>
    tpu.enqueue_dma source(%dma_start3A_256 : memref<40x128xf32, #tpu.memory_space<vmem>>) target(%dma_start3A_252 : memref<40x128xf32, #tpu.memory_space<vmem_shared>>) target_semaphore(%arg12 : memref<!tpu.dma_semaphore, #tpu.memory_space<semaphore_mem>>)
    %mul3A_257 = arith.constant 640 : i32
    %mul3A_258 = arith.muli %arg1, %mul3A_257 : i32
    %add3A_259 = arith.constant 600 : i32
    %add3A_260 = arith.addi %mul3A_258, %add3A_259 : i32
    %dma_start3A_261 = arith.constant 0 : i32
    %dma_start3A_262 = arith.constant 0 : i32
    %dma_start3A_263 = arith.constant 0 : i32
    %dma_start3A_264 = tpu.memref_slice %arg10[%dma_start3A_261, %dma_start3A_262, %dma_start3A_263] : memref<4x40x128xf32, #tpu.memory_space<vmem>> -> memref<1x40x128xf32, #tpu.memory_space<vmem>>
    %dma_start3A_265 = tpu.memref_squeeze %dma_start3A_264 : memref<1x40x128xf32, #tpu.memory_space<vmem>> -> memref<40x128xf32, #tpu.memory_space<vmem>>
    %dma_start3A_266 = arith.constant 0 : i32
    %dma_start3A_267 = tpu.memref_slice %arg11[%add3A_260, %dma_start3A_266] : memref<10240x128xf32, #tpu.memory_space<vmem_shared>> -> memref<40x128xf32, #tpu.memory_space<vmem_shared>>
    %dma_start3A_268 = arith.constant 0 : i32
    %dma_start3A_269 = tpu.memref_slice %arg11[%add3A_260, %dma_start3A_268] : memref<10240x128xf32, #tpu.memory_space<vmem_shared>> -> memref<40x128xf32, #tpu.memory_space<vmem_shared>>
    %dma_start3A_270 = arith.constant 0 : i32
    %dma_start3A_271 = arith.constant 0 : i32
    %dma_start3A_272 = tpu.memref_slice %arg10[%dma_start3A_261, %dma_start3A_270, %dma_start3A_271] : memref<4x40x128xf32, #tpu.memory_space<vmem>> -> memref<1x40x128xf32, #tpu.memory_space<vmem>>
    %dma_start3A_273 = tpu.memref_squeeze %dma_start3A_272 : memref<1x40x128xf32, #tpu.memory_space<vmem>> -> memref<40x128xf32, #tpu.memory_space<vmem>>
    tpu.enqueue_dma source(%dma_start3A_273 : memref<40x128xf32, #tpu.memory_space<vmem>>) target(%dma_start3A_269 : memref<40x128xf32, #tpu.memory_space<vmem_shared>>) target_semaphore(%arg12 : memref<!tpu.dma_semaphore, #tpu.memory_space<semaphore_mem>>)
    %dma_wait3A = arith.constant 0 : i32
    %dma_wait3A_274 = arith.constant 0 : i32
    %dma_wait3A_275 = arith.constant 0 : i32
    %dma_wait3A_276 = tpu.memref_slice %arg10[%dma_wait3A, %dma_wait3A_274, %dma_wait3A_275] : memref<4x40x128xf32, #tpu.memory_space<vmem>> -> memref<1x40x128xf32, #tpu.memory_space<vmem>>
    %dma_wait3A_277 = tpu.memref_squeeze %dma_wait3A_276 : memref<1x40x128xf32, #tpu.memory_space<vmem>> -> memref<40x128xf32, #tpu.memory_space<vmem>>
    %dma_wait3A_278 = arith.constant 0 : i32
    %dma_wait3A_279 = tpu.memref_slice %arg11[%add3A_6, %dma_wait3A_278] : memref<10240x128xf32, #tpu.memory_space<vmem_shared>> -> memref<40x128xf32, #tpu.memory_space<vmem_shared>>
    %dma_wait3A_280 = arith.constant 0 : i32
    %dma_wait3A_281 = tpu.memref_slice %arg11[%add3A_6, %dma_wait3A_280] : memref<10240x128xf32, #tpu.memory_space<vmem_shared>> -> memref<40x128xf32, #tpu.memory_space<vmem_shared>>
    %dma_wait3A_282 = arith.constant 0 : i32
    %dma_wait3A_283 = arith.constant 0 : i32
    %dma_wait3A_284 = tpu.memref_slice %arg10[%dma_wait3A, %dma_wait3A_282, %dma_wait3A_283] : memref<4x40x128xf32, #tpu.memory_space<vmem>> -> memref<1x40x128xf32, #tpu.memory_space<vmem>>
    %dma_wait3A_285 = tpu.memref_squeeze %dma_wait3A_284 : memref<1x40x128xf32, #tpu.memory_space<vmem>> -> memref<40x128xf32, #tpu.memory_space<vmem>>
    tpu.wait_dma2 semaphore(%arg12 : memref<!tpu.dma_semaphore, #tpu.memory_space<semaphore_mem>>) src(%dma_wait3A_285 : memref<40x128xf32, #tpu.memory_space<vmem>>) dst(%dma_wait3A_281 : memref<40x128xf32, #tpu.memory_space<vmem_shared>>)
    %dma_wait3A_286 = arith.constant 0 : i32
    %dma_wait3A_287 = arith.constant 0 : i32
    %dma_wait3A_288 = arith.constant 0 : i32
    %dma_wait3A_289 = tpu.memref_slice %arg10[%dma_wait3A_286, %dma_wait3A_287, %dma_wait3A_288] : memref<4x40x128xf32, #tpu.memory_space<vmem>> -> memref<1x40x128xf32, #tpu.memory_space<vmem>>
    %dma_wait3A_290 = tpu.memref_squeeze %dma_wait3A_289 : memref<1x40x128xf32, #tpu.memory_space<vmem>> -> memref<40x128xf32, #tpu.memory_space<vmem>>
    %dma_wait3A_291 = arith.constant 0 : i32
    %dma_wait3A_292 = tpu.memref_slice %arg11[%add3A_22, %dma_wait3A_291] : memref<10240x128xf32, #tpu.memory_space<vmem_shared>> -> memref<40x128xf32, #tpu.memory_space<vmem_shared>>
    %dma_wait3A_293 = arith.constant 0 : i32
    %dma_wait3A_294 = tpu.memref_slice %arg11[%add3A_22, %dma_wait3A_293] : memref<10240x128xf32, #tpu.memory_space<vmem_shared>> -> memref<40x128xf32, #tpu.memory_space<vmem_shared>>
    %dma_wait3A_295 = arith.constant 0 : i32
    %dma_wait3A_296 = arith.constant 0 : i32
    %dma_wait3A_297 = tpu.memref_slice %arg10[%dma_wait3A_286, %dma_wait3A_295, %dma_wait3A_296] : memref<4x40x128xf32, #tpu.memory_space<vmem>> -> memref<1x40x128xf32, #tpu.memory_space<vmem>>
    %dma_wait3A_298 = tpu.memref_squeeze %dma_wait3A_297 : memref<1x40x128xf32, #tpu.memory_space<vmem>> -> memref<40x128xf32, #tpu.memory_space<vmem>>
    tpu.wait_dma2 semaphore(%arg12 : memref<!tpu.dma_semaphore, #tpu.memory_space<semaphore_mem>>) src(%dma_wait3A_298 : memref<40x128xf32, #tpu.memory_space<vmem>>) dst(%dma_wait3A_294 : memref<40x128xf32, #tpu.memory_space<vmem_shared>>)
    %dma_wait3A_299 = arith.constant 0 : i32
    %dma_wait3A_300 = arith.constant 0 : i32
    %dma_wait3A_301 = arith.constant 0 : i32
    %dma_wait3A_302 = tpu.memref_slice %arg10[%dma_wait3A_299, %dma_wait3A_300, %dma_wait3A_301] : memref<4x40x128xf32, #tpu.memory_space<vmem>> -> memref<1x40x128xf32, #tpu.memory_space<vmem>>
    %dma_wait3A_303 = tpu.memref_squeeze %dma_wait3A_302 : memref<1x40x128xf32, #tpu.memory_space<vmem>> -> memref<40x128xf32, #tpu.memory_space<vmem>>
    %dma_wait3A_304 = arith.constant 0 : i32
    %dma_wait3A_305 = tpu.memref_slice %arg11[%add3A_39, %dma_wait3A_304] : memref<10240x128xf32, #tpu.memory_space<vmem_shared>> -> memref<40x128xf32, #tpu.memory_space<vmem_shared>>
    %dma_wait3A_306 = arith.constant 0 : i32
    %dma_wait3A_307 = tpu.memref_slice %arg11[%add3A_39, %dma_wait3A_306] : memref<10240x128xf32, #tpu.memory_space<vmem_shared>> -> memref<40x128xf32, #tpu.memory_space<vmem_shared>>
    %dma_wait3A_308 = arith.constant 0 : i32
    %dma_wait3A_309 = arith.constant 0 : i32
    %dma_wait3A_310 = tpu.memref_slice %arg10[%dma_wait3A_299, %dma_wait3A_308, %dma_wait3A_309] : memref<4x40x128xf32, #tpu.memory_space<vmem>> -> memref<1x40x128xf32, #tpu.memory_space<vmem>>
    %dma_wait3A_311 = tpu.memref_squeeze %dma_wait3A_310 : memref<1x40x128xf32, #tpu.memory_space<vmem>> -> memref<40x128xf32, #tpu.memory_space<vmem>>
    tpu.wait_dma2 semaphore(%arg12 : memref<!tpu.dma_semaphore, #tpu.memory_space<semaphore_mem>>) src(%dma_wait3A_311 : memref<40x128xf32, #tpu.memory_space<vmem>>) dst(%dma_wait3A_307 : memref<40x128xf32, #tpu.memory_space<vmem_shared>>)
    %dma_wait3A_312 = arith.constant 0 : i32
    %dma_wait3A_313 = arith.constant 0 : i32
    %dma_wait3A_314 = arith.constant 0 : i32
    %dma_wait3A_315 = tpu.memref_slice %arg10[%dma_wait3A_312, %dma_wait3A_313, %dma_wait3A_314] : memref<4x40x128xf32, #tpu.memory_space<vmem>> -> memref<1x40x128xf32, #tpu.memory_space<vmem>>
    %dma_wait3A_316 = tpu.memref_squeeze %dma_wait3A_315 : memref<1x40x128xf32, #tpu.memory_space<vmem>> -> memref<40x128xf32, #tpu.memory_space<vmem>>
    %dma_wait3A_317 = arith.constant 0 : i32
    %dma_wait3A_318 = tpu.memref_slice %arg11[%add3A_56, %dma_wait3A_317] : memref<10240x128xf32, #tpu.memory_space<vmem_shared>> -> memref<40x128xf32, #tpu.memory_space<vmem_shared>>
    %dma_wait3A_319 = arith.constant 0 : i32
    %dma_wait3A_320 = tpu.memref_slice %arg11[%add3A_56, %dma_wait3A_319] : memref<10240x128xf32, #tpu.memory_space<vmem_shared>> -> memref<40x128xf32, #tpu.memory_space<vmem_shared>>
    %dma_wait3A_321 = arith.constant 0 : i32
    %dma_wait3A_322 = arith.constant 0 : i32
    %dma_wait3A_323 = tpu.memref_slice %arg10[%dma_wait3A_312, %dma_wait3A_321, %dma_wait3A_322] : memref<4x40x128xf32, #tpu.memory_space<vmem>> -> memref<1x40x128xf32, #tpu.memory_space<vmem>>
    %dma_wait3A_324 = tpu.memref_squeeze %dma_wait3A_323 : memref<1x40x128xf32, #tpu.memory_space<vmem>> -> memref<40x128xf32, #tpu.memory_space<vmem>>
    tpu.wait_dma2 semaphore(%arg12 : memref<!tpu.dma_semaphore, #tpu.memory_space<semaphore_mem>>) src(%dma_wait3A_324 : memref<40x128xf32, #tpu.memory_space<vmem>>) dst(%dma_wait3A_320 : memref<40x128xf32, #tpu.memory_space<vmem_shared>>)
    %dma_wait3A_325 = arith.constant 0 : i32
    %dma_wait3A_326 = arith.constant 0 : i32
    %dma_wait3A_327 = arith.constant 0 : i32
    %dma_wait3A_328 = tpu.memref_slice %arg10[%dma_wait3A_325, %dma_wait3A_326, %dma_wait3A_327] : memref<4x40x128xf32, #tpu.memory_space<vmem>> -> memref<1x40x128xf32, #tpu.memory_space<vmem>>
    %dma_wait3A_329 = tpu.memref_squeeze %dma_wait3A_328 : memref<1x40x128xf32, #tpu.memory_space<vmem>> -> memref<40x128xf32, #tpu.memory_space<vmem>>
    %dma_wait3A_330 = arith.constant 0 : i32
    %dma_wait3A_331 = tpu.memref_slice %arg11[%add3A_73, %dma_wait3A_330] : memref<10240x128xf32, #tpu.memory_space<vmem_shared>> -> memref<40x128xf32, #tpu.memory_space<vmem_shared>>
    %dma_wait3A_332 = arith.constant 0 : i32
    %dma_wait3A_333 = tpu.memref_slice %arg11[%add3A_73, %dma_wait3A_332] : memref<10240x128xf32, #tpu.memory_space<vmem_shared>> -> memref<40x128xf32, #tpu.memory_space<vmem_shared>>
    %dma_wait3A_334 = arith.constant 0 : i32
    %dma_wait3A_335 = arith.constant 0 : i32
    %dma_wait3A_336 = tpu.memref_slice %arg10[%dma_wait3A_325, %dma_wait3A_334, %dma_wait3A_335] : memref<4x40x128xf32, #tpu.memory_space<vmem>> -> memref<1x40x128xf32, #tpu.memory_space<vmem>>
    %dma_wait3A_337 = tpu.memref_squeeze %dma_wait3A_336 : memref<1x40x128xf32, #tpu.memory_space<vmem>> -> memref<40x128xf32, #tpu.memory_space<vmem>>
    tpu.wait_dma2 semaphore(%arg12 : memref<!tpu.dma_semaphore, #tpu.memory_space<semaphore_mem>>) src(%dma_wait3A_337 : memref<40x128xf32, #tpu.memory_space<vmem>>) dst(%dma_wait3A_333 : memref<40x128xf32, #tpu.memory_space<vmem_shared>>)
    %dma_wait3A_338 = arith.constant 0 : i32
    %dma_wait3A_339 = arith.constant 0 : i32
    %dma_wait3A_340 = arith.constant 0 : i32
    %dma_wait3A_341 = tpu.memref_slice %arg10[%dma_wait3A_338, %dma_wait3A_339, %dma_wait3A_340] : memref<4x40x128xf32, #tpu.memory_space<vmem>> -> memref<1x40x128xf32, #tpu.memory_space<vmem>>
    %dma_wait3A_342 = tpu.memref_squeeze %dma_wait3A_341 : memref<1x40x128xf32, #tpu.memory_space<vmem>> -> memref<40x128xf32, #tpu.memory_space<vmem>>
    %dma_wait3A_343 = arith.constant 0 : i32
    %dma_wait3A_344 = tpu.memref_slice %arg11[%add3A_90, %dma_wait3A_343] : memref<10240x128xf32, #tpu.memory_space<vmem_shared>> -> memref<40x128xf32, #tpu.memory_space<vmem_shared>>
    %dma_wait3A_345 = arith.constant 0 : i32
    %dma_wait3A_346 = tpu.memref_slice %arg11[%add3A_90, %dma_wait3A_345] : memref<10240x128xf32, #tpu.memory_space<vmem_shared>> -> memref<40x128xf32, #tpu.memory_space<vmem_shared>>
    %dma_wait3A_347 = arith.constant 0 : i32
    %dma_wait3A_348 = arith.constant 0 : i32
    %dma_wait3A_349 = tpu.memref_slice %arg10[%dma_wait3A_338, %dma_wait3A_347, %dma_wait3A_348] : memref<4x40x128xf32, #tpu.memory_space<vmem>> -> memref<1x40x128xf32, #tpu.memory_space<vmem>>
    %dma_wait3A_350 = tpu.memref_squeeze %dma_wait3A_349 : memref<1x40x128xf32, #tpu.memory_space<vmem>> -> memref<40x128xf32, #tpu.memory_space<vmem>>
    tpu.wait_dma2 semaphore(%arg12 : memref<!tpu.dma_semaphore, #tpu.memory_space<semaphore_mem>>) src(%dma_wait3A_350 : memref<40x128xf32, #tpu.memory_space<vmem>>) dst(%dma_wait3A_346 : memref<40x128xf32, #tpu.memory_space<vmem_shared>>)
    %dma_wait3A_351 = arith.constant 0 : i32
    %dma_wait3A_352 = arith.constant 0 : i32
    %dma_wait3A_353 = arith.constant 0 : i32
    %dma_wait3A_354 = tpu.memref_slice %arg10[%dma_wait3A_351, %dma_wait3A_352, %dma_wait3A_353] : memref<4x40x128xf32, #tpu.memory_space<vmem>> -> memref<1x40x128xf32, #tpu.memory_space<vmem>>
    %dma_wait3A_355 = tpu.memref_squeeze %dma_wait3A_354 : memref<1x40x128xf32, #tpu.memory_space<vmem>> -> memref<40x128xf32, #tpu.memory_space<vmem>>
    %dma_wait3A_356 = arith.constant 0 : i32
    %dma_wait3A_357 = tpu.memref_slice %arg11[%add3A_107, %dma_wait3A_356] : memref<10240x128xf32, #tpu.memory_space<vmem_shared>> -> memref<40x128xf32, #tpu.memory_space<vmem_shared>>
    %dma_wait3A_358 = arith.constant 0 : i32
    %dma_wait3A_359 = tpu.memref_slice %arg11[%add3A_107, %dma_wait3A_358] : memref<10240x128xf32, #tpu.memory_space<vmem_shared>> -> memref<40x128xf32, #tpu.memory_space<vmem_shared>>
    %dma_wait3A_360 = arith.constant 0 : i32
    %dma_wait3A_361 = arith.constant 0 : i32
    %dma_wait3A_362 = tpu.memref_slice %arg10[%dma_wait3A_351, %dma_wait3A_360, %dma_wait3A_361] : memref<4x40x128xf32, #tpu.memory_space<vmem>> -> memref<1x40x128xf32, #tpu.memory_space<vmem>>
    %dma_wait3A_363 = tpu.memref_squeeze %dma_wait3A_362 : memref<1x40x128xf32, #tpu.memory_space<vmem>> -> memref<40x128xf32, #tpu.memory_space<vmem>>
    tpu.wait_dma2 semaphore(%arg12 : memref<!tpu.dma_semaphore, #tpu.memory_space<semaphore_mem>>) src(%dma_wait3A_363 : memref<40x128xf32, #tpu.memory_space<vmem>>) dst(%dma_wait3A_359 : memref<40x128xf32, #tpu.memory_space<vmem_shared>>)
    %dma_wait3A_364 = arith.constant 0 : i32
    %dma_wait3A_365 = arith.constant 0 : i32
    %dma_wait3A_366 = arith.constant 0 : i32
    %dma_wait3A_367 = tpu.memref_slice %arg10[%dma_wait3A_364, %dma_wait3A_365, %dma_wait3A_366] : memref<4x40x128xf32, #tpu.memory_space<vmem>> -> memref<1x40x128xf32, #tpu.memory_space<vmem>>
    %dma_wait3A_368 = tpu.memref_squeeze %dma_wait3A_367 : memref<1x40x128xf32, #tpu.memory_space<vmem>> -> memref<40x128xf32, #tpu.memory_space<vmem>>
    %dma_wait3A_369 = arith.constant 0 : i32
    %dma_wait3A_370 = tpu.memref_slice %arg11[%add3A_124, %dma_wait3A_369] : memref<10240x128xf32, #tpu.memory_space<vmem_shared>> -> memref<40x128xf32, #tpu.memory_space<vmem_shared>>
    %dma_wait3A_371 = arith.constant 0 : i32
    %dma_wait3A_372 = tpu.memref_slice %arg11[%add3A_124, %dma_wait3A_371] : memref<10240x128xf32, #tpu.memory_space<vmem_shared>> -> memref<40x128xf32, #tpu.memory_space<vmem_shared>>
    %dma_wait3A_373 = arith.constant 0 : i32
    %dma_wait3A_374 = arith.constant 0 : i32
    %dma_wait3A_375 = tpu.memref_slice %arg10[%dma_wait3A_364, %dma_wait3A_373, %dma_wait3A_374] : memref<4x40x128xf32, #tpu.memory_space<vmem>> -> memref<1x40x128xf32, #tpu.memory_space<vmem>>
    %dma_wait3A_376 = tpu.memref_squeeze %dma_wait3A_375 : memref<1x40x128xf32, #tpu.memory_space<vmem>> -> memref<40x128xf32, #tpu.memory_space<vmem>>
    tpu.wait_dma2 semaphore(%arg12 : memref<!tpu.dma_semaphore, #tpu.memory_space<semaphore_mem>>) src(%dma_wait3A_376 : memref<40x128xf32, #tpu.memory_space<vmem>>) dst(%dma_wait3A_372 : memref<40x128xf32, #tpu.memory_space<vmem_shared>>)
    %dma_wait3A_377 = arith.constant 0 : i32
    %dma_wait3A_378 = arith.constant 0 : i32
    %dma_wait3A_379 = arith.constant 0 : i32
    %dma_wait3A_380 = tpu.memref_slice %arg10[%dma_wait3A_377, %dma_wait3A_378, %dma_wait3A_379] : memref<4x40x128xf32, #tpu.memory_space<vmem>> -> memref<1x40x128xf32, #tpu.memory_space<vmem>>
    %dma_wait3A_381 = tpu.memref_squeeze %dma_wait3A_380 : memref<1x40x128xf32, #tpu.memory_space<vmem>> -> memref<40x128xf32, #tpu.memory_space<vmem>>
    %dma_wait3A_382 = arith.constant 0 : i32
    %dma_wait3A_383 = tpu.memref_slice %arg11[%add3A_141, %dma_wait3A_382] : memref<10240x128xf32, #tpu.memory_space<vmem_shared>> -> memref<40x128xf32, #tpu.memory_space<vmem_shared>>
    %dma_wait3A_384 = arith.constant 0 : i32
    %dma_wait3A_385 = tpu.memref_slice %arg11[%add3A_141, %dma_wait3A_384] : memref<10240x128xf32, #tpu.memory_space<vmem_shared>> -> memref<40x128xf32, #tpu.memory_space<vmem_shared>>
    %dma_wait3A_386 = arith.constant 0 : i32
    %dma_wait3A_387 = arith.constant 0 : i32
    %dma_wait3A_388 = tpu.memref_slice %arg10[%dma_wait3A_377, %dma_wait3A_386, %dma_wait3A_387] : memref<4x40x128xf32, #tpu.memory_space<vmem>> -> memref<1x40x128xf32, #tpu.memory_space<vmem>>
    %dma_wait3A_389 = tpu.memref_squeeze %dma_wait3A_388 : memref<1x40x128xf32, #tpu.memory_space<vmem>> -> memref<40x128xf32, #tpu.memory_space<vmem>>
    tpu.wait_dma2 semaphore(%arg12 : memref<!tpu.dma_semaphore, #tpu.memory_space<semaphore_mem>>) src(%dma_wait3A_389 : memref<40x128xf32, #tpu.memory_space<vmem>>) dst(%dma_wait3A_385 : memref<40x128xf32, #tpu.memory_space<vmem_shared>>)
    %dma_wait3A_390 = arith.constant 0 : i32
    %dma_wait3A_391 = arith.constant 0 : i32
    %dma_wait3A_392 = arith.constant 0 : i32
    %dma_wait3A_393 = tpu.memref_slice %arg10[%dma_wait3A_390, %dma_wait3A_391, %dma_wait3A_392] : memref<4x40x128xf32, #tpu.memory_space<vmem>> -> memref<1x40x128xf32, #tpu.memory_space<vmem>>
    %dma_wait3A_394 = tpu.memref_squeeze %dma_wait3A_393 : memref<1x40x128xf32, #tpu.memory_space<vmem>> -> memref<40x128xf32, #tpu.memory_space<vmem>>
    %dma_wait3A_395 = arith.constant 0 : i32
    %dma_wait3A_396 = tpu.memref_slice %arg11[%add3A_158, %dma_wait3A_395] : memref<10240x128xf32, #tpu.memory_space<vmem_shared>> -> memref<40x128xf32, #tpu.memory_space<vmem_shared>>
    %dma_wait3A_397 = arith.constant 0 : i32
    %dma_wait3A_398 = tpu.memref_slice %arg11[%add3A_158, %dma_wait3A_397] : memref<10240x128xf32, #tpu.memory_space<vmem_shared>> -> memref<40x128xf32, #tpu.memory_space<vmem_shared>>
    %dma_wait3A_399 = arith.constant 0 : i32
    %dma_wait3A_400 = arith.constant 0 : i32
    %dma_wait3A_401 = tpu.memref_slice %arg10[%dma_wait3A_390, %dma_wait3A_399, %dma_wait3A_400] : memref<4x40x128xf32, #tpu.memory_space<vmem>> -> memref<1x40x128xf32, #tpu.memory_space<vmem>>
    %dma_wait3A_402 = tpu.memref_squeeze %dma_wait3A_401 : memref<1x40x128xf32, #tpu.memory_space<vmem>> -> memref<40x128xf32, #tpu.memory_space<vmem>>
    tpu.wait_dma2 semaphore(%arg12 : memref<!tpu.dma_semaphore, #tpu.memory_space<semaphore_mem>>) src(%dma_wait3A_402 : memref<40x128xf32, #tpu.memory_space<vmem>>) dst(%dma_wait3A_398 : memref<40x128xf32, #tpu.memory_space<vmem_shared>>)
    %dma_wait3A_403 = arith.constant 0 : i32
    %dma_wait3A_404 = arith.constant 0 : i32
    %dma_wait3A_405 = arith.constant 0 : i32
    %dma_wait3A_406 = tpu.memref_slice %arg10[%dma_wait3A_403, %dma_wait3A_404, %dma_wait3A_405] : memref<4x40x128xf32, #tpu.memory_space<vmem>> -> memref<1x40x128xf32, #tpu.memory_space<vmem>>
    %dma_wait3A_407 = tpu.memref_squeeze %dma_wait3A_406 : memref<1x40x128xf32, #tpu.memory_space<vmem>> -> memref<40x128xf32, #tpu.memory_space<vmem>>
    %dma_wait3A_408 = arith.constant 0 : i32
    %dma_wait3A_409 = tpu.memref_slice %arg11[%add3A_175, %dma_wait3A_408] : memref<10240x128xf32, #tpu.memory_space<vmem_shared>> -> memref<40x128xf32, #tpu.memory_space<vmem_shared>>
    %dma_wait3A_410 = arith.constant 0 : i32
    %dma_wait3A_411 = tpu.memref_slice %arg11[%add3A_175, %dma_wait3A_410] : memref<10240x128xf32, #tpu.memory_space<vmem_shared>> -> memref<40x128xf32, #tpu.memory_space<vmem_shared>>
    %dma_wait3A_412 = arith.constant 0 : i32
    %dma_wait3A_413 = arith.constant 0 : i32
    %dma_wait3A_414 = tpu.memref_slice %arg10[%dma_wait3A_403, %dma_wait3A_412, %dma_wait3A_413] : memref<4x40x128xf32, #tpu.memory_space<vmem>> -> memref<1x40x128xf32, #tpu.memory_space<vmem>>
    %dma_wait3A_415 = tpu.memref_squeeze %dma_wait3A_414 : memref<1x40x128xf32, #tpu.memory_space<vmem>> -> memref<40x128xf32, #tpu.memory_space<vmem>>
    tpu.wait_dma2 semaphore(%arg12 : memref<!tpu.dma_semaphore, #tpu.memory_space<semaphore_mem>>) src(%dma_wait3A_415 : memref<40x128xf32, #tpu.memory_space<vmem>>) dst(%dma_wait3A_411 : memref<40x128xf32, #tpu.memory_space<vmem_shared>>)
    %dma_wait3A_416 = arith.constant 0 : i32
    %dma_wait3A_417 = arith.constant 0 : i32
    %dma_wait3A_418 = arith.constant 0 : i32
    %dma_wait3A_419 = tpu.memref_slice %arg10[%dma_wait3A_416, %dma_wait3A_417, %dma_wait3A_418] : memref<4x40x128xf32, #tpu.memory_space<vmem>> -> memref<1x40x128xf32, #tpu.memory_space<vmem>>
    %dma_wait3A_420 = tpu.memref_squeeze %dma_wait3A_419 : memref<1x40x128xf32, #tpu.memory_space<vmem>> -> memref<40x128xf32, #tpu.memory_space<vmem>>
    %dma_wait3A_421 = arith.constant 0 : i32
    %dma_wait3A_422 = tpu.memref_slice %arg11[%add3A_192, %dma_wait3A_421] : memref<10240x128xf32, #tpu.memory_space<vmem_shared>> -> memref<40x128xf32, #tpu.memory_space<vmem_shared>>
    %dma_wait3A_423 = arith.constant 0 : i32
    %dma_wait3A_424 = tpu.memref_slice %arg11[%add3A_192, %dma_wait3A_423] : memref<10240x128xf32, #tpu.memory_space<vmem_shared>> -> memref<40x128xf32, #tpu.memory_space<vmem_shared>>
    %dma_wait3A_425 = arith.constant 0 : i32
    %dma_wait3A_426 = arith.constant 0 : i32
    %dma_wait3A_427 = tpu.memref_slice %arg10[%dma_wait3A_416, %dma_wait3A_425, %dma_wait3A_426] : memref<4x40x128xf32, #tpu.memory_space<vmem>> -> memref<1x40x128xf32, #tpu.memory_space<vmem>>
    %dma_wait3A_428 = tpu.memref_squeeze %dma_wait3A_427 : memref<1x40x128xf32, #tpu.memory_space<vmem>> -> memref<40x128xf32, #tpu.memory_space<vmem>>
    tpu.wait_dma2 semaphore(%arg12 : memref<!tpu.dma_semaphore, #tpu.memory_space<semaphore_mem>>) src(%dma_wait3A_428 : memref<40x128xf32, #tpu.memory_space<vmem>>) dst(%dma_wait3A_424 : memref<40x128xf32, #tpu.memory_space<vmem_shared>>)
    %dma_wait3A_429 = arith.constant 0 : i32
    %dma_wait3A_430 = arith.constant 0 : i32
    %dma_wait3A_431 = arith.constant 0 : i32
    %dma_wait3A_432 = tpu.memref_slice %arg10[%dma_wait3A_429, %dma_wait3A_430, %dma_wait3A_431] : memref<4x40x128xf32, #tpu.memory_space<vmem>> -> memref<1x40x128xf32, #tpu.memory_space<vmem>>
    %dma_wait3A_433 = tpu.memref_squeeze %dma_wait3A_432 : memref<1x40x128xf32, #tpu.memory_space<vmem>> -> memref<40x128xf32, #tpu.memory_space<vmem>>
    %dma_wait3A_434 = arith.constant 0 : i32
    %dma_wait3A_435 = tpu.memref_slice %arg11[%add3A_209, %dma_wait3A_434] : memref<10240x128xf32, #tpu.memory_space<vmem_shared>> -> memref<40x128xf32, #tpu.memory_space<vmem_shared>>
    %dma_wait3A_436 = arith.constant 0 : i32
    %dma_wait3A_437 = tpu.memref_slice %arg11[%add3A_209, %dma_wait3A_436] : memref<10240x128xf32, #tpu.memory_space<vmem_shared>> -> memref<40x128xf32, #tpu.memory_space<vmem_shared>>
    %dma_wait3A_438 = arith.constant 0 : i32
    %dma_wait3A_439 = arith.constant 0 : i32
    %dma_wait3A_440 = tpu.memref_slice %arg10[%dma_wait3A_429, %dma_wait3A_438, %dma_wait3A_439] : memref<4x40x128xf32, #tpu.memory_space<vmem>> -> memref<1x40x128xf32, #tpu.memory_space<vmem>>
    %dma_wait3A_441 = tpu.memref_squeeze %dma_wait3A_440 : memref<1x40x128xf32, #tpu.memory_space<vmem>> -> memref<40x128xf32, #tpu.memory_space<vmem>>
    tpu.wait_dma2 semaphore(%arg12 : memref<!tpu.dma_semaphore, #tpu.memory_space<semaphore_mem>>) src(%dma_wait3A_441 : memref<40x128xf32, #tpu.memory_space<vmem>>) dst(%dma_wait3A_437 : memref<40x128xf32, #tpu.memory_space<vmem_shared>>)
    %dma_wait3A_442 = arith.constant 0 : i32
    %dma_wait3A_443 = arith.constant 0 : i32
    %dma_wait3A_444 = arith.constant 0 : i32
    %dma_wait3A_445 = tpu.memref_slice %arg10[%dma_wait3A_442, %dma_wait3A_443, %dma_wait3A_444] : memref<4x40x128xf32, #tpu.memory_space<vmem>> -> memref<1x40x128xf32, #tpu.memory_space<vmem>>
    %dma_wait3A_446 = tpu.memref_squeeze %dma_wait3A_445 : memref<1x40x128xf32, #tpu.memory_space<vmem>> -> memref<40x128xf32, #tpu.memory_space<vmem>>
    %dma_wait3A_447 = arith.constant 0 : i32
    %dma_wait3A_448 = tpu.memref_slice %arg11[%add3A_226, %dma_wait3A_447] : memref<10240x128xf32, #tpu.memory_space<vmem_shared>> -> memref<40x128xf32, #tpu.memory_space<vmem_shared>>
    %dma_wait3A_449 = arith.constant 0 : i32
    %dma_wait3A_450 = tpu.memref_slice %arg11[%add3A_226, %dma_wait3A_449] : memref<10240x128xf32, #tpu.memory_space<vmem_shared>> -> memref<40x128xf32, #tpu.memory_space<vmem_shared>>
    %dma_wait3A_451 = arith.constant 0 : i32
    %dma_wait3A_452 = arith.constant 0 : i32
    %dma_wait3A_453 = tpu.memref_slice %arg10[%dma_wait3A_442, %dma_wait3A_451, %dma_wait3A_452] : memref<4x40x128xf32, #tpu.memory_space<vmem>> -> memref<1x40x128xf32, #tpu.memory_space<vmem>>
    %dma_wait3A_454 = tpu.memref_squeeze %dma_wait3A_453 : memref<1x40x128xf32, #tpu.memory_space<vmem>> -> memref<40x128xf32, #tpu.memory_space<vmem>>
    tpu.wait_dma2 semaphore(%arg12 : memref<!tpu.dma_semaphore, #tpu.memory_space<semaphore_mem>>) src(%dma_wait3A_454 : memref<40x128xf32, #tpu.memory_space<vmem>>) dst(%dma_wait3A_450 : memref<40x128xf32, #tpu.memory_space<vmem_shared>>)
    %dma_wait3A_455 = arith.constant 0 : i32
    %dma_wait3A_456 = arith.constant 0 : i32
    %dma_wait3A_457 = arith.constant 0 : i32
    %dma_wait3A_458 = tpu.memref_slice %arg10[%dma_wait3A_455, %dma_wait3A_456, %dma_wait3A_457] : memref<4x40x128xf32, #tpu.memory_space<vmem>> -> memref<1x40x128xf32, #tpu.memory_space<vmem>>
    %dma_wait3A_459 = tpu.memref_squeeze %dma_wait3A_458 : memref<1x40x128xf32, #tpu.memory_space<vmem>> -> memref<40x128xf32, #tpu.memory_space<vmem>>
    %dma_wait3A_460 = arith.constant 0 : i32
    %dma_wait3A_461 = tpu.memref_slice %arg11[%add3A_243, %dma_wait3A_460] : memref<10240x128xf32, #tpu.memory_space<vmem_shared>> -> memref<40x128xf32, #tpu.memory_space<vmem_shared>>
    %dma_wait3A_462 = arith.constant 0 : i32
    %dma_wait3A_463 = tpu.memref_slice %arg11[%add3A_243, %dma_wait3A_462] : memref<10240x128xf32, #tpu.memory_space<vmem_shared>> -> memref<40x128xf32, #tpu.memory_space<vmem_shared>>
    %dma_wait3A_464 = arith.constant 0 : i32
    %dma_wait3A_465 = arith.constant 0 : i32
    %dma_wait3A_466 = tpu.memref_slice %arg10[%dma_wait3A_455, %dma_wait3A_464, %dma_wait3A_465] : memref<4x40x128xf32, #tpu.memory_space<vmem>> -> memref<1x40x128xf32, #tpu.memory_space<vmem>>
    %dma_wait3A_467 = tpu.memref_squeeze %dma_wait3A_466 : memref<1x40x128xf32, #tpu.memory_space<vmem>> -> memref<40x128xf32, #tpu.memory_space<vmem>>
    tpu.wait_dma2 semaphore(%arg12 : memref<!tpu.dma_semaphore, #tpu.memory_space<semaphore_mem>>) src(%dma_wait3A_467 : memref<40x128xf32, #tpu.memory_space<vmem>>) dst(%dma_wait3A_463 : memref<40x128xf32, #tpu.memory_space<vmem_shared>>)
    %dma_wait3A_468 = arith.constant 0 : i32
    %dma_wait3A_469 = arith.constant 0 : i32
    %dma_wait3A_470 = arith.constant 0 : i32
    %dma_wait3A_471 = tpu.memref_slice %arg10[%dma_wait3A_468, %dma_wait3A_469, %dma_wait3A_470] : memref<4x40x128xf32, #tpu.memory_space<vmem>> -> memref<1x40x128xf32, #tpu.memory_space<vmem>>
    %dma_wait3A_472 = tpu.memref_squeeze %dma_wait3A_471 : memref<1x40x128xf32, #tpu.memory_space<vmem>> -> memref<40x128xf32, #tpu.memory_space<vmem>>
    %dma_wait3A_473 = arith.constant 0 : i32
    %dma_wait3A_474 = tpu.memref_slice %arg11[%add3A_260, %dma_wait3A_473] : memref<10240x128xf32, #tpu.memory_space<vmem_shared>> -> memref<40x128xf32, #tpu.memory_space<vmem_shared>>
    %dma_wait3A_475 = arith.constant 0 : i32
    %dma_wait3A_476 = tpu.memref_slice %arg11[%add3A_260, %dma_wait3A_475] : memref<10240x128xf32, #tpu.memory_space<vmem_shared>> -> memref<40x128xf32, #tpu.memory_space<vmem_shared>>
    %dma_wait3A_477 = arith.constant 0 : i32
    %dma_wait3A_478 = arith.constant 0 : i32
    %dma_wait3A_479 = tpu.memref_slice %arg10[%dma_wait3A_468, %dma_wait3A_477, %dma_wait3A_478] : memref<4x40x128xf32, #tpu.memory_space<vmem>> -> memref<1x40x128xf32, #tpu.memory_space<vmem>>
    %dma_wait3A_480 = tpu.memref_squeeze %dma_wait3A_479 : memref<1x40x128xf32, #tpu.memory_space<vmem>> -> memref<40x128xf32, #tpu.memory_space<vmem>>
    tpu.wait_dma2 semaphore(%arg12 : memref<!tpu.dma_semaphore, #tpu.memory_space<semaphore_mem>>) src(%dma_wait3A_480 : memref<40x128xf32, #tpu.memory_space<vmem>>) dst(%dma_wait3A_476 : memref<40x128xf32, #tpu.memory_space<vmem_shared>>)
    %barrier3A = arith.constant 0 : index
    tpu.barrier barrier_id(%barrier3A)
    %eq3A = arith.constant 0 : i32
    %eq3A_481 = arith.cmpi eq, %arg0, %eq3A : i32
    %convert_element_type3A = arith.extui %eq3A_481 : i1 to i32
    %cond3A = arith.constant 0 : i32
    %cond3A_482 = arith.cmpi ne, %convert_element_type3A, %cond3A : i32
    scf.if %cond3A_482 {
      %scan3A_499 = arith.constant 0 : i32
      %scan3A_500 = arith.constant 0 : i32
      %scan3A_501 = arith.constant 5 : i32
      %scan3A_502 = arith.addi %scan3A_500, %scan3A_501 : i32
      %scan3A_503 = arith.constant 1 : i32
      scf.for %scan3A_505 = %scan3A_500 to %scan3A_502 step %scan3A_503  : i32 {
        "tpu.region"() ({
          %run_scoped3A = tpu.sem_alloc : memref<!tpu.dma_semaphore, #tpu.memory_space<semaphore_mem>>
          %dma_start3A_572 = arith.constant 0 : i32
          %dma_start3A_573 = arith.constant 0 : i32
          %dma_start3A_574 = tpu.memref_slice %arg4[%arg1, %scan3A_505, %dma_start3A_572, %dma_start3A_573] : memref<16x5x100x40xi32, #tpu.memory_space<hbm>> -> memref<1x1x100x40xi32, #tpu.memory_space<hbm>>
          %dma_start3A_575 = tpu.memref_squeeze %dma_start3A_574 : memref<1x1x100x40xi32, #tpu.memory_space<hbm>> -> memref<100x40xi32, #tpu.memory_space<hbm>>
          %dma_start3A_576 = arith.constant 0 : i32
          %dma_start3A_577 = arith.constant 0 : i32
          %dma_start3A_578 = tpu.memref_slice %arg4[%arg1, %scan3A_505, %dma_start3A_576, %dma_start3A_577] : memref<16x5x100x40xi32, #tpu.memory_space<hbm>> -> memref<1x1x100x40xi32, #tpu.memory_space<hbm>>
          %dma_start3A_579 = tpu.memref_squeeze %dma_start3A_578 : memref<1x1x100x40xi32, #tpu.memory_space<hbm>> -> memref<100x40xi32, #tpu.memory_space<hbm>>
          tpu.enqueue_dma source(%dma_start3A_579 : memref<100x40xi32, #tpu.memory_space<hbm>>) target(%arg8 : memref<100x40xi32, #tpu.memory_space<vmem>>) target_semaphore(%run_scoped3A : memref<!tpu.dma_semaphore, #tpu.memory_space<semaphore_mem>>)
          %dma_wait3A_580 = arith.constant 0 : i32
          %dma_wait3A_581 = arith.constant 0 : i32
          %dma_wait3A_582 = tpu.memref_slice %arg4[%arg1, %scan3A_505, %dma_wait3A_580, %dma_wait3A_581] : memref<16x5x100x40xi32, #tpu.memory_space<hbm>> -> memref<1x1x100x40xi32, #tpu.memory_space<hbm>>
          %dma_wait3A_583 = tpu.memref_squeeze %dma_wait3A_582 : memref<1x1x100x40xi32, #tpu.memory_space<hbm>> -> memref<100x40xi32, #tpu.memory_space<hbm>>
          %dma_wait3A_584 = arith.constant 0 : i32
          %dma_wait3A_585 = arith.constant 0 : i32
          %dma_wait3A_586 = tpu.memref_slice %arg4[%arg1, %scan3A_505, %dma_wait3A_584, %dma_wait3A_585] : memref<16x5x100x40xi32, #tpu.memory_space<hbm>> -> memref<1x1x100x40xi32, #tpu.memory_space<hbm>>
          %dma_wait3A_587 = tpu.memref_squeeze %dma_wait3A_586 : memref<1x1x100x40xi32, #tpu.memory_space<hbm>> -> memref<100x40xi32, #tpu.memory_space<hbm>>
          tpu.wait_dma2 semaphore(%run_scoped3A : memref<!tpu.dma_semaphore, #tpu.memory_space<semaphore_mem>>) src(%dma_wait3A_587 : memref<100x40xi32, #tpu.memory_space<hbm>>) dst(%arg8 : memref<100x40xi32, #tpu.memory_space<vmem>>)
          tpu.yield
        }) : () -> ()
        "tpu.region"() ({
          %run_scoped3A = tpu.sem_alloc : memref<!tpu.dma_semaphore, #tpu.memory_space<semaphore_mem>>
          %dma_start3A_572 = arith.constant 0 : i32
          %dma_start3A_573 = arith.constant 0 : i32
          %dma_start3A_574 = tpu.memref_slice %arg5[%arg1, %scan3A_505, %dma_start3A_572, %dma_start3A_573] : memref<16x5x100x40xi32, #tpu.memory_space<hbm>> -> memref<1x1x100x40xi32, #tpu.memory_space<hbm>>
          %dma_start3A_575 = tpu.memref_squeeze %dma_start3A_574 : memref<1x1x100x40xi32, #tpu.memory_space<hbm>> -> memref<100x40xi32, #tpu.memory_space<hbm>>
          %dma_start3A_576 = arith.constant 0 : i32
          %dma_start3A_577 = arith.constant 0 : i32
          %dma_start3A_578 = tpu.memref_slice %arg5[%arg1, %scan3A_505, %dma_start3A_576, %dma_start3A_577] : memref<16x5x100x40xi32, #tpu.memory_space<hbm>> -> memref<1x1x100x40xi32, #tpu.memory_space<hbm>>
          %dma_start3A_579 = tpu.memref_squeeze %dma_start3A_578 : memref<1x1x100x40xi32, #tpu.memory_space<hbm>> -> memref<100x40xi32, #tpu.memory_space<hbm>>
          tpu.enqueue_dma source(%dma_start3A_579 : memref<100x40xi32, #tpu.memory_space<hbm>>) target(%arg9 : memref<100x40xi32, #tpu.memory_space<vmem>>) target_semaphore(%run_scoped3A : memref<!tpu.dma_semaphore, #tpu.memory_space<semaphore_mem>>)
          %dma_wait3A_580 = arith.constant 0 : i32
          %dma_wait3A_581 = arith.constant 0 : i32
          %dma_wait3A_582 = tpu.memref_slice %arg5[%arg1, %scan3A_505, %dma_wait3A_580, %dma_wait3A_581] : memref<16x5x100x40xi32, #tpu.memory_space<hbm>> -> memref<1x1x100x40xi32, #tpu.memory_space<hbm>>
          %dma_wait3A_583 = tpu.memref_squeeze %dma_wait3A_582 : memref<1x1x100x40xi32, #tpu.memory_space<hbm>> -> memref<100x40xi32, #tpu.memory_space<hbm>>
          %dma_wait3A_584 = arith.constant 0 : i32
          %dma_wait3A_585 = arith.constant 0 : i32
          %dma_wait3A_586 = tpu.memref_slice %arg5[%arg1, %scan3A_505, %dma_wait3A_584, %dma_wait3A_585] : memref<16x5x100x40xi32, #tpu.memory_space<hbm>> -> memref<1x1x100x40xi32, #tpu.memory_space<hbm>>
          %dma_wait3A_587 = tpu.memref_squeeze %dma_wait3A_586 : memref<1x1x100x40xi32, #tpu.memory_space<hbm>> -> memref<100x40xi32, #tpu.memory_space<hbm>>
          tpu.wait_dma2 semaphore(%run_scoped3A : memref<!tpu.dma_semaphore, #tpu.memory_space<semaphore_mem>>) src(%dma_wait3A_587 : memref<100x40xi32, #tpu.memory_space<hbm>>) dst(%arg9 : memref<100x40xi32, #tpu.memory_space<vmem>>)
          tpu.yield
        }) : () -> ()
        %scan3A_506 = arith.constant 0 : i32
        %scan3A_507 = arith.constant 0 : i32
        %scan3A_508 = arith.constant 25 : i32
        %scan3A_509 = arith.addi %scan3A_507, %scan3A_508 : i32
        %scan3A_510 = arith.constant 1 : i32
        scf.for %scan3A_572 = %scan3A_507 to %scan3A_509 step %scan3A_510  : i32 {
          %gt3A = arith.constant 0 : i32
          %gt3A_573 = arith.cmpi sgt, %scan3A_572, %gt3A : i32
          %convert_element_type3A_574 = arith.extui %gt3A_573 : i1 to i32
          %cond3A_575 = arith.constant 0 : i32
          %cond3A_576 = arith.cmpi ne, %convert_element_type3A_574, %cond3A_575 : i32
          scf.if %cond3A_576 {
            %dma_wait3A_756 = arith.constant 0 : i32
            %dma_wait3A_757 = arith.constant 0 : i32
            %dma_wait3A_758 = arith.constant 0 : i32
            %dma_wait3A_759 = tpu.memref_slice %arg10[%dma_wait3A_756, %dma_wait3A_757, %dma_wait3A_758] : memref<4x40x128xf32, #tpu.memory_space<vmem>> -> memref<1x40x128xf32, #tpu.memory_space<vmem>>
            %dma_wait3A_760 = tpu.memref_squeeze %dma_wait3A_759 : memref<1x40x128xf32, #tpu.memory_space<vmem>> -> memref<40x128xf32, #tpu.memory_space<vmem>>
            %dma_wait3A_761 = arith.constant 0 : i32
            %dma_wait3A_762 = arith.constant 0 : i32
            %dma_wait3A_763 = tpu.memref_slice %arg2[%dma_wait3A_761, %dma_wait3A_762] : memref<10000x128xf32, #tpu.memory_space<hbm>> -> memref<40x128xf32, #tpu.memory_space<hbm>>
            %dma_wait3A_764 = arith.constant 0 : i32
            %dma_wait3A_765 = arith.constant 0 : i32
            %dma_wait3A_766 = tpu.memref_slice %arg10[%dma_wait3A_756, %dma_wait3A_764, %dma_wait3A_765] : memref<4x40x128xf32, #tpu.memory_space<vmem>> -> memref<1x40x128xf32, #tpu.memory_space<vmem>>
            %dma_wait3A_767 = tpu.memref_squeeze %dma_wait3A_766 : memref<1x40x128xf32, #tpu.memory_space<vmem>> -> memref<40x128xf32, #tpu.memory_space<vmem>>
            %dma_wait3A_768 = arith.constant 0 : i32
            %dma_wait3A_769 = arith.constant 0 : i32
            %dma_wait3A_770 = tpu.memref_slice %arg2[%dma_wait3A_768, %dma_wait3A_769] : memref<10000x128xf32, #tpu.memory_space<hbm>> -> memref<40x128xf32, #tpu.memory_space<hbm>>
            tpu.wait_dma2 semaphore(%arg16 : memref<!tpu.dma_semaphore, #tpu.memory_space<semaphore_mem>>) src(%dma_wait3A_770 : memref<40x128xf32, #tpu.memory_space<hbm>>) dst(%dma_wait3A_767 : memref<40x128xf32, #tpu.memory_space<vmem>>)
          } else {
          }
          %mul3A_577 = arith.constant 4 : i32
          %mul3A_578 = arith.muli %scan3A_572, %mul3A_577 : i32
          %add3A_579 = arith.constant 0 : i32
          %add3A_580 = arith.addi %mul3A_578, %add3A_579 : i32
          %dma_start3A_581 = arith.constant 0 : i32
          %dma_start3A_582 = arith.constant 0 : i32
          %dma_start3A_583 = arith.constant 0 : i32
          %dma_start3A_584 = tpu.memref_slice %arg10[%dma_start3A_581, %dma_start3A_582, %dma_start3A_583] : memref<4x40x128xf32, #tpu.memory_space<vmem>> -> memref<1x40x128xf32, #tpu.memory_space<vmem>>
          %dma_start3A_585 = tpu.memref_squeeze %dma_start3A_584 : memref<1x40x128xf32, #tpu.memory_space<vmem>> -> memref<40x128xf32, #tpu.memory_space<vmem>>
          %dma_start3A_586 = arith.constant 0 : i32
          %dma_start3A_587 = tpu.memref_slice %arg8[%add3A_580, %dma_start3A_586] : memref<100x40xi32, #tpu.memory_space<vmem>> -> memref<1x40xi32, #tpu.memory_space<vmem>>
          %dma_start3A_588 = tpu.memref_squeeze %dma_start3A_587 : memref<1x40xi32, #tpu.memory_space<vmem>> -> memref<40xi32, #tpu.memory_space<vmem>>
          %dma_start3A_589 = arith.constant 0 : i32
          %dma_start3A_590 = arith.constant 0 : i32
          %dma_start3A_591 = tpu.memref_slice %arg2[%dma_start3A_589, %dma_start3A_590] : memref<10000x128xf32, #tpu.memory_space<hbm>> -> memref<10000x128xf32, #tpu.memory_space<hbm>>
          tpu.enqueue_indirect_dma source(%dma_start3A_591 : memref<10000x128xf32, #tpu.memory_space<hbm>>) target(%dma_start3A_585 : memref<40x128xf32, #tpu.memory_space<vmem>>) offsets(%dma_start3A_588 : memref<40xi32, #tpu.memory_space<vmem>>) semaphore(%arg12 : memref<!tpu.dma_semaphore, #tpu.memory_space<semaphore_mem>>)
          %gt3A_592 = arith.constant 0 : i32
          %gt3A_593 = arith.cmpi sgt, %scan3A_572, %gt3A_592 : i32
          %convert_element_type3A_594 = arith.extui %gt3A_593 : i1 to i32
          %cond3A_595 = arith.constant 0 : i32
          %cond3A_596 = arith.cmpi ne, %convert_element_type3A_594, %cond3A_595 : i32
          scf.if %cond3A_596 {
            %dma_wait3A_756 = arith.constant 1 : i32
            %dma_wait3A_757 = arith.constant 0 : i32
            %dma_wait3A_758 = arith.constant 0 : i32
            %dma_wait3A_759 = tpu.memref_slice %arg10[%dma_wait3A_756, %dma_wait3A_757, %dma_wait3A_758] : memref<4x40x128xf32, #tpu.memory_space<vmem>> -> memref<1x40x128xf32, #tpu.memory_space<vmem>>
            %dma_wait3A_760 = tpu.memref_squeeze %dma_wait3A_759 : memref<1x40x128xf32, #tpu.memory_space<vmem>> -> memref<40x128xf32, #tpu.memory_space<vmem>>
            %dma_wait3A_761 = arith.constant 0 : i32
            %dma_wait3A_762 = arith.constant 0 : i32
            %dma_wait3A_763 = tpu.memref_slice %arg2[%dma_wait3A_761, %dma_wait3A_762] : memref<10000x128xf32, #tpu.memory_space<hbm>> -> memref<40x128xf32, #tpu.memory_space<hbm>>
            %dma_wait3A_764 = arith.constant 0 : i32
            %dma_wait3A_765 = arith.constant 0 : i32
            %dma_wait3A_766 = tpu.memref_slice %arg10[%dma_wait3A_756, %dma_wait3A_764, %dma_wait3A_765] : memref<4x40x128xf32, #tpu.memory_space<vmem>> -> memref<1x40x128xf32, #tpu.memory_space<vmem>>
            %dma_wait3A_767 = tpu.memref_squeeze %dma_wait3A_766 : memref<1x40x128xf32, #tpu.memory_space<vmem>> -> memref<40x128xf32, #tpu.memory_space<vmem>>
            %dma_wait3A_768 = arith.constant 0 : i32
            %dma_wait3A_769 = arith.constant 0 : i32
            %dma_wait3A_770 = tpu.memref_slice %arg2[%dma_wait3A_768, %dma_wait3A_769] : memref<10000x128xf32, #tpu.memory_space<hbm>> -> memref<40x128xf32, #tpu.memory_space<hbm>>
            tpu.wait_dma2 semaphore(%arg17 : memref<!tpu.dma_semaphore, #tpu.memory_space<semaphore_mem>>) src(%dma_wait3A_770 : memref<40x128xf32, #tpu.memory_space<hbm>>) dst(%dma_wait3A_767 : memref<40x128xf32, #tpu.memory_space<vmem>>)
          } else {
          }
          %mul3A_597 = arith.constant 4 : i32
          %mul3A_598 = arith.muli %scan3A_572, %mul3A_597 : i32
          %add3A_599 = arith.constant 1 : i32
          %add3A_600 = arith.addi %mul3A_598, %add3A_599 : i32
          %dma_start3A_601 = arith.constant 1 : i32
          %dma_start3A_602 = arith.constant 0 : i32
          %dma_start3A_603 = arith.constant 0 : i32
          %dma_start3A_604 = tpu.memref_slice %arg10[%dma_start3A_601, %dma_start3A_602, %dma_start3A_603] : memref<4x40x128xf32, #tpu.memory_space<vmem>> -> memref<1x40x128xf32, #tpu.memory_space<vmem>>
          %dma_start3A_605 = tpu.memref_squeeze %dma_start3A_604 : memref<1x40x128xf32, #tpu.memory_space<vmem>> -> memref<40x128xf32, #tpu.memory_space<vmem>>
          %dma_start3A_606 = arith.constant 0 : i32
          %dma_start3A_607 = tpu.memref_slice %arg8[%add3A_600, %dma_start3A_606] : memref<100x40xi32, #tpu.memory_space<vmem>> -> memref<1x40xi32, #tpu.memory_space<vmem>>
          %dma_start3A_608 = tpu.memref_squeeze %dma_start3A_607 : memref<1x40xi32, #tpu.memory_space<vmem>> -> memref<40xi32, #tpu.memory_space<vmem>>
          %dma_start3A_609 = arith.constant 0 : i32
          %dma_start3A_610 = arith.constant 0 : i32
          %dma_start3A_611 = tpu.memref_slice %arg2[%dma_start3A_609, %dma_start3A_610] : memref<10000x128xf32, #tpu.memory_space<hbm>> -> memref<10000x128xf32, #tpu.memory_space<hbm>>
          tpu.enqueue_indirect_dma source(%dma_start3A_611 : memref<10000x128xf32, #tpu.memory_space<hbm>>) target(%dma_start3A_605 : memref<40x128xf32, #tpu.memory_space<vmem>>) offsets(%dma_start3A_608 : memref<40xi32, #tpu.memory_space<vmem>>) semaphore(%arg13 : memref<!tpu.dma_semaphore, #tpu.memory_space<semaphore_mem>>)
          %gt3A_612 = arith.constant 0 : i32
          %gt3A_613 = arith.cmpi sgt, %scan3A_572, %gt3A_612 : i32
          %convert_element_type3A_614 = arith.extui %gt3A_613 : i1 to i32
          %cond3A_615 = arith.constant 0 : i32
          %cond3A_616 = arith.cmpi ne, %convert_element_type3A_614, %cond3A_615 : i32
          scf.if %cond3A_616 {
            %dma_wait3A_756 = arith.constant 2 : i32
            %dma_wait3A_757 = arith.constant 0 : i32
            %dma_wait3A_758 = arith.constant 0 : i32
            %dma_wait3A_759 = tpu.memref_slice %arg10[%dma_wait3A_756, %dma_wait3A_757, %dma_wait3A_758] : memref<4x40x128xf32, #tpu.memory_space<vmem>> -> memref<1x40x128xf32, #tpu.memory_space<vmem>>
            %dma_wait3A_760 = tpu.memref_squeeze %dma_wait3A_759 : memref<1x40x128xf32, #tpu.memory_space<vmem>> -> memref<40x128xf32, #tpu.memory_space<vmem>>
            %dma_wait3A_761 = arith.constant 0 : i32
            %dma_wait3A_762 = arith.constant 0 : i32
            %dma_wait3A_763 = tpu.memref_slice %arg2[%dma_wait3A_761, %dma_wait3A_762] : memref<10000x128xf32, #tpu.memory_space<hbm>> -> memref<40x128xf32, #tpu.memory_space<hbm>>
            %dma_wait3A_764 = arith.constant 0 : i32
            %dma_wait3A_765 = arith.constant 0 : i32
            %dma_wait3A_766 = tpu.memref_slice %arg10[%dma_wait3A_756, %dma_wait3A_764, %dma_wait3A_765] : memref<4x40x128xf32, #tpu.memory_space<vmem>> -> memref<1x40x128xf32, #tpu.memory_space<vmem>>
            %dma_wait3A_767 = tpu.memref_squeeze %dma_wait3A_766 : memref<1x40x128xf32, #tpu.memory_space<vmem>> -> memref<40x128xf32, #tpu.memory_space<vmem>>
            %dma_wait3A_768 = arith.constant 0 : i32
            %dma_wait3A_769 = arith.constant 0 : i32
            %dma_wait3A_770 = tpu.memref_slice %arg2[%dma_wait3A_768, %dma_wait3A_769] : memref<10000x128xf32, #tpu.memory_space<hbm>> -> memref<40x128xf32, #tpu.memory_space<hbm>>
            tpu.wait_dma2 semaphore(%arg18 : memref<!tpu.dma_semaphore, #tpu.memory_space<semaphore_mem>>) src(%dma_wait3A_770 : memref<40x128xf32, #tpu.memory_space<hbm>>) dst(%dma_wait3A_767 : memref<40x128xf32, #tpu.memory_space<vmem>>)
          } else {
          }
          %mul3A_617 = arith.constant 4 : i32
          %mul3A_618 = arith.muli %scan3A_572, %mul3A_617 : i32
          %add3A_619 = arith.constant 2 : i32
          %add3A_620 = arith.addi %mul3A_618, %add3A_619 : i32
          %dma_start3A_621 = arith.constant 2 : i32
          %dma_start3A_622 = arith.constant 0 : i32
          %dma_start3A_623 = arith.constant 0 : i32
          %dma_start3A_624 = tpu.memref_slice %arg10[%dma_start3A_621, %dma_start3A_622, %dma_start3A_623] : memref<4x40x128xf32, #tpu.memory_space<vmem>> -> memref<1x40x128xf32, #tpu.memory_space<vmem>>
          %dma_start3A_625 = tpu.memref_squeeze %dma_start3A_624 : memref<1x40x128xf32, #tpu.memory_space<vmem>> -> memref<40x128xf32, #tpu.memory_space<vmem>>
          %dma_start3A_626 = arith.constant 0 : i32
          %dma_start3A_627 = tpu.memref_slice %arg8[%add3A_620, %dma_start3A_626] : memref<100x40xi32, #tpu.memory_space<vmem>> -> memref<1x40xi32, #tpu.memory_space<vmem>>
          %dma_start3A_628 = tpu.memref_squeeze %dma_start3A_627 : memref<1x40xi32, #tpu.memory_space<vmem>> -> memref<40xi32, #tpu.memory_space<vmem>>
          %dma_start3A_629 = arith.constant 0 : i32
          %dma_start3A_630 = arith.constant 0 : i32
          %dma_start3A_631 = tpu.memref_slice %arg2[%dma_start3A_629, %dma_start3A_630] : memref<10000x128xf32, #tpu.memory_space<hbm>> -> memref<10000x128xf32, #tpu.memory_space<hbm>>
          tpu.enqueue_indirect_dma source(%dma_start3A_631 : memref<10000x128xf32, #tpu.memory_space<hbm>>) target(%dma_start3A_625 : memref<40x128xf32, #tpu.memory_space<vmem>>) offsets(%dma_start3A_628 : memref<40xi32, #tpu.memory_space<vmem>>) semaphore(%arg14 : memref<!tpu.dma_semaphore, #tpu.memory_space<semaphore_mem>>)
          %gt3A_632 = arith.constant 0 : i32
          %gt3A_633 = arith.cmpi sgt, %scan3A_572, %gt3A_632 : i32
          %convert_element_type3A_634 = arith.extui %gt3A_633 : i1 to i32
          %cond3A_635 = arith.constant 0 : i32
          %cond3A_636 = arith.cmpi ne, %convert_element_type3A_634, %cond3A_635 : i32
          scf.if %cond3A_636 {
            %dma_wait3A_756 = arith.constant 3 : i32
            %dma_wait3A_757 = arith.constant 0 : i32
            %dma_wait3A_758 = arith.constant 0 : i32
            %dma_wait3A_759 = tpu.memref_slice %arg10[%dma_wait3A_756, %dma_wait3A_757, %dma_wait3A_758] : memref<4x40x128xf32, #tpu.memory_space<vmem>> -> memref<1x40x128xf32, #tpu.memory_space<vmem>>
            %dma_wait3A_760 = tpu.memref_squeeze %dma_wait3A_759 : memref<1x40x128xf32, #tpu.memory_space<vmem>> -> memref<40x128xf32, #tpu.memory_space<vmem>>
            %dma_wait3A_761 = arith.constant 0 : i32
            %dma_wait3A_762 = arith.constant 0 : i32
            %dma_wait3A_763 = tpu.memref_slice %arg2[%dma_wait3A_761, %dma_wait3A_762] : memref<10000x128xf32, #tpu.memory_space<hbm>> -> memref<40x128xf32, #tpu.memory_space<hbm>>
            %dma_wait3A_764 = arith.constant 0 : i32
            %dma_wait3A_765 = arith.constant 0 : i32
            %dma_wait3A_766 = tpu.memref_slice %arg10[%dma_wait3A_756, %dma_wait3A_764, %dma_wait3A_765] : memref<4x40x128xf32, #tpu.memory_space<vmem>> -> memref<1x40x128xf32, #tpu.memory_space<vmem>>
            %dma_wait3A_767 = tpu.memref_squeeze %dma_wait3A_766 : memref<1x40x128xf32, #tpu.memory_space<vmem>> -> memref<40x128xf32, #tpu.memory_space<vmem>>
            %dma_wait3A_768 = arith.constant 0 : i32
            %dma_wait3A_769 = arith.constant 0 : i32
            %dma_wait3A_770 = tpu.memref_slice %arg2[%dma_wait3A_768, %dma_wait3A_769] : memref<10000x128xf32, #tpu.memory_space<hbm>> -> memref<40x128xf32, #tpu.memory_space<hbm>>
            tpu.wait_dma2 semaphore(%arg19 : memref<!tpu.dma_semaphore, #tpu.memory_space<semaphore_mem>>) src(%dma_wait3A_770 : memref<40x128xf32, #tpu.memory_space<hbm>>) dst(%dma_wait3A_767 : memref<40x128xf32, #tpu.memory_space<vmem>>)
          } else {
          }
          %mul3A_637 = arith.constant 4 : i32
          %mul3A_638 = arith.muli %scan3A_572, %mul3A_637 : i32
          %add3A_639 = arith.constant 3 : i32
          %add3A_640 = arith.addi %mul3A_638, %add3A_639 : i32
          %dma_start3A_641 = arith.constant 3 : i32
          %dma_start3A_642 = arith.constant 0 : i32
          %dma_start3A_643 = arith.constant 0 : i32
          %dma_start3A_644 = tpu.memref_slice %arg10[%dma_start3A_641, %dma_start3A_642, %dma_start3A_643] : memref<4x40x128xf32, #tpu.memory_space<vmem>> -> memref<1x40x128xf32, #tpu.memory_space<vmem>>
          %dma_start3A_645 = tpu.memref_squeeze %dma_start3A_644 : memref<1x40x128xf32, #tpu.memory_space<vmem>> -> memref<40x128xf32, #tpu.memory_space<vmem>>
          %dma_start3A_646 = arith.constant 0 : i32
          %dma_start3A_647 = tpu.memref_slice %arg8[%add3A_640, %dma_start3A_646] : memref<100x40xi32, #tpu.memory_space<vmem>> -> memref<1x40xi32, #tpu.memory_space<vmem>>
          %dma_start3A_648 = tpu.memref_squeeze %dma_start3A_647 : memref<1x40xi32, #tpu.memory_space<vmem>> -> memref<40xi32, #tpu.memory_space<vmem>>
          %dma_start3A_649 = arith.constant 0 : i32
          %dma_start3A_650 = arith.constant 0 : i32
          %dma_start3A_651 = tpu.memref_slice %arg2[%dma_start3A_649, %dma_start3A_650] : memref<10000x128xf32, #tpu.memory_space<hbm>> -> memref<10000x128xf32, #tpu.memory_space<hbm>>
          tpu.enqueue_indirect_dma source(%dma_start3A_651 : memref<10000x128xf32, #tpu.memory_space<hbm>>) target(%dma_start3A_645 : memref<40x128xf32, #tpu.memory_space<vmem>>) offsets(%dma_start3A_648 : memref<40xi32, #tpu.memory_space<vmem>>) semaphore(%arg15 : memref<!tpu.dma_semaphore, #tpu.memory_space<semaphore_mem>>)
          %dma_wait3A_652 = arith.constant 0 : i32
          %dma_wait3A_653 = arith.constant 0 : i32
          %dma_wait3A_654 = arith.constant 0 : i32
          %dma_wait3A_655 = tpu.memref_slice %arg10[%dma_wait3A_652, %dma_wait3A_653, %dma_wait3A_654] : memref<4x40x128xf32, #tpu.memory_space<vmem>> -> memref<1x40x128xf32, #tpu.memory_space<vmem>>
          %dma_wait3A_656 = tpu.memref_squeeze %dma_wait3A_655 : memref<1x40x128xf32, #tpu.memory_space<vmem>> -> memref<40x128xf32, #tpu.memory_space<vmem>>
          %dma_wait3A_657 = arith.constant 0 : i32
          %dma_wait3A_658 = tpu.memref_slice %arg8[%add3A_580, %dma_wait3A_657] : memref<100x40xi32, #tpu.memory_space<vmem>> -> memref<1x40xi32, #tpu.memory_space<vmem>>
          %dma_wait3A_659 = tpu.memref_squeeze %dma_wait3A_658 : memref<1x40xi32, #tpu.memory_space<vmem>> -> memref<40xi32, #tpu.memory_space<vmem>>
          %dma_wait3A_660 = arith.constant 0 : i32
          %dma_wait3A_661 = arith.constant 0 : i32
          %dma_wait3A_662 = tpu.memref_slice %arg2[%dma_wait3A_660, %dma_wait3A_661] : memref<10000x128xf32, #tpu.memory_space<hbm>> -> memref<10000x128xf32, #tpu.memory_space<hbm>>
          tpu.wait_indirect_dma semaphore(%arg12 : memref<!tpu.dma_semaphore, #tpu.memory_space<semaphore_mem>>) src(%dma_wait3A_662 : memref<10000x128xf32, #tpu.memory_space<hbm>>) dst(%dma_wait3A_656 : memref<40x128xf32, #tpu.memory_space<vmem>>)
          %mul3A_663 = arith.constant 4 : i32
          %mul3A_664 = arith.muli %scan3A_572, %mul3A_663 : i32
          %add3A_665 = arith.constant 0 : i32
          %add3A_666 = arith.addi %mul3A_664, %add3A_665 : i32
          %dma_start3A_667 = arith.constant 0 : i32
          %dma_start3A_668 = arith.constant 0 : i32
          %dma_start3A_669 = arith.constant 0 : i32
          %dma_start3A_670 = tpu.memref_slice %arg10[%dma_start3A_667, %dma_start3A_668, %dma_start3A_669] : memref<4x40x128xf32, #tpu.memory_space<vmem>> -> memref<1x40x128xf32, #tpu.memory_space<vmem>>
          %dma_start3A_671 = tpu.memref_squeeze %dma_start3A_670 : memref<1x40x128xf32, #tpu.memory_space<vmem>> -> memref<40x128xf32, #tpu.memory_space<vmem>>
          %dma_start3A_672 = arith.constant 0 : i32
          %dma_start3A_673 = tpu.memref_slice %arg9[%add3A_666, %dma_start3A_672] : memref<100x40xi32, #tpu.memory_space<vmem>> -> memref<1x40xi32, #tpu.memory_space<vmem>>
          %dma_start3A_674 = tpu.memref_squeeze %dma_start3A_673 : memref<1x40xi32, #tpu.memory_space<vmem>> -> memref<40xi32, #tpu.memory_space<vmem>>
          %dma_start3A_675 = arith.constant 0 : i32
          %dma_start3A_676 = arith.constant 0 : i32
          %dma_start3A_677 = tpu.memref_slice %arg11[%dma_start3A_675, %dma_start3A_676] : memref<10240x128xf32, #tpu.memory_space<vmem_shared>> -> memref<10240x128xf32, #tpu.memory_space<vmem_shared>>
          tpu.enqueue_indirect_dma source(%dma_start3A_671 : memref<40x128xf32, #tpu.memory_space<vmem>>) target(%dma_start3A_677 : memref<10240x128xf32, #tpu.memory_space<vmem_shared>>) offsets(%dma_start3A_674 : memref<40xi32, #tpu.memory_space<vmem>>) semaphore(%arg16 : memref<!tpu.dma_semaphore, #tpu.memory_space<semaphore_mem>>) {add = true}
          %dma_wait3A_678 = arith.constant 1 : i32
          %dma_wait3A_679 = arith.constant 0 : i32
          %dma_wait3A_680 = arith.constant 0 : i32
          %dma_wait3A_681 = tpu.memref_slice %arg10[%dma_wait3A_678, %dma_wait3A_679, %dma_wait3A_680] : memref<4x40x128xf32, #tpu.memory_space<vmem>> -> memref<1x40x128xf32, #tpu.memory_space<vmem>>
          %dma_wait3A_682 = tpu.memref_squeeze %dma_wait3A_681 : memref<1x40x128xf32, #tpu.memory_space<vmem>> -> memref<40x128xf32, #tpu.memory_space<vmem>>
          %dma_wait3A_683 = arith.constant 0 : i32
          %dma_wait3A_684 = tpu.memref_slice %arg8[%add3A_600, %dma_wait3A_683] : memref<100x40xi32, #tpu.memory_space<vmem>> -> memref<1x40xi32, #tpu.memory_space<vmem>>
          %dma_wait3A_685 = tpu.memref_squeeze %dma_wait3A_684 : memref<1x40xi32, #tpu.memory_space<vmem>> -> memref<40xi32, #tpu.memory_space<vmem>>
          %dma_wait3A_686 = arith.constant 0 : i32
          %dma_wait3A_687 = arith.constant 0 : i32
          %dma_wait3A_688 = tpu.memref_slice %arg2[%dma_wait3A_686, %dma_wait3A_687] : memref<10000x128xf32, #tpu.memory_space<hbm>> -> memref<10000x128xf32, #tpu.memory_space<hbm>>
          tpu.wait_indirect_dma semaphore(%arg13 : memref<!tpu.dma_semaphore, #tpu.memory_space<semaphore_mem>>) src(%dma_wait3A_688 : memref<10000x128xf32, #tpu.memory_space<hbm>>) dst(%dma_wait3A_682 : memref<40x128xf32, #tpu.memory_space<vmem>>)
          %mul3A_689 = arith.constant 4 : i32
          %mul3A_690 = arith.muli %scan3A_572, %mul3A_689 : i32
          %add3A_691 = arith.constant 1 : i32
          %add3A_692 = arith.addi %mul3A_690, %add3A_691 : i32
          %dma_start3A_693 = arith.constant 1 : i32
          %dma_start3A_694 = arith.constant 0 : i32
          %dma_start3A_695 = arith.constant 0 : i32
          %dma_start3A_696 = tpu.memref_slice %arg10[%dma_start3A_693, %dma_start3A_694, %dma_start3A_695] : memref<4x40x128xf32, #tpu.memory_space<vmem>> -> memref<1x40x128xf32, #tpu.memory_space<vmem>>
          %dma_start3A_697 = tpu.memref_squeeze %dma_start3A_696 : memref<1x40x128xf32, #tpu.memory_space<vmem>> -> memref<40x128xf32, #tpu.memory_space<vmem>>
          %dma_start3A_698 = arith.constant 0 : i32
          %dma_start3A_699 = tpu.memref_slice %arg9[%add3A_692, %dma_start3A_698] : memref<100x40xi32, #tpu.memory_space<vmem>> -> memref<1x40xi32, #tpu.memory_space<vmem>>
          %dma_start3A_700 = tpu.memref_squeeze %dma_start3A_699 : memref<1x40xi32, #tpu.memory_space<vmem>> -> memref<40xi32, #tpu.memory_space<vmem>>
          %dma_start3A_701 = arith.constant 0 : i32
          %dma_start3A_702 = arith.constant 0 : i32
          %dma_start3A_703 = tpu.memref_slice %arg11[%dma_start3A_701, %dma_start3A_702] : memref<10240x128xf32, #tpu.memory_space<vmem_shared>> -> memref<10240x128xf32, #tpu.memory_space<vmem_shared>>
          tpu.enqueue_indirect_dma source(%dma_start3A_697 : memref<40x128xf32, #tpu.memory_space<vmem>>) target(%dma_start3A_703 : memref<10240x128xf32, #tpu.memory_space<vmem_shared>>) offsets(%dma_start3A_700 : memref<40xi32, #tpu.memory_space<vmem>>) semaphore(%arg17 : memref<!tpu.dma_semaphore, #tpu.memory_space<semaphore_mem>>) {add = true}
          %dma_wait3A_704 = arith.constant 2 : i32
          %dma_wait3A_705 = arith.constant 0 : i32
          %dma_wait3A_706 = arith.constant 0 : i32
          %dma_wait3A_707 = tpu.memref_slice %arg10[%dma_wait3A_704, %dma_wait3A_705, %dma_wait3A_706] : memref<4x40x128xf32, #tpu.memory_space<vmem>> -> memref<1x40x128xf32, #tpu.memory_space<vmem>>
          %dma_wait3A_708 = tpu.memref_squeeze %dma_wait3A_707 : memref<1x40x128xf32, #tpu.memory_space<vmem>> -> memref<40x128xf32, #tpu.memory_space<vmem>>
          %dma_wait3A_709 = arith.constant 0 : i32
          %dma_wait3A_710 = tpu.memref_slice %arg8[%add3A_620, %dma_wait3A_709] : memref<100x40xi32, #tpu.memory_space<vmem>> -> memref<1x40xi32, #tpu.memory_space<vmem>>
          %dma_wait3A_711 = tpu.memref_squeeze %dma_wait3A_710 : memref<1x40xi32, #tpu.memory_space<vmem>> -> memref<40xi32, #tpu.memory_space<vmem>>
          %dma_wait3A_712 = arith.constant 0 : i32
          %dma_wait3A_713 = arith.constant 0 : i32
          %dma_wait3A_714 = tpu.memref_slice %arg2[%dma_wait3A_712, %dma_wait3A_713] : memref<10000x128xf32, #tpu.memory_space<hbm>> -> memref<10000x128xf32, #tpu.memory_space<hbm>>
          tpu.wait_indirect_dma semaphore(%arg14 : memref<!tpu.dma_semaphore, #tpu.memory_space<semaphore_mem>>) src(%dma_wait3A_714 : memref<10000x128xf32, #tpu.memory_space<hbm>>) dst(%dma_wait3A_708 : memref<40x128xf32, #tpu.memory_space<vmem>>)
          %mul3A_715 = arith.constant 4 : i32
          %mul3A_716 = arith.muli %scan3A_572, %mul3A_715 : i32
          %add3A_717 = arith.constant 2 : i32
          %add3A_718 = arith.addi %mul3A_716, %add3A_717 : i32
          %dma_start3A_719 = arith.constant 2 : i32
          %dma_start3A_720 = arith.constant 0 : i32
          %dma_start3A_721 = arith.constant 0 : i32
          %dma_start3A_722 = tpu.memref_slice %arg10[%dma_start3A_719, %dma_start3A_720, %dma_start3A_721] : memref<4x40x128xf32, #tpu.memory_space<vmem>> -> memref<1x40x128xf32, #tpu.memory_space<vmem>>
          %dma_start3A_723 = tpu.memref_squeeze %dma_start3A_722 : memref<1x40x128xf32, #tpu.memory_space<vmem>> -> memref<40x128xf32, #tpu.memory_space<vmem>>
          %dma_start3A_724 = arith.constant 0 : i32
          %dma_start3A_725 = tpu.memref_slice %arg9[%add3A_718, %dma_start3A_724] : memref<100x40xi32, #tpu.memory_space<vmem>> -> memref<1x40xi32, #tpu.memory_space<vmem>>
          %dma_start3A_726 = tpu.memref_squeeze %dma_start3A_725 : memref<1x40xi32, #tpu.memory_space<vmem>> -> memref<40xi32, #tpu.memory_space<vmem>>
          %dma_start3A_727 = arith.constant 0 : i32
          %dma_start3A_728 = arith.constant 0 : i32
          %dma_start3A_729 = tpu.memref_slice %arg11[%dma_start3A_727, %dma_start3A_728] : memref<10240x128xf32, #tpu.memory_space<vmem_shared>> -> memref<10240x128xf32, #tpu.memory_space<vmem_shared>>
          tpu.enqueue_indirect_dma source(%dma_start3A_723 : memref<40x128xf32, #tpu.memory_space<vmem>>) target(%dma_start3A_729 : memref<10240x128xf32, #tpu.memory_space<vmem_shared>>) offsets(%dma_start3A_726 : memref<40xi32, #tpu.memory_space<vmem>>) semaphore(%arg18 : memref<!tpu.dma_semaphore, #tpu.memory_space<semaphore_mem>>) {add = true}
          %dma_wait3A_730 = arith.constant 3 : i32
          %dma_wait3A_731 = arith.constant 0 : i32
          %dma_wait3A_732 = arith.constant 0 : i32
          %dma_wait3A_733 = tpu.memref_slice %arg10[%dma_wait3A_730, %dma_wait3A_731, %dma_wait3A_732] : memref<4x40x128xf32, #tpu.memory_space<vmem>> -> memref<1x40x128xf32, #tpu.memory_space<vmem>>
          %dma_wait3A_734 = tpu.memref_squeeze %dma_wait3A_733 : memref<1x40x128xf32, #tpu.memory_space<vmem>> -> memref<40x128xf32, #tpu.memory_space<vmem>>
          %dma_wait3A_735 = arith.constant 0 : i32
          %dma_wait3A_736 = tpu.memref_slice %arg8[%add3A_640, %dma_wait3A_735] : memref<100x40xi32, #tpu.memory_space<vmem>> -> memref<1x40xi32, #tpu.memory_space<vmem>>
          %dma_wait3A_737 = tpu.memref_squeeze %dma_wait3A_736 : memref<1x40xi32, #tpu.memory_space<vmem>> -> memref<40xi32, #tpu.memory_space<vmem>>
          %dma_wait3A_738 = arith.constant 0 : i32
          %dma_wait3A_739 = arith.constant 0 : i32
          %dma_wait3A_740 = tpu.memref_slice %arg2[%dma_wait3A_738, %dma_wait3A_739] : memref<10000x128xf32, #tpu.memory_space<hbm>> -> memref<10000x128xf32, #tpu.memory_space<hbm>>
          tpu.wait_indirect_dma semaphore(%arg15 : memref<!tpu.dma_semaphore, #tpu.memory_space<semaphore_mem>>) src(%dma_wait3A_740 : memref<10000x128xf32, #tpu.memory_space<hbm>>) dst(%dma_wait3A_734 : memref<40x128xf32, #tpu.memory_space<vmem>>)
          %mul3A_741 = arith.constant 4 : i32
          %mul3A_742 = arith.muli %scan3A_572, %mul3A_741 : i32
          %add3A_743 = arith.constant 3 : i32
          %add3A_744 = arith.addi %mul3A_742, %add3A_743 : i32
          %dma_start3A_745 = arith.constant 3 : i32
          %dma_start3A_746 = arith.constant 0 : i32
          %dma_start3A_747 = arith.constant 0 : i32
          %dma_start3A_748 = tpu.memref_slice %arg10[%dma_start3A_745, %dma_start3A_746, %dma_start3A_747] : memref<4x40x128xf32, #tpu.memory_space<vmem>> -> memref<1x40x128xf32, #tpu.memory_space<vmem>>
          %dma_start3A_749 = tpu.memref_squeeze %dma_start3A_748 : memref<1x40x128xf32, #tpu.memory_space<vmem>> -> memref<40x128xf32, #tpu.memory_space<vmem>>
          %dma_start3A_750 = arith.constant 0 : i32
          %dma_start3A_751 = tpu.memref_slice %arg9[%add3A_744, %dma_start3A_750] : memref<100x40xi32, #tpu.memory_space<vmem>> -> memref<1x40xi32, #tpu.memory_space<vmem>>
          %dma_start3A_752 = tpu.memref_squeeze %dma_start3A_751 : memref<1x40xi32, #tpu.memory_space<vmem>> -> memref<40xi32, #tpu.memory_space<vmem>>
          %dma_start3A_753 = arith.constant 0 : i32
          %dma_start3A_754 = arith.constant 0 : i32
          %dma_start3A_755 = tpu.memref_slice %arg11[%dma_start3A_753, %dma_start3A_754] : memref<10240x128xf32, #tpu.memory_space<vmem_shared>> -> memref<10240x128xf32, #tpu.memory_space<vmem_shared>>
          tpu.enqueue_indirect_dma source(%dma_start3A_749 : memref<40x128xf32, #tpu.memory_space<vmem>>) target(%dma_start3A_755 : memref<10240x128xf32, #tpu.memory_space<vmem_shared>>) offsets(%dma_start3A_752 : memref<40xi32, #tpu.memory_space<vmem>>) semaphore(%arg19 : memref<!tpu.dma_semaphore, #tpu.memory_space<semaphore_mem>>) {add = true}
        }
        %scan3A_511 = arith.constant 25 : i32
        %dma_wait3A_512 = arith.constant 0 : i32
        %dma_wait3A_513 = arith.constant 0 : i32
        %dma_wait3A_514 = arith.constant 0 : i32
        %dma_wait3A_515 = tpu.memref_slice %arg10[%dma_wait3A_512, %dma_wait3A_513, %dma_wait3A_514] : memref<4x40x128xf32, #tpu.memory_space<vmem>> -> memref<1x40x128xf32, #tpu.memory_space<vmem>>
        %dma_wait3A_516 = tpu.memref_squeeze %dma_wait3A_515 : memref<1x40x128xf32, #tpu.memory_space<vmem>> -> memref<40x128xf32, #tpu.memory_space<vmem>>
        %dma_wait3A_517 = arith.constant 0 : i32
        %dma_wait3A_518 = arith.constant 0 : i32
        %dma_wait3A_519 = tpu.memref_slice %arg2[%dma_wait3A_517, %dma_wait3A_518] : memref<10000x128xf32, #tpu.memory_space<hbm>> -> memref<40x128xf32, #tpu.memory_space<hbm>>
        %dma_wait3A_520 = arith.constant 0 : i32
        %dma_wait3A_521 = arith.constant 0 : i32
        %dma_wait3A_522 = tpu.memref_slice %arg10[%dma_wait3A_512, %dma_wait3A_520, %dma_wait3A_521] : memref<4x40x128xf32, #tpu.memory_space<vmem>> -> memref<1x40x128xf32, #tpu.memory_space<vmem>>
        %dma_wait3A_523 = tpu.memref_squeeze %dma_wait3A_522 : memref<1x40x128xf32, #tpu.memory_space<vmem>> -> memref<40x128xf32, #tpu.memory_space<vmem>>
        %dma_wait3A_524 = arith.constant 0 : i32
        %dma_wait3A_525 = arith.constant 0 : i32
        %dma_wait3A_526 = tpu.memref_slice %arg2[%dma_wait3A_524, %dma_wait3A_525] : memref<10000x128xf32, #tpu.memory_space<hbm>> -> memref<40x128xf32, #tpu.memory_space<hbm>>
        tpu.wait_dma2 semaphore(%arg16 : memref<!tpu.dma_semaphore, #tpu.memory_space<semaphore_mem>>) src(%dma_wait3A_526 : memref<40x128xf32, #tpu.memory_space<hbm>>) dst(%dma_wait3A_523 : memref<40x128xf32, #tpu.memory_space<vmem>>)
        %dma_wait3A_527 = arith.constant 1 : i32
        %dma_wait3A_528 = arith.constant 0 : i32
        %dma_wait3A_529 = arith.constant 0 : i32
        %dma_wait3A_530 = tpu.memref_slice %arg10[%dma_wait3A_527, %dma_wait3A_528, %dma_wait3A_529] : memref<4x40x128xf32, #tpu.memory_space<vmem>> -> memref<1x40x128xf32, #tpu.memory_space<vmem>>
        %dma_wait3A_531 = tpu.memref_squeeze %dma_wait3A_530 : memref<1x40x128xf32, #tpu.memory_space<vmem>> -> memref<40x128xf32, #tpu.memory_space<vmem>>
        %dma_wait3A_532 = arith.constant 0 : i32
        %dma_wait3A_533 = arith.constant 0 : i32
        %dma_wait3A_534 = tpu.memref_slice %arg2[%dma_wait3A_532, %dma_wait3A_533] : memref<10000x128xf32, #tpu.memory_space<hbm>> -> memref<40x128xf32, #tpu.memory_space<hbm>>
        %dma_wait3A_535 = arith.constant 0 : i32
        %dma_wait3A_536 = arith.constant 0 : i32
        %dma_wait3A_537 = tpu.memref_slice %arg10[%dma_wait3A_527, %dma_wait3A_535, %dma_wait3A_536] : memref<4x40x128xf32, #tpu.memory_space<vmem>> -> memref<1x40x128xf32, #tpu.memory_space<vmem>>
        %dma_wait3A_538 = tpu.memref_squeeze %dma_wait3A_537 : memref<1x40x128xf32, #tpu.memory_space<vmem>> -> memref<40x128xf32, #tpu.memory_space<vmem>>
        %dma_wait3A_539 = arith.constant 0 : i32
        %dma_wait3A_540 = arith.constant 0 : i32
        %dma_wait3A_541 = tpu.memref_slice %arg2[%dma_wait3A_539, %dma_wait3A_540] : memref<10000x128xf32, #tpu.memory_space<hbm>> -> memref<40x128xf32, #tpu.memory_space<hbm>>
        tpu.wait_dma2 semaphore(%arg17 : memref<!tpu.dma_semaphore, #tpu.memory_space<semaphore_mem>>) src(%dma_wait3A_541 : memref<40x128xf32, #tpu.memory_space<hbm>>) dst(%dma_wait3A_538 : memref<40x128xf32, #tpu.memory_space<vmem>>)
        %dma_wait3A_542 = arith.constant 2 : i32
        %dma_wait3A_543 = arith.constant 0 : i32
        %dma_wait3A_544 = arith.constant 0 : i32
        %dma_wait3A_545 = tpu.memref_slice %arg10[%dma_wait3A_542, %dma_wait3A_543, %dma_wait3A_544] : memref<4x40x128xf32, #tpu.memory_space<vmem>> -> memref<1x40x128xf32, #tpu.memory_space<vmem>>
        %dma_wait3A_546 = tpu.memref_squeeze %dma_wait3A_545 : memref<1x40x128xf32, #tpu.memory_space<vmem>> -> memref<40x128xf32, #tpu.memory_space<vmem>>
        %dma_wait3A_547 = arith.constant 0 : i32
        %dma_wait3A_548 = arith.constant 0 : i32
        %dma_wait3A_549 = tpu.memref_slice %arg2[%dma_wait3A_547, %dma_wait3A_548] : memref<10000x128xf32, #tpu.memory_space<hbm>> -> memref<40x128xf32, #tpu.memory_space<hbm>>
        %dma_wait3A_550 = arith.constant 0 : i32
        %dma_wait3A_551 = arith.constant 0 : i32
        %dma_wait3A_552 = tpu.memref_slice %arg10[%dma_wait3A_542, %dma_wait3A_550, %dma_wait3A_551] : memref<4x40x128xf32, #tpu.memory_space<vmem>> -> memref<1x40x128xf32, #tpu.memory_space<vmem>>
        %dma_wait3A_553 = tpu.memref_squeeze %dma_wait3A_552 : memref<1x40x128xf32, #tpu.memory_space<vmem>> -> memref<40x128xf32, #tpu.memory_space<vmem>>
        %dma_wait3A_554 = arith.constant 0 : i32
        %dma_wait3A_555 = arith.constant 0 : i32
        %dma_wait3A_556 = tpu.memref_slice %arg2[%dma_wait3A_554, %dma_wait3A_555] : memref<10000x128xf32, #tpu.memory_space<hbm>> -> memref<40x128xf32, #tpu.memory_space<hbm>>
        tpu.wait_dma2 semaphore(%arg18 : memref<!tpu.dma_semaphore, #tpu.memory_space<semaphore_mem>>) src(%dma_wait3A_556 : memref<40x128xf32, #tpu.memory_space<hbm>>) dst(%dma_wait3A_553 : memref<40x128xf32, #tpu.memory_space<vmem>>)
        %dma_wait3A_557 = arith.constant 3 : i32
        %dma_wait3A_558 = arith.constant 0 : i32
        %dma_wait3A_559 = arith.constant 0 : i32
        %dma_wait3A_560 = tpu.memref_slice %arg10[%dma_wait3A_557, %dma_wait3A_558, %dma_wait3A_559] : memref<4x40x128xf32, #tpu.memory_space<vmem>> -> memref<1x40x128xf32, #tpu.memory_space<vmem>>
        %dma_wait3A_561 = tpu.memref_squeeze %dma_wait3A_560 : memref<1x40x128xf32, #tpu.memory_space<vmem>> -> memref<40x128xf32, #tpu.memory_space<vmem>>
        %dma_wait3A_562 = arith.constant 0 : i32
        %dma_wait3A_563 = arith.constant 0 : i32
        %dma_wait3A_564 = tpu.memref_slice %arg2[%dma_wait3A_562, %dma_wait3A_563] : memref<10000x128xf32, #tpu.memory_space<hbm>> -> memref<40x128xf32, #tpu.memory_space<hbm>>
        %dma_wait3A_565 = arith.constant 0 : i32
        %dma_wait3A_566 = arith.constant 0 : i32
        %dma_wait3A_567 = tpu.memref_slice %arg10[%dma_wait3A_557, %dma_wait3A_565, %dma_wait3A_566] : memref<4x40x128xf32, #tpu.memory_space<vmem>> -> memref<1x40x128xf32, #tpu.memory_space<vmem>>
        %dma_wait3A_568 = tpu.memref_squeeze %dma_wait3A_567 : memref<1x40x128xf32, #tpu.memory_space<vmem>> -> memref<40x128xf32, #tpu.memory_space<vmem>>
        %dma_wait3A_569 = arith.constant 0 : i32
        %dma_wait3A_570 = arith.constant 0 : i32
        %dma_wait3A_571 = tpu.memref_slice %arg2[%dma_wait3A_569, %dma_wait3A_570] : memref<10000x128xf32, #tpu.memory_space<hbm>> -> memref<40x128xf32, #tpu.memory_space<hbm>>
        tpu.wait_dma2 semaphore(%arg19 : memref<!tpu.dma_semaphore, #tpu.memory_space<semaphore_mem>>) src(%dma_wait3A_571 : memref<40x128xf32, #tpu.memory_space<hbm>>) dst(%dma_wait3A_568 : memref<40x128xf32, #tpu.memory_space<vmem>>)
      }
      %scan3A_504 = arith.constant 5 : i32
    } else {
    }
    %eq3A_483 = arith.constant 1 : i32
    %eq3A_484 = arith.cmpi eq, %arg0, %eq3A_483 : i32
    %convert_element_type3A_485 = arith.extui %eq3A_484 : i1 to i32
    %cond3A_486 = arith.constant 0 : i32
    %cond3A_487 = arith.cmpi ne, %convert_element_type3A_485, %cond3A_486 : i32
    scf.if %cond3A_487 {
      %scan3A_499 = arith.constant 0 : i32
      %scan3A_500 = arith.constant 0 : i32
      %scan3A_501 = arith.constant 5 : i32
      %scan3A_502 = arith.addi %scan3A_500, %scan3A_501 : i32
      %scan3A_503 = arith.constant 1 : i32
      scf.for %scan3A_505 = %scan3A_500 to %scan3A_502 step %scan3A_503  : i32 {
        "tpu.region"() ({
          %run_scoped3A = tpu.sem_alloc : memref<!tpu.dma_semaphore, #tpu.memory_space<semaphore_mem>>
          %dma_start3A_572 = arith.constant 0 : i32
          %dma_start3A_573 = arith.constant 0 : i32
          %dma_start3A_574 = tpu.memref_slice %arg4[%arg1, %scan3A_505, %dma_start3A_572, %dma_start3A_573] : memref<16x5x100x40xi32, #tpu.memory_space<hbm>> -> memref<1x1x100x40xi32, #tpu.memory_space<hbm>>
          %dma_start3A_575 = tpu.memref_squeeze %dma_start3A_574 : memref<1x1x100x40xi32, #tpu.memory_space<hbm>> -> memref<100x40xi32, #tpu.memory_space<hbm>>
          %dma_start3A_576 = arith.constant 0 : i32
          %dma_start3A_577 = arith.constant 0 : i32
          %dma_start3A_578 = tpu.memref_slice %arg4[%arg1, %scan3A_505, %dma_start3A_576, %dma_start3A_577] : memref<16x5x100x40xi32, #tpu.memory_space<hbm>> -> memref<1x1x100x40xi32, #tpu.memory_space<hbm>>
          %dma_start3A_579 = tpu.memref_squeeze %dma_start3A_578 : memref<1x1x100x40xi32, #tpu.memory_space<hbm>> -> memref<100x40xi32, #tpu.memory_space<hbm>>
          tpu.enqueue_dma source(%dma_start3A_579 : memref<100x40xi32, #tpu.memory_space<hbm>>) target(%arg8 : memref<100x40xi32, #tpu.memory_space<vmem>>) target_semaphore(%run_scoped3A : memref<!tpu.dma_semaphore, #tpu.memory_space<semaphore_mem>>)
          %dma_wait3A_580 = arith.constant 0 : i32
          %dma_wait3A_581 = arith.constant 0 : i32
          %dma_wait3A_582 = tpu.memref_slice %arg4[%arg1, %scan3A_505, %dma_wait3A_580, %dma_wait3A_581] : memref<16x5x100x40xi32, #tpu.memory_space<hbm>> -> memref<1x1x100x40xi32, #tpu.memory_space<hbm>>
          %dma_wait3A_583 = tpu.memref_squeeze %dma_wait3A_582 : memref<1x1x100x40xi32, #tpu.memory_space<hbm>> -> memref<100x40xi32, #tpu.memory_space<hbm>>
          %dma_wait3A_584 = arith.constant 0 : i32
          %dma_wait3A_585 = arith.constant 0 : i32
          %dma_wait3A_586 = tpu.memref_slice %arg4[%arg1, %scan3A_505, %dma_wait3A_584, %dma_wait3A_585] : memref<16x5x100x40xi32, #tpu.memory_space<hbm>> -> memref<1x1x100x40xi32, #tpu.memory_space<hbm>>
          %dma_wait3A_587 = tpu.memref_squeeze %dma_wait3A_586 : memref<1x1x100x40xi32, #tpu.memory_space<hbm>> -> memref<100x40xi32, #tpu.memory_space<hbm>>
          tpu.wait_dma2 semaphore(%run_scoped3A : memref<!tpu.dma_semaphore, #tpu.memory_space<semaphore_mem>>) src(%dma_wait3A_587 : memref<100x40xi32, #tpu.memory_space<hbm>>) dst(%arg8 : memref<100x40xi32, #tpu.memory_space<vmem>>)
          tpu.yield
        }) : () -> ()
        "tpu.region"() ({
          %run_scoped3A = tpu.sem_alloc : memref<!tpu.dma_semaphore, #tpu.memory_space<semaphore_mem>>
          %dma_start3A_572 = arith.constant 0 : i32
          %dma_start3A_573 = arith.constant 0 : i32
          %dma_start3A_574 = tpu.memref_slice %arg5[%arg1, %scan3A_505, %dma_start3A_572, %dma_start3A_573] : memref<16x5x100x40xi32, #tpu.memory_space<hbm>> -> memref<1x1x100x40xi32, #tpu.memory_space<hbm>>
          %dma_start3A_575 = tpu.memref_squeeze %dma_start3A_574 : memref<1x1x100x40xi32, #tpu.memory_space<hbm>> -> memref<100x40xi32, #tpu.memory_space<hbm>>
          %dma_start3A_576 = arith.constant 0 : i32
          %dma_start3A_577 = arith.constant 0 : i32
          %dma_start3A_578 = tpu.memref_slice %arg5[%arg1, %scan3A_505, %dma_start3A_576, %dma_start3A_577] : memref<16x5x100x40xi32, #tpu.memory_space<hbm>> -> memref<1x1x100x40xi32, #tpu.memory_space<hbm>>
          %dma_start3A_579 = tpu.memref_squeeze %dma_start3A_578 : memref<1x1x100x40xi32, #tpu.memory_space<hbm>> -> memref<100x40xi32, #tpu.memory_space<hbm>>
          tpu.enqueue_dma source(%dma_start3A_579 : memref<100x40xi32, #tpu.memory_space<hbm>>) target(%arg9 : memref<100x40xi32, #tpu.memory_space<vmem>>) target_semaphore(%run_scoped3A : memref<!tpu.dma_semaphore, #tpu.memory_space<semaphore_mem>>)
          %dma_wait3A_580 = arith.constant 0 : i32
          %dma_wait3A_581 = arith.constant 0 : i32
          %dma_wait3A_582 = tpu.memref_slice %arg5[%arg1, %scan3A_505, %dma_wait3A_580, %dma_wait3A_581] : memref<16x5x100x40xi32, #tpu.memory_space<hbm>> -> memref<1x1x100x40xi32, #tpu.memory_space<hbm>>
          %dma_wait3A_583 = tpu.memref_squeeze %dma_wait3A_582 : memref<1x1x100x40xi32, #tpu.memory_space<hbm>> -> memref<100x40xi32, #tpu.memory_space<hbm>>
          %dma_wait3A_584 = arith.constant 0 : i32
          %dma_wait3A_585 = arith.constant 0 : i32
          %dma_wait3A_586 = tpu.memref_slice %arg5[%arg1, %scan3A_505, %dma_wait3A_584, %dma_wait3A_585] : memref<16x5x100x40xi32, #tpu.memory_space<hbm>> -> memref<1x1x100x40xi32, #tpu.memory_space<hbm>>
          %dma_wait3A_587 = tpu.memref_squeeze %dma_wait3A_586 : memref<1x1x100x40xi32, #tpu.memory_space<hbm>> -> memref<100x40xi32, #tpu.memory_space<hbm>>
          tpu.wait_dma2 semaphore(%run_scoped3A : memref<!tpu.dma_semaphore, #tpu.memory_space<semaphore_mem>>) src(%dma_wait3A_587 : memref<100x40xi32, #tpu.memory_space<hbm>>) dst(%arg9 : memref<100x40xi32, #tpu.memory_space<vmem>>)
          tpu.yield
        }) : () -> ()
        %scan3A_506 = arith.constant 0 : i32
        %scan3A_507 = arith.constant 0 : i32
        %scan3A_508 = arith.constant 25 : i32
        %scan3A_509 = arith.addi %scan3A_507, %scan3A_508 : i32
        %scan3A_510 = arith.constant 1 : i32
        scf.for %scan3A_572 = %scan3A_507 to %scan3A_509 step %scan3A_510  : i32 {
          %gt3A = arith.constant 0 : i32
          %gt3A_573 = arith.cmpi sgt, %scan3A_572, %gt3A : i32
          %convert_element_type3A_574 = arith.extui %gt3A_573 : i1 to i32
          %cond3A_575 = arith.constant 0 : i32
          %cond3A_576 = arith.cmpi ne, %convert_element_type3A_574, %cond3A_575 : i32
          scf.if %cond3A_576 {
            %dma_wait3A_756 = arith.constant 0 : i32
            %dma_wait3A_757 = arith.constant 0 : i32
            %dma_wait3A_758 = arith.constant 0 : i32
            %dma_wait3A_759 = tpu.memref_slice %arg10[%dma_wait3A_756, %dma_wait3A_757, %dma_wait3A_758] : memref<4x40x128xf32, #tpu.memory_space<vmem>> -> memref<1x40x128xf32, #tpu.memory_space<vmem>>
            %dma_wait3A_760 = tpu.memref_squeeze %dma_wait3A_759 : memref<1x40x128xf32, #tpu.memory_space<vmem>> -> memref<40x128xf32, #tpu.memory_space<vmem>>
            %dma_wait3A_761 = arith.constant 0 : i32
            %dma_wait3A_762 = arith.constant 0 : i32
            %dma_wait3A_763 = tpu.memref_slice %arg3[%dma_wait3A_761, %dma_wait3A_762] : memref<10000x128xf32, #tpu.memory_space<hbm>> -> memref<40x128xf32, #tpu.memory_space<hbm>>
            %dma_wait3A_764 = arith.constant 0 : i32
            %dma_wait3A_765 = arith.constant 0 : i32
            %dma_wait3A_766 = tpu.memref_slice %arg10[%dma_wait3A_756, %dma_wait3A_764, %dma_wait3A_765] : memref<4x40x128xf32, #tpu.memory_space<vmem>> -> memref<1x40x128xf32, #tpu.memory_space<vmem>>
            %dma_wait3A_767 = tpu.memref_squeeze %dma_wait3A_766 : memref<1x40x128xf32, #tpu.memory_space<vmem>> -> memref<40x128xf32, #tpu.memory_space<vmem>>
            %dma_wait3A_768 = arith.constant 0 : i32
            %dma_wait3A_769 = arith.constant 0 : i32
            %dma_wait3A_770 = tpu.memref_slice %arg3[%dma_wait3A_768, %dma_wait3A_769] : memref<10000x128xf32, #tpu.memory_space<hbm>> -> memref<40x128xf32, #tpu.memory_space<hbm>>
            tpu.wait_dma2 semaphore(%arg16 : memref<!tpu.dma_semaphore, #tpu.memory_space<semaphore_mem>>) src(%dma_wait3A_770 : memref<40x128xf32, #tpu.memory_space<hbm>>) dst(%dma_wait3A_767 : memref<40x128xf32, #tpu.memory_space<vmem>>)
          } else {
          }
          %mul3A_577 = arith.constant 4 : i32
          %mul3A_578 = arith.muli %scan3A_572, %mul3A_577 : i32
          %add3A_579 = arith.constant 0 : i32
          %add3A_580 = arith.addi %mul3A_578, %add3A_579 : i32
          %dma_start3A_581 = arith.constant 0 : i32
          %dma_start3A_582 = arith.constant 0 : i32
          %dma_start3A_583 = arith.constant 0 : i32
          %dma_start3A_584 = tpu.memref_slice %arg10[%dma_start3A_581, %dma_start3A_582, %dma_start3A_583] : memref<4x40x128xf32, #tpu.memory_space<vmem>> -> memref<1x40x128xf32, #tpu.memory_space<vmem>>
          %dma_start3A_585 = tpu.memref_squeeze %dma_start3A_584 : memref<1x40x128xf32, #tpu.memory_space<vmem>> -> memref<40x128xf32, #tpu.memory_space<vmem>>
          %dma_start3A_586 = arith.constant 0 : i32
          %dma_start3A_587 = tpu.memref_slice %arg8[%add3A_580, %dma_start3A_586] : memref<100x40xi32, #tpu.memory_space<vmem>> -> memref<1x40xi32, #tpu.memory_space<vmem>>
          %dma_start3A_588 = tpu.memref_squeeze %dma_start3A_587 : memref<1x40xi32, #tpu.memory_space<vmem>> -> memref<40xi32, #tpu.memory_space<vmem>>
          %dma_start3A_589 = arith.constant 0 : i32
          %dma_start3A_590 = arith.constant 0 : i32
          %dma_start3A_591 = tpu.memref_slice %arg3[%dma_start3A_589, %dma_start3A_590] : memref<10000x128xf32, #tpu.memory_space<hbm>> -> memref<10000x128xf32, #tpu.memory_space<hbm>>
          tpu.enqueue_indirect_dma source(%dma_start3A_591 : memref<10000x128xf32, #tpu.memory_space<hbm>>) target(%dma_start3A_585 : memref<40x128xf32, #tpu.memory_space<vmem>>) offsets(%dma_start3A_588 : memref<40xi32, #tpu.memory_space<vmem>>) semaphore(%arg12 : memref<!tpu.dma_semaphore, #tpu.memory_space<semaphore_mem>>)
          %gt3A_592 = arith.constant 0 : i32
          %gt3A_593 = arith.cmpi sgt, %scan3A_572, %gt3A_592 : i32
          %convert_element_type3A_594 = arith.extui %gt3A_593 : i1 to i32
          %cond3A_595 = arith.constant 0 : i32
          %cond3A_596 = arith.cmpi ne, %convert_element_type3A_594, %cond3A_595 : i32
          scf.if %cond3A_596 {
            %dma_wait3A_756 = arith.constant 1 : i32
            %dma_wait3A_757 = arith.constant 0 : i32
            %dma_wait3A_758 = arith.constant 0 : i32
            %dma_wait3A_759 = tpu.memref_slice %arg10[%dma_wait3A_756, %dma_wait3A_757, %dma_wait3A_758] : memref<4x40x128xf32, #tpu.memory_space<vmem>> -> memref<1x40x128xf32, #tpu.memory_space<vmem>>
            %dma_wait3A_760 = tpu.memref_squeeze %dma_wait3A_759 : memref<1x40x128xf32, #tpu.memory_space<vmem>> -> memref<40x128xf32, #tpu.memory_space<vmem>>
            %dma_wait3A_761 = arith.constant 0 : i32
            %dma_wait3A_762 = arith.constant 0 : i32
            %dma_wait3A_763 = tpu.memref_slice %arg3[%dma_wait3A_761, %dma_wait3A_762] : memref<10000x128xf32, #tpu.memory_space<hbm>> -> memref<40x128xf32, #tpu.memory_space<hbm>>
            %dma_wait3A_764 = arith.constant 0 : i32
            %dma_wait3A_765 = arith.constant 0 : i32
            %dma_wait3A_766 = tpu.memref_slice %arg10[%dma_wait3A_756, %dma_wait3A_764, %dma_wait3A_765] : memref<4x40x128xf32, #tpu.memory_space<vmem>> -> memref<1x40x128xf32, #tpu.memory_space<vmem>>
            %dma_wait3A_767 = tpu.memref_squeeze %dma_wait3A_766 : memref<1x40x128xf32, #tpu.memory_space<vmem>> -> memref<40x128xf32, #tpu.memory_space<vmem>>
            %dma_wait3A_768 = arith.constant 0 : i32
            %dma_wait3A_769 = arith.constant 0 : i32
            %dma_wait3A_770 = tpu.memref_slice %arg3[%dma_wait3A_768, %dma_wait3A_769] : memref<10000x128xf32, #tpu.memory_space<hbm>> -> memref<40x128xf32, #tpu.memory_space<hbm>>
            tpu.wait_dma2 semaphore(%arg17 : memref<!tpu.dma_semaphore, #tpu.memory_space<semaphore_mem>>) src(%dma_wait3A_770 : memref<40x128xf32, #tpu.memory_space<hbm>>) dst(%dma_wait3A_767 : memref<40x128xf32, #tpu.memory_space<vmem>>)
          } else {
          }
          %mul3A_597 = arith.constant 4 : i32
          %mul3A_598 = arith.muli %scan3A_572, %mul3A_597 : i32
          %add3A_599 = arith.constant 1 : i32
          %add3A_600 = arith.addi %mul3A_598, %add3A_599 : i32
          %dma_start3A_601 = arith.constant 1 : i32
          %dma_start3A_602 = arith.constant 0 : i32
          %dma_start3A_603 = arith.constant 0 : i32
          %dma_start3A_604 = tpu.memref_slice %arg10[%dma_start3A_601, %dma_start3A_602, %dma_start3A_603] : memref<4x40x128xf32, #tpu.memory_space<vmem>> -> memref<1x40x128xf32, #tpu.memory_space<vmem>>
          %dma_start3A_605 = tpu.memref_squeeze %dma_start3A_604 : memref<1x40x128xf32, #tpu.memory_space<vmem>> -> memref<40x128xf32, #tpu.memory_space<vmem>>
          %dma_start3A_606 = arith.constant 0 : i32
          %dma_start3A_607 = tpu.memref_slice %arg8[%add3A_600, %dma_start3A_606] : memref<100x40xi32, #tpu.memory_space<vmem>> -> memref<1x40xi32, #tpu.memory_space<vmem>>
          %dma_start3A_608 = tpu.memref_squeeze %dma_start3A_607 : memref<1x40xi32, #tpu.memory_space<vmem>> -> memref<40xi32, #tpu.memory_space<vmem>>
          %dma_start3A_609 = arith.constant 0 : i32
          %dma_start3A_610 = arith.constant 0 : i32
          %dma_start3A_611 = tpu.memref_slice %arg3[%dma_start3A_609, %dma_start3A_610] : memref<10000x128xf32, #tpu.memory_space<hbm>> -> memref<10000x128xf32, #tpu.memory_space<hbm>>
          tpu.enqueue_indirect_dma source(%dma_start3A_611 : memref<10000x128xf32, #tpu.memory_space<hbm>>) target(%dma_start3A_605 : memref<40x128xf32, #tpu.memory_space<vmem>>) offsets(%dma_start3A_608 : memref<40xi32, #tpu.memory_space<vmem>>) semaphore(%arg13 : memref<!tpu.dma_semaphore, #tpu.memory_space<semaphore_mem>>)
          %gt3A_612 = arith.constant 0 : i32
          %gt3A_613 = arith.cmpi sgt, %scan3A_572, %gt3A_612 : i32
          %convert_element_type3A_614 = arith.extui %gt3A_613 : i1 to i32
          %cond3A_615 = arith.constant 0 : i32
          %cond3A_616 = arith.cmpi ne, %convert_element_type3A_614, %cond3A_615 : i32
          scf.if %cond3A_616 {
            %dma_wait3A_756 = arith.constant 2 : i32
            %dma_wait3A_757 = arith.constant 0 : i32
            %dma_wait3A_758 = arith.constant 0 : i32
            %dma_wait3A_759 = tpu.memref_slice %arg10[%dma_wait3A_756, %dma_wait3A_757, %dma_wait3A_758] : memref<4x40x128xf32, #tpu.memory_space<vmem>> -> memref<1x40x128xf32, #tpu.memory_space<vmem>>
            %dma_wait3A_760 = tpu.memref_squeeze %dma_wait3A_759 : memref<1x40x128xf32, #tpu.memory_space<vmem>> -> memref<40x128xf32, #tpu.memory_space<vmem>>
            %dma_wait3A_761 = arith.constant 0 : i32
            %dma_wait3A_762 = arith.constant 0 : i32
            %dma_wait3A_763 = tpu.memref_slice %arg3[%dma_wait3A_761, %dma_wait3A_762] : memref<10000x128xf32, #tpu.memory_space<hbm>> -> memref<40x128xf32, #tpu.memory_space<hbm>>
            %dma_wait3A_764 = arith.constant 0 : i32
            %dma_wait3A_765 = arith.constant 0 : i32
            %dma_wait3A_766 = tpu.memref_slice %arg10[%dma_wait3A_756, %dma_wait3A_764, %dma_wait3A_765] : memref<4x40x128xf32, #tpu.memory_space<vmem>> -> memref<1x40x128xf32, #tpu.memory_space<vmem>>
            %dma_wait3A_767 = tpu.memref_squeeze %dma_wait3A_766 : memref<1x40x128xf32, #tpu.memory_space<vmem>> -> memref<40x128xf32, #tpu.memory_space<vmem>>
            %dma_wait3A_768 = arith.constant 0 : i32
            %dma_wait3A_769 = arith.constant 0 : i32
            %dma_wait3A_770 = tpu.memref_slice %arg3[%dma_wait3A_768, %dma_wait3A_769] : memref<10000x128xf32, #tpu.memory_space<hbm>> -> memref<40x128xf32, #tpu.memory_space<hbm>>
            tpu.wait_dma2 semaphore(%arg18 : memref<!tpu.dma_semaphore, #tpu.memory_space<semaphore_mem>>) src(%dma_wait3A_770 : memref<40x128xf32, #tpu.memory_space<hbm>>) dst(%dma_wait3A_767 : memref<40x128xf32, #tpu.memory_space<vmem>>)
          } else {
          }
          %mul3A_617 = arith.constant 4 : i32
          %mul3A_618 = arith.muli %scan3A_572, %mul3A_617 : i32
          %add3A_619 = arith.constant 2 : i32
          %add3A_620 = arith.addi %mul3A_618, %add3A_619 : i32
          %dma_start3A_621 = arith.constant 2 : i32
          %dma_start3A_622 = arith.constant 0 : i32
          %dma_start3A_623 = arith.constant 0 : i32
          %dma_start3A_624 = tpu.memref_slice %arg10[%dma_start3A_621, %dma_start3A_622, %dma_start3A_623] : memref<4x40x128xf32, #tpu.memory_space<vmem>> -> memref<1x40x128xf32, #tpu.memory_space<vmem>>
          %dma_start3A_625 = tpu.memref_squeeze %dma_start3A_624 : memref<1x40x128xf32, #tpu.memory_space<vmem>> -> memref<40x128xf32, #tpu.memory_space<vmem>>
          %dma_start3A_626 = arith.constant 0 : i32
          %dma_start3A_627 = tpu.memref_slice %arg8[%add3A_620, %dma_start3A_626] : memref<100x40xi32, #tpu.memory_space<vmem>> -> memref<1x40xi32, #tpu.memory_space<vmem>>
          %dma_start3A_628 = tpu.memref_squeeze %dma_start3A_627 : memref<1x40xi32, #tpu.memory_space<vmem>> -> memref<40xi32, #tpu.memory_space<vmem>>
          %dma_start3A_629 = arith.constant 0 : i32
          %dma_start3A_630 = arith.constant 0 : i32
          %dma_start3A_631 = tpu.memref_slice %arg3[%dma_start3A_629, %dma_start3A_630] : memref<10000x128xf32, #tpu.memory_space<hbm>> -> memref<10000x128xf32, #tpu.memory_space<hbm>>
          tpu.enqueue_indirect_dma source(%dma_start3A_631 : memref<10000x128xf32, #tpu.memory_space<hbm>>) target(%dma_start3A_625 : memref<40x128xf32, #tpu.memory_space<vmem>>) offsets(%dma_start3A_628 : memref<40xi32, #tpu.memory_space<vmem>>) semaphore(%arg14 : memref<!tpu.dma_semaphore, #tpu.memory_space<semaphore_mem>>)
          %gt3A_632 = arith.constant 0 : i32
          %gt3A_633 = arith.cmpi sgt, %scan3A_572, %gt3A_632 : i32
          %convert_element_type3A_634 = arith.extui %gt3A_633 : i1 to i32
          %cond3A_635 = arith.constant 0 : i32
          %cond3A_636 = arith.cmpi ne, %convert_element_type3A_634, %cond3A_635 : i32
          scf.if %cond3A_636 {
            %dma_wait3A_756 = arith.constant 3 : i32
            %dma_wait3A_757 = arith.constant 0 : i32
            %dma_wait3A_758 = arith.constant 0 : i32
            %dma_wait3A_759 = tpu.memref_slice %arg10[%dma_wait3A_756, %dma_wait3A_757, %dma_wait3A_758] : memref<4x40x128xf32, #tpu.memory_space<vmem>> -> memref<1x40x128xf32, #tpu.memory_space<vmem>>
            %dma_wait3A_760 = tpu.memref_squeeze %dma_wait3A_759 : memref<1x40x128xf32, #tpu.memory_space<vmem>> -> memref<40x128xf32, #tpu.memory_space<vmem>>
            %dma_wait3A_761 = arith.constant 0 : i32
            %dma_wait3A_762 = arith.constant 0 : i32
            %dma_wait3A_763 = tpu.memref_slice %arg3[%dma_wait3A_761, %dma_wait3A_762] : memref<10000x128xf32, #tpu.memory_space<hbm>> -> memref<40x128xf32, #tpu.memory_space<hbm>>
            %dma_wait3A_764 = arith.constant 0 : i32
            %dma_wait3A_765 = arith.constant 0 : i32
            %dma_wait3A_766 = tpu.memref_slice %arg10[%dma_wait3A_756, %dma_wait3A_764, %dma_wait3A_765] : memref<4x40x128xf32, #tpu.memory_space<vmem>> -> memref<1x40x128xf32, #tpu.memory_space<vmem>>
            %dma_wait3A_767 = tpu.memref_squeeze %dma_wait3A_766 : memref<1x40x128xf32, #tpu.memory_space<vmem>> -> memref<40x128xf32, #tpu.memory_space<vmem>>
            %dma_wait3A_768 = arith.constant 0 : i32
            %dma_wait3A_769 = arith.constant 0 : i32
            %dma_wait3A_770 = tpu.memref_slice %arg3[%dma_wait3A_768, %dma_wait3A_769] : memref<10000x128xf32, #tpu.memory_space<hbm>> -> memref<40x128xf32, #tpu.memory_space<hbm>>
            tpu.wait_dma2 semaphore(%arg19 : memref<!tpu.dma_semaphore, #tpu.memory_space<semaphore_mem>>) src(%dma_wait3A_770 : memref<40x128xf32, #tpu.memory_space<hbm>>) dst(%dma_wait3A_767 : memref<40x128xf32, #tpu.memory_space<vmem>>)
          } else {
          }
          %mul3A_637 = arith.constant 4 : i32
          %mul3A_638 = arith.muli %scan3A_572, %mul3A_637 : i32
          %add3A_639 = arith.constant 3 : i32
          %add3A_640 = arith.addi %mul3A_638, %add3A_639 : i32
          %dma_start3A_641 = arith.constant 3 : i32
          %dma_start3A_642 = arith.constant 0 : i32
          %dma_start3A_643 = arith.constant 0 : i32
          %dma_start3A_644 = tpu.memref_slice %arg10[%dma_start3A_641, %dma_start3A_642, %dma_start3A_643] : memref<4x40x128xf32, #tpu.memory_space<vmem>> -> memref<1x40x128xf32, #tpu.memory_space<vmem>>
          %dma_start3A_645 = tpu.memref_squeeze %dma_start3A_644 : memref<1x40x128xf32, #tpu.memory_space<vmem>> -> memref<40x128xf32, #tpu.memory_space<vmem>>
          %dma_start3A_646 = arith.constant 0 : i32
          %dma_start3A_647 = tpu.memref_slice %arg8[%add3A_640, %dma_start3A_646] : memref<100x40xi32, #tpu.memory_space<vmem>> -> memref<1x40xi32, #tpu.memory_space<vmem>>
          %dma_start3A_648 = tpu.memref_squeeze %dma_start3A_647 : memref<1x40xi32, #tpu.memory_space<vmem>> -> memref<40xi32, #tpu.memory_space<vmem>>
          %dma_start3A_649 = arith.constant 0 : i32
          %dma_start3A_650 = arith.constant 0 : i32
          %dma_start3A_651 = tpu.memref_slice %arg3[%dma_start3A_649, %dma_start3A_650] : memref<10000x128xf32, #tpu.memory_space<hbm>> -> memref<10000x128xf32, #tpu.memory_space<hbm>>
          tpu.enqueue_indirect_dma source(%dma_start3A_651 : memref<10000x128xf32, #tpu.memory_space<hbm>>) target(%dma_start3A_645 : memref<40x128xf32, #tpu.memory_space<vmem>>) offsets(%dma_start3A_648 : memref<40xi32, #tpu.memory_space<vmem>>) semaphore(%arg15 : memref<!tpu.dma_semaphore, #tpu.memory_space<semaphore_mem>>)
          %dma_wait3A_652 = arith.constant 0 : i32
          %dma_wait3A_653 = arith.constant 0 : i32
          %dma_wait3A_654 = arith.constant 0 : i32
          %dma_wait3A_655 = tpu.memref_slice %arg10[%dma_wait3A_652, %dma_wait3A_653, %dma_wait3A_654] : memref<4x40x128xf32, #tpu.memory_space<vmem>> -> memref<1x40x128xf32, #tpu.memory_space<vmem>>
          %dma_wait3A_656 = tpu.memref_squeeze %dma_wait3A_655 : memref<1x40x128xf32, #tpu.memory_space<vmem>> -> memref<40x128xf32, #tpu.memory_space<vmem>>
          %dma_wait3A_657 = arith.constant 0 : i32
          %dma_wait3A_658 = tpu.memref_slice %arg8[%add3A_580, %dma_wait3A_657] : memref<100x40xi32, #tpu.memory_space<vmem>> -> memref<1x40xi32, #tpu.memory_space<vmem>>
          %dma_wait3A_659 = tpu.memref_squeeze %dma_wait3A_658 : memref<1x40xi32, #tpu.memory_space<vmem>> -> memref<40xi32, #tpu.memory_space<vmem>>
          %dma_wait3A_660 = arith.constant 0 : i32
          %dma_wait3A_661 = arith.constant 0 : i32
          %dma_wait3A_662 = tpu.memref_slice %arg3[%dma_wait3A_660, %dma_wait3A_661] : memref<10000x128xf32, #tpu.memory_space<hbm>> -> memref<10000x128xf32, #tpu.memory_space<hbm>>
          tpu.wait_indirect_dma semaphore(%arg12 : memref<!tpu.dma_semaphore, #tpu.memory_space<semaphore_mem>>) src(%dma_wait3A_662 : memref<10000x128xf32, #tpu.memory_space<hbm>>) dst(%dma_wait3A_656 : memref<40x128xf32, #tpu.memory_space<vmem>>)
          %mul3A_663 = arith.constant 4 : i32
          %mul3A_664 = arith.muli %scan3A_572, %mul3A_663 : i32
          %add3A_665 = arith.constant 0 : i32
          %add3A_666 = arith.addi %mul3A_664, %add3A_665 : i32
          %dma_start3A_667 = arith.constant 0 : i32
          %dma_start3A_668 = arith.constant 0 : i32
          %dma_start3A_669 = arith.constant 0 : i32
          %dma_start3A_670 = tpu.memref_slice %arg10[%dma_start3A_667, %dma_start3A_668, %dma_start3A_669] : memref<4x40x128xf32, #tpu.memory_space<vmem>> -> memref<1x40x128xf32, #tpu.memory_space<vmem>>
          %dma_start3A_671 = tpu.memref_squeeze %dma_start3A_670 : memref<1x40x128xf32, #tpu.memory_space<vmem>> -> memref<40x128xf32, #tpu.memory_space<vmem>>
          %dma_start3A_672 = arith.constant 0 : i32
          %dma_start3A_673 = tpu.memref_slice %arg9[%add3A_666, %dma_start3A_672] : memref<100x40xi32, #tpu.memory_space<vmem>> -> memref<1x40xi32, #tpu.memory_space<vmem>>
          %dma_start3A_674 = tpu.memref_squeeze %dma_start3A_673 : memref<1x40xi32, #tpu.memory_space<vmem>> -> memref<40xi32, #tpu.memory_space<vmem>>
          %dma_start3A_675 = arith.constant 0 : i32
          %dma_start3A_676 = arith.constant 0 : i32
          %dma_start3A_677 = tpu.memref_slice %arg11[%dma_start3A_675, %dma_start3A_676] : memref<10240x128xf32, #tpu.memory_space<vmem_shared>> -> memref<10240x128xf32, #tpu.memory_space<vmem_shared>>
          tpu.enqueue_indirect_dma source(%dma_start3A_671 : memref<40x128xf32, #tpu.memory_space<vmem>>) target(%dma_start3A_677 : memref<10240x128xf32, #tpu.memory_space<vmem_shared>>) offsets(%dma_start3A_674 : memref<40xi32, #tpu.memory_space<vmem>>) semaphore(%arg16 : memref<!tpu.dma_semaphore, #tpu.memory_space<semaphore_mem>>) {add = true}
          %dma_wait3A_678 = arith.constant 1 : i32
          %dma_wait3A_679 = arith.constant 0 : i32
          %dma_wait3A_680 = arith.constant 0 : i32
          %dma_wait3A_681 = tpu.memref_slice %arg10[%dma_wait3A_678, %dma_wait3A_679, %dma_wait3A_680] : memref<4x40x128xf32, #tpu.memory_space<vmem>> -> memref<1x40x128xf32, #tpu.memory_space<vmem>>
          %dma_wait3A_682 = tpu.memref_squeeze %dma_wait3A_681 : memref<1x40x128xf32, #tpu.memory_space<vmem>> -> memref<40x128xf32, #tpu.memory_space<vmem>>
          %dma_wait3A_683 = arith.constant 0 : i32
          %dma_wait3A_684 = tpu.memref_slice %arg8[%add3A_600, %dma_wait3A_683] : memref<100x40xi32, #tpu.memory_space<vmem>> -> memref<1x40xi32, #tpu.memory_space<vmem>>
          %dma_wait3A_685 = tpu.memref_squeeze %dma_wait3A_684 : memref<1x40xi32, #tpu.memory_space<vmem>> -> memref<40xi32, #tpu.memory_space<vmem>>
          %dma_wait3A_686 = arith.constant 0 : i32
          %dma_wait3A_687 = arith.constant 0 : i32
          %dma_wait3A_688 = tpu.memref_slice %arg3[%dma_wait3A_686, %dma_wait3A_687] : memref<10000x128xf32, #tpu.memory_space<hbm>> -> memref<10000x128xf32, #tpu.memory_space<hbm>>
          tpu.wait_indirect_dma semaphore(%arg13 : memref<!tpu.dma_semaphore, #tpu.memory_space<semaphore_mem>>) src(%dma_wait3A_688 : memref<10000x128xf32, #tpu.memory_space<hbm>>) dst(%dma_wait3A_682 : memref<40x128xf32, #tpu.memory_space<vmem>>)
          %mul3A_689 = arith.constant 4 : i32
          %mul3A_690 = arith.muli %scan3A_572, %mul3A_689 : i32
          %add3A_691 = arith.constant 1 : i32
          %add3A_692 = arith.addi %mul3A_690, %add3A_691 : i32
          %dma_start3A_693 = arith.constant 1 : i32
          %dma_start3A_694 = arith.constant 0 : i32
          %dma_start3A_695 = arith.constant 0 : i32
          %dma_start3A_696 = tpu.memref_slice %arg10[%dma_start3A_693, %dma_start3A_694, %dma_start3A_695] : memref<4x40x128xf32, #tpu.memory_space<vmem>> -> memref<1x40x128xf32, #tpu.memory_space<vmem>>
          %dma_start3A_697 = tpu.memref_squeeze %dma_start3A_696 : memref<1x40x128xf32, #tpu.memory_space<vmem>> -> memref<40x128xf32, #tpu.memory_space<vmem>>
          %dma_start3A_698 = arith.constant 0 : i32
          %dma_start3A_699 = tpu.memref_slice %arg9[%add3A_692, %dma_start3A_698] : memref<100x40xi32, #tpu.memory_space<vmem>> -> memref<1x40xi32, #tpu.memory_space<vmem>>
          %dma_start3A_700 = tpu.memref_squeeze %dma_start3A_699 : memref<1x40xi32, #tpu.memory_space<vmem>> -> memref<40xi32, #tpu.memory_space<vmem>>
          %dma_start3A_701 = arith.constant 0 : i32
          %dma_start3A_702 = arith.constant 0 : i32
          %dma_start3A_703 = tpu.memref_slice %arg11[%dma_start3A_701, %dma_start3A_702] : memref<10240x128xf32, #tpu.memory_space<vmem_shared>> -> memref<10240x128xf32, #tpu.memory_space<vmem_shared>>
          tpu.enqueue_indirect_dma source(%dma_start3A_697 : memref<40x128xf32, #tpu.memory_space<vmem>>) target(%dma_start3A_703 : memref<10240x128xf32, #tpu.memory_space<vmem_shared>>) offsets(%dma_start3A_700 : memref<40xi32, #tpu.memory_space<vmem>>) semaphore(%arg17 : memref<!tpu.dma_semaphore, #tpu.memory_space<semaphore_mem>>) {add = true}
          %dma_wait3A_704 = arith.constant 2 : i32
          %dma_wait3A_705 = arith.constant 0 : i32
          %dma_wait3A_706 = arith.constant 0 : i32
          %dma_wait3A_707 = tpu.memref_slice %arg10[%dma_wait3A_704, %dma_wait3A_705, %dma_wait3A_706] : memref<4x40x128xf32, #tpu.memory_space<vmem>> -> memref<1x40x128xf32, #tpu.memory_space<vmem>>
          %dma_wait3A_708 = tpu.memref_squeeze %dma_wait3A_707 : memref<1x40x128xf32, #tpu.memory_space<vmem>> -> memref<40x128xf32, #tpu.memory_space<vmem>>
          %dma_wait3A_709 = arith.constant 0 : i32
          %dma_wait3A_710 = tpu.memref_slice %arg8[%add3A_620, %dma_wait3A_709] : memref<100x40xi32, #tpu.memory_space<vmem>> -> memref<1x40xi32, #tpu.memory_space<vmem>>
          %dma_wait3A_711 = tpu.memref_squeeze %dma_wait3A_710 : memref<1x40xi32, #tpu.memory_space<vmem>> -> memref<40xi32, #tpu.memory_space<vmem>>
          %dma_wait3A_712 = arith.constant 0 : i32
          %dma_wait3A_713 = arith.constant 0 : i32
          %dma_wait3A_714 = tpu.memref_slice %arg3[%dma_wait3A_712, %dma_wait3A_713] : memref<10000x128xf32, #tpu.memory_space<hbm>> -> memref<10000x128xf32, #tpu.memory_space<hbm>>
          tpu.wait_indirect_dma semaphore(%arg14 : memref<!tpu.dma_semaphore, #tpu.memory_space<semaphore_mem>>) src(%dma_wait3A_714 : memref<10000x128xf32, #tpu.memory_space<hbm>>) dst(%dma_wait3A_708 : memref<40x128xf32, #tpu.memory_space<vmem>>)
          %mul3A_715 = arith.constant 4 : i32
          %mul3A_716 = arith.muli %scan3A_572, %mul3A_715 : i32
          %add3A_717 = arith.constant 2 : i32
          %add3A_718 = arith.addi %mul3A_716, %add3A_717 : i32
          %dma_start3A_719 = arith.constant 2 : i32
          %dma_start3A_720 = arith.constant 0 : i32
          %dma_start3A_721 = arith.constant 0 : i32
          %dma_start3A_722 = tpu.memref_slice %arg10[%dma_start3A_719, %dma_start3A_720, %dma_start3A_721] : memref<4x40x128xf32, #tpu.memory_space<vmem>> -> memref<1x40x128xf32, #tpu.memory_space<vmem>>
          %dma_start3A_723 = tpu.memref_squeeze %dma_start3A_722 : memref<1x40x128xf32, #tpu.memory_space<vmem>> -> memref<40x128xf32, #tpu.memory_space<vmem>>
          %dma_start3A_724 = arith.constant 0 : i32
          %dma_start3A_725 = tpu.memref_slice %arg9[%add3A_718, %dma_start3A_724] : memref<100x40xi32, #tpu.memory_space<vmem>> -> memref<1x40xi32, #tpu.memory_space<vmem>>
          %dma_start3A_726 = tpu.memref_squeeze %dma_start3A_725 : memref<1x40xi32, #tpu.memory_space<vmem>> -> memref<40xi32, #tpu.memory_space<vmem>>
          %dma_start3A_727 = arith.constant 0 : i32
          %dma_start3A_728 = arith.constant 0 : i32
          %dma_start3A_729 = tpu.memref_slice %arg11[%dma_start3A_727, %dma_start3A_728] : memref<10240x128xf32, #tpu.memory_space<vmem_shared>> -> memref<10240x128xf32, #tpu.memory_space<vmem_shared>>
          tpu.enqueue_indirect_dma source(%dma_start3A_723 : memref<40x128xf32, #tpu.memory_space<vmem>>) target(%dma_start3A_729 : memref<10240x128xf32, #tpu.memory_space<vmem_shared>>) offsets(%dma_start3A_726 : memref<40xi32, #tpu.memory_space<vmem>>) semaphore(%arg18 : memref<!tpu.dma_semaphore, #tpu.memory_space<semaphore_mem>>) {add = true}
          %dma_wait3A_730 = arith.constant 3 : i32
          %dma_wait3A_731 = arith.constant 0 : i32
          %dma_wait3A_732 = arith.constant 0 : i32
          %dma_wait3A_733 = tpu.memref_slice %arg10[%dma_wait3A_730, %dma_wait3A_731, %dma_wait3A_732] : memref<4x40x128xf32, #tpu.memory_space<vmem>> -> memref<1x40x128xf32, #tpu.memory_space<vmem>>
          %dma_wait3A_734 = tpu.memref_squeeze %dma_wait3A_733 : memref<1x40x128xf32, #tpu.memory_space<vmem>> -> memref<40x128xf32, #tpu.memory_space<vmem>>
          %dma_wait3A_735 = arith.constant 0 : i32
          %dma_wait3A_736 = tpu.memref_slice %arg8[%add3A_640, %dma_wait3A_735] : memref<100x40xi32, #tpu.memory_space<vmem>> -> memref<1x40xi32, #tpu.memory_space<vmem>>
          %dma_wait3A_737 = tpu.memref_squeeze %dma_wait3A_736 : memref<1x40xi32, #tpu.memory_space<vmem>> -> memref<40xi32, #tpu.memory_space<vmem>>
          %dma_wait3A_738 = arith.constant 0 : i32
          %dma_wait3A_739 = arith.constant 0 : i32
          %dma_wait3A_740 = tpu.memref_slice %arg3[%dma_wait3A_738, %dma_wait3A_739] : memref<10000x128xf32, #tpu.memory_space<hbm>> -> memref<10000x128xf32, #tpu.memory_space<hbm>>
          tpu.wait_indirect_dma semaphore(%arg15 : memref<!tpu.dma_semaphore, #tpu.memory_space<semaphore_mem>>) src(%dma_wait3A_740 : memref<10000x128xf32, #tpu.memory_space<hbm>>) dst(%dma_wait3A_734 : memref<40x128xf32, #tpu.memory_space<vmem>>)
          %mul3A_741 = arith.constant 4 : i32
          %mul3A_742 = arith.muli %scan3A_572, %mul3A_741 : i32
          %add3A_743 = arith.constant 3 : i32
          %add3A_744 = arith.addi %mul3A_742, %add3A_743 : i32
          %dma_start3A_745 = arith.constant 3 : i32
          %dma_start3A_746 = arith.constant 0 : i32
          %dma_start3A_747 = arith.constant 0 : i32
          %dma_start3A_748 = tpu.memref_slice %arg10[%dma_start3A_745, %dma_start3A_746, %dma_start3A_747] : memref<4x40x128xf32, #tpu.memory_space<vmem>> -> memref<1x40x128xf32, #tpu.memory_space<vmem>>
          %dma_start3A_749 = tpu.memref_squeeze %dma_start3A_748 : memref<1x40x128xf32, #tpu.memory_space<vmem>> -> memref<40x128xf32, #tpu.memory_space<vmem>>
          %dma_start3A_750 = arith.constant 0 : i32
          %dma_start3A_751 = tpu.memref_slice %arg9[%add3A_744, %dma_start3A_750] : memref<100x40xi32, #tpu.memory_space<vmem>> -> memref<1x40xi32, #tpu.memory_space<vmem>>
          %dma_start3A_752 = tpu.memref_squeeze %dma_start3A_751 : memref<1x40xi32, #tpu.memory_space<vmem>> -> memref<40xi32, #tpu.memory_space<vmem>>
          %dma_start3A_753 = arith.constant 0 : i32
          %dma_start3A_754 = arith.constant 0 : i32
          %dma_start3A_755 = tpu.memref_slice %arg11[%dma_start3A_753, %dma_start3A_754] : memref<10240x128xf32, #tpu.memory_space<vmem_shared>> -> memref<10240x128xf32, #tpu.memory_space<vmem_shared>>
          tpu.enqueue_indirect_dma source(%dma_start3A_749 : memref<40x128xf32, #tpu.memory_space<vmem>>) target(%dma_start3A_755 : memref<10240x128xf32, #tpu.memory_space<vmem_shared>>) offsets(%dma_start3A_752 : memref<40xi32, #tpu.memory_space<vmem>>) semaphore(%arg19 : memref<!tpu.dma_semaphore, #tpu.memory_space<semaphore_mem>>) {add = true}
        }
        %scan3A_511 = arith.constant 25 : i32
        %dma_wait3A_512 = arith.constant 0 : i32
        %dma_wait3A_513 = arith.constant 0 : i32
        %dma_wait3A_514 = arith.constant 0 : i32
        %dma_wait3A_515 = tpu.memref_slice %arg10[%dma_wait3A_512, %dma_wait3A_513, %dma_wait3A_514] : memref<4x40x128xf32, #tpu.memory_space<vmem>> -> memref<1x40x128xf32, #tpu.memory_space<vmem>>
        %dma_wait3A_516 = tpu.memref_squeeze %dma_wait3A_515 : memref<1x40x128xf32, #tpu.memory_space<vmem>> -> memref<40x128xf32, #tpu.memory_space<vmem>>
        %dma_wait3A_517 = arith.constant 0 : i32
        %dma_wait3A_518 = arith.constant 0 : i32
        %dma_wait3A_519 = tpu.memref_slice %arg3[%dma_wait3A_517, %dma_wait3A_518] : memref<10000x128xf32, #tpu.memory_space<hbm>> -> memref<40x128xf32, #tpu.memory_space<hbm>>
        %dma_wait3A_520 = arith.constant 0 : i32
        %dma_wait3A_521 = arith.constant 0 : i32
        %dma_wait3A_522 = tpu.memref_slice %arg10[%dma_wait3A_512, %dma_wait3A_520, %dma_wait3A_521] : memref<4x40x128xf32, #tpu.memory_space<vmem>> -> memref<1x40x128xf32, #tpu.memory_space<vmem>>
        %dma_wait3A_523 = tpu.memref_squeeze %dma_wait3A_522 : memref<1x40x128xf32, #tpu.memory_space<vmem>> -> memref<40x128xf32, #tpu.memory_space<vmem>>
        %dma_wait3A_524 = arith.constant 0 : i32
        %dma_wait3A_525 = arith.constant 0 : i32
        %dma_wait3A_526 = tpu.memref_slice %arg3[%dma_wait3A_524, %dma_wait3A_525] : memref<10000x128xf32, #tpu.memory_space<hbm>> -> memref<40x128xf32, #tpu.memory_space<hbm>>
        tpu.wait_dma2 semaphore(%arg16 : memref<!tpu.dma_semaphore, #tpu.memory_space<semaphore_mem>>) src(%dma_wait3A_526 : memref<40x128xf32, #tpu.memory_space<hbm>>) dst(%dma_wait3A_523 : memref<40x128xf32, #tpu.memory_space<vmem>>)
        %dma_wait3A_527 = arith.constant 1 : i32
        %dma_wait3A_528 = arith.constant 0 : i32
        %dma_wait3A_529 = arith.constant 0 : i32
        %dma_wait3A_530 = tpu.memref_slice %arg10[%dma_wait3A_527, %dma_wait3A_528, %dma_wait3A_529] : memref<4x40x128xf32, #tpu.memory_space<vmem>> -> memref<1x40x128xf32, #tpu.memory_space<vmem>>
        %dma_wait3A_531 = tpu.memref_squeeze %dma_wait3A_530 : memref<1x40x128xf32, #tpu.memory_space<vmem>> -> memref<40x128xf32, #tpu.memory_space<vmem>>
        %dma_wait3A_532 = arith.constant 0 : i32
        %dma_wait3A_533 = arith.constant 0 : i32
        %dma_wait3A_534 = tpu.memref_slice %arg3[%dma_wait3A_532, %dma_wait3A_533] : memref<10000x128xf32, #tpu.memory_space<hbm>> -> memref<40x128xf32, #tpu.memory_space<hbm>>
        %dma_wait3A_535 = arith.constant 0 : i32
        %dma_wait3A_536 = arith.constant 0 : i32
        %dma_wait3A_537 = tpu.memref_slice %arg10[%dma_wait3A_527, %dma_wait3A_535, %dma_wait3A_536] : memref<4x40x128xf32, #tpu.memory_space<vmem>> -> memref<1x40x128xf32, #tpu.memory_space<vmem>>
        %dma_wait3A_538 = tpu.memref_squeeze %dma_wait3A_537 : memref<1x40x128xf32, #tpu.memory_space<vmem>> -> memref<40x128xf32, #tpu.memory_space<vmem>>
        %dma_wait3A_539 = arith.constant 0 : i32
        %dma_wait3A_540 = arith.constant 0 : i32
        %dma_wait3A_541 = tpu.memref_slice %arg3[%dma_wait3A_539, %dma_wait3A_540] : memref<10000x128xf32, #tpu.memory_space<hbm>> -> memref<40x128xf32, #tpu.memory_space<hbm>>
        tpu.wait_dma2 semaphore(%arg17 : memref<!tpu.dma_semaphore, #tpu.memory_space<semaphore_mem>>) src(%dma_wait3A_541 : memref<40x128xf32, #tpu.memory_space<hbm>>) dst(%dma_wait3A_538 : memref<40x128xf32, #tpu.memory_space<vmem>>)
        %dma_wait3A_542 = arith.constant 2 : i32
        %dma_wait3A_543 = arith.constant 0 : i32
        %dma_wait3A_544 = arith.constant 0 : i32
        %dma_wait3A_545 = tpu.memref_slice %arg10[%dma_wait3A_542, %dma_wait3A_543, %dma_wait3A_544] : memref<4x40x128xf32, #tpu.memory_space<vmem>> -> memref<1x40x128xf32, #tpu.memory_space<vmem>>
        %dma_wait3A_546 = tpu.memref_squeeze %dma_wait3A_545 : memref<1x40x128xf32, #tpu.memory_space<vmem>> -> memref<40x128xf32, #tpu.memory_space<vmem>>
        %dma_wait3A_547 = arith.constant 0 : i32
        %dma_wait3A_548 = arith.constant 0 : i32
        %dma_wait3A_549 = tpu.memref_slice %arg3[%dma_wait3A_547, %dma_wait3A_548] : memref<10000x128xf32, #tpu.memory_space<hbm>> -> memref<40x128xf32, #tpu.memory_space<hbm>>
        %dma_wait3A_550 = arith.constant 0 : i32
        %dma_wait3A_551 = arith.constant 0 : i32
        %dma_wait3A_552 = tpu.memref_slice %arg10[%dma_wait3A_542, %dma_wait3A_550, %dma_wait3A_551] : memref<4x40x128xf32, #tpu.memory_space<vmem>> -> memref<1x40x128xf32, #tpu.memory_space<vmem>>
        %dma_wait3A_553 = tpu.memref_squeeze %dma_wait3A_552 : memref<1x40x128xf32, #tpu.memory_space<vmem>> -> memref<40x128xf32, #tpu.memory_space<vmem>>
        %dma_wait3A_554 = arith.constant 0 : i32
        %dma_wait3A_555 = arith.constant 0 : i32
        %dma_wait3A_556 = tpu.memref_slice %arg3[%dma_wait3A_554, %dma_wait3A_555] : memref<10000x128xf32, #tpu.memory_space<hbm>> -> memref<40x128xf32, #tpu.memory_space<hbm>>
        tpu.wait_dma2 semaphore(%arg18 : memref<!tpu.dma_semaphore, #tpu.memory_space<semaphore_mem>>) src(%dma_wait3A_556 : memref<40x128xf32, #tpu.memory_space<hbm>>) dst(%dma_wait3A_553 : memref<40x128xf32, #tpu.memory_space<vmem>>)
        %dma_wait3A_557 = arith.constant 3 : i32
        %dma_wait3A_558 = arith.constant 0 : i32
        %dma_wait3A_559 = arith.constant 0 : i32
        %dma_wait3A_560 = tpu.memref_slice %arg10[%dma_wait3A_557, %dma_wait3A_558, %dma_wait3A_559] : memref<4x40x128xf32, #tpu.memory_space<vmem>> -> memref<1x40x128xf32, #tpu.memory_space<vmem>>
        %dma_wait3A_561 = tpu.memref_squeeze %dma_wait3A_560 : memref<1x40x128xf32, #tpu.memory_space<vmem>> -> memref<40x128xf32, #tpu.memory_space<vmem>>
        %dma_wait3A_562 = arith.constant 0 : i32
        %dma_wait3A_563 = arith.constant 0 : i32
        %dma_wait3A_564 = tpu.memref_slice %arg3[%dma_wait3A_562, %dma_wait3A_563] : memref<10000x128xf32, #tpu.memory_space<hbm>> -> memref<40x128xf32, #tpu.memory_space<hbm>>
        %dma_wait3A_565 = arith.constant 0 : i32
        %dma_wait3A_566 = arith.constant 0 : i32
        %dma_wait3A_567 = tpu.memref_slice %arg10[%dma_wait3A_557, %dma_wait3A_565, %dma_wait3A_566] : memref<4x40x128xf32, #tpu.memory_space<vmem>> -> memref<1x40x128xf32, #tpu.memory_space<vmem>>
        %dma_wait3A_568 = tpu.memref_squeeze %dma_wait3A_567 : memref<1x40x128xf32, #tpu.memory_space<vmem>> -> memref<40x128xf32, #tpu.memory_space<vmem>>
        %dma_wait3A_569 = arith.constant 0 : i32
        %dma_wait3A_570 = arith.constant 0 : i32
        %dma_wait3A_571 = tpu.memref_slice %arg3[%dma_wait3A_569, %dma_wait3A_570] : memref<10000x128xf32, #tpu.memory_space<hbm>> -> memref<40x128xf32, #tpu.memory_space<hbm>>
        tpu.wait_dma2 semaphore(%arg19 : memref<!tpu.dma_semaphore, #tpu.memory_space<semaphore_mem>>) src(%dma_wait3A_571 : memref<40x128xf32, #tpu.memory_space<hbm>>) dst(%dma_wait3A_568 : memref<40x128xf32, #tpu.memory_space<vmem>>)
      }
      %scan3A_504 = arith.constant 5 : i32
    } else {
    }
    %barrier3A_488 = arith.constant 0 : index
    tpu.barrier barrier_id(%barrier3A_488)
    %eq3A_489 = arith.constant 0 : i32
    %eq3A_490 = arith.cmpi eq, %arg0, %eq3A_489 : i32
    %convert_element_type3A_491 = arith.extui %eq3A_490 : i1 to i32
    %cond3A_492 = arith.constant 0 : i32
    %cond3A_493 = arith.cmpi ne, %convert_element_type3A_491, %cond3A_492 : i32
    scf.if %cond3A_493 {
      %mul3A_499 = arith.constant 640 : i32
      %mul3A_500 = arith.muli %arg1, %mul3A_499 : i32
      %mul3A_501 = arith.constant 640 : i32
      %mul3A_502 = arith.muli %arg1, %mul3A_501 : i32
      "tpu.region"() ({
        %run_scoped3A = tpu.sem_alloc : memref<!tpu.dma_semaphore, #tpu.memory_space<semaphore_mem>>
        %dma_start3A_503 = arith.constant 0 : i32
        %dma_start3A_504 = tpu.memref_slice %arg6[%mul3A_502, %dma_start3A_503] : memref<10240x128xf32, #tpu.memory_space<hbm>> -> memref<640x128xf32, #tpu.memory_space<hbm>>
        %dma_start3A_505 = arith.constant 0 : i32
        %dma_start3A_506 = tpu.memref_slice %arg11[%mul3A_500, %dma_start3A_505] : memref<10240x128xf32, #tpu.memory_space<vmem_shared>> -> memref<640x128xf32, #tpu.memory_space<vmem_shared>>
        tpu.enqueue_dma source(%dma_start3A_506 : memref<640x128xf32, #tpu.memory_space<vmem_shared>>) target(%dma_start3A_504 : memref<640x128xf32, #tpu.memory_space<hbm>>) target_semaphore(%run_scoped3A : memref<!tpu.dma_semaphore, #tpu.memory_space<semaphore_mem>>)
        %dma_wait3A_507 = arith.constant 0 : i32
        %dma_wait3A_508 = tpu.memref_slice %arg6[%mul3A_502, %dma_wait3A_507] : memref<10240x128xf32, #tpu.memory_space<hbm>> -> memref<640x128xf32, #tpu.memory_space<hbm>>
        %dma_wait3A_509 = arith.constant 0 : i32
        %dma_wait3A_510 = tpu.memref_slice %arg11[%mul3A_500, %dma_wait3A_509] : memref<10240x128xf32, #tpu.memory_space<vmem_shared>> -> memref<640x128xf32, #tpu.memory_space<vmem_shared>>
        tpu.wait_dma2 semaphore(%run_scoped3A : memref<!tpu.dma_semaphore, #tpu.memory_space<semaphore_mem>>) src(%dma_wait3A_510 : memref<640x128xf32, #tpu.memory_space<vmem_shared>>) dst(%dma_wait3A_508 : memref<640x128xf32, #tpu.memory_space<hbm>>)
        tpu.yield
      }) : () -> ()
    } else {
    }
    %eq3A_494 = arith.constant 1 : i32
    %eq3A_495 = arith.cmpi eq, %arg0, %eq3A_494 : i32
    %convert_element_type3A_496 = arith.extui %eq3A_495 : i1 to i32
    %cond3A_497 = arith.constant 0 : i32
    %cond3A_498 = arith.cmpi ne, %convert_element_type3A_496, %cond3A_497 : i32
    scf.if %cond3A_498 {
      %mul3A_499 = arith.constant 640 : i32
      %mul3A_500 = arith.muli %arg1, %mul3A_499 : i32
      %mul3A_501 = arith.constant 640 : i32
      %mul3A_502 = arith.muli %arg1, %mul3A_501 : i32
      "tpu.region"() ({
        %run_scoped3A = tpu.sem_alloc : memref<!tpu.dma_semaphore, #tpu.memory_space<semaphore_mem>>
        %dma_start3A_503 = arith.constant 0 : i32
        %dma_start3A_504 = tpu.memref_slice %arg7[%mul3A_502, %dma_start3A_503] : memref<10240x128xf32, #tpu.memory_space<hbm>> -> memref<640x128xf32, #tpu.memory_space<hbm>>
        %dma_start3A_505 = arith.constant 0 : i32
        %dma_start3A_506 = tpu.memref_slice %arg11[%mul3A_500, %dma_start3A_505] : memref<10240x128xf32, #tpu.memory_space<vmem_shared>> -> memref<640x128xf32, #tpu.memory_space<vmem_shared>>
        tpu.enqueue_dma source(%dma_start3A_506 : memref<640x128xf32, #tpu.memory_space<vmem_shared>>) target(%dma_start3A_504 : memref<640x128xf32, #tpu.memory_space<hbm>>) target_semaphore(%run_scoped3A : memref<!tpu.dma_semaphore, #tpu.memory_space<semaphore_mem>>)
        %dma_wait3A_507 = arith.constant 0 : i32
        %dma_wait3A_508 = tpu.memref_slice %arg7[%mul3A_502, %dma_wait3A_507] : memref<10240x128xf32, #tpu.memory_space<hbm>> -> memref<640x128xf32, #tpu.memory_space<hbm>>
        %dma_wait3A_509 = arith.constant 0 : i32
        %dma_wait3A_510 = tpu.memref_slice %arg11[%mul3A_500, %dma_wait3A_509] : memref<10240x128xf32, #tpu.memory_space<vmem_shared>> -> memref<640x128xf32, #tpu.memory_space<vmem_shared>>
        tpu.wait_dma2 semaphore(%run_scoped3A : memref<!tpu.dma_semaphore, #tpu.memory_space<semaphore_mem>>) src(%dma_wait3A_510 : memref<640x128xf32, #tpu.memory_space<vmem_shared>>) dst(%dma_wait3A_508 : memref<640x128xf32, #tpu.memory_space<hbm>>)
        tpu.yield
      }) : () -> ()
    } else {
    }
    return
  }
}

#map = affine_map<(d0, d1) -> (0, 0, 0, 0)>
#map1 = affine_map<(d0, d1) -> (0)>
#map2 = affine_map<(d0, d1) -> (0, 0)>
module attributes {stable_mosaic.version = 14 : i64} {
  func.func @_deg_body(%arg0: i32, %arg1: i32, %arg2: memref<16x5x100x40xi32, #tpu.memory_space<hbm>>, %arg3: memref<640xf32, #tpu.memory_space<hbm>>, %arg4: memref<2x10240xf32, #tpu.memory_space<hbm>>, %arg5: memref<5x100x40xi32, #tpu.memory_space<vmem>>, %arg6: memref<40xf32, #tpu.memory_space<vmem>>, %arg7: memref<10240xf32, #tpu.memory_space<vmem_shared>>, %arg8: memref<!tpu.dma_semaphore, #tpu.memory_space<semaphore_mem>>) attributes {dimension_semantics = [#tpu.dimension_semantics<core_parallel>, #tpu.dimension_semantics<subcore_parallel>], iteration_bounds = array<i64: 2, 16>, scalar_prefetch = 0 : i64, scratch_operands = 4 : i64, tpu.core_type = #tpu.core_type<sc_vector_subcore>, window_params = [{transform_indices = #map}, {transform_indices = #map1}, {transform_indices = #map2}]} {
    %broadcast_in_dim3A = arith.constant 1.000000e+00 : f32
    %broadcast_in_dim3A_0 = vector.broadcast %broadcast_in_dim3A : f32 to vector<16xf32>
    %swap3A = arith.constant 0 : index
    %swap3A_1 = tpu.vector_load %arg6[%swap3A] {strides = array<i32>} : memref<40xf32, #tpu.memory_space<vmem>>, vector<16xf32>,
    %swap3A_2 = vector.shape_cast %swap3A_1 : vector<16xf32> to vector<16xf32>
    %swap3A_3 = vector.shape_cast %broadcast_in_dim3A_0 : vector<16xf32> to vector<16xf32>
    tpu.vector_store %arg6[%swap3A], %swap3A_3 {strides = array<i32>} : memref<40xf32, #tpu.memory_space<vmem>>, vector<16xf32>,
    %broadcast_in_dim3A_4 = arith.constant 1.000000e+00 : f32
    %broadcast_in_dim3A_5 = vector.broadcast %broadcast_in_dim3A_4 : f32 to vector<16xf32>
    %swap3A_6 = arith.constant 16 : index
    %swap3A_7 = tpu.vector_load %arg6[%swap3A_6] {strides = array<i32>} : memref<40xf32, #tpu.memory_space<vmem>>, vector<16xf32>,
    %swap3A_8 = vector.shape_cast %swap3A_7 : vector<16xf32> to vector<16xf32>
    %swap3A_9 = vector.shape_cast %broadcast_in_dim3A_5 : vector<16xf32> to vector<16xf32>
    tpu.vector_store %arg6[%swap3A_6], %swap3A_9 {strides = array<i32>} : memref<40xf32, #tpu.memory_space<vmem>>, vector<16xf32>,
    %broadcast_in_dim3A_10 = arith.constant 1.000000e+00 : f32
    %broadcast_in_dim3A_11 = vector.broadcast %broadcast_in_dim3A_10 : f32 to vector<16xf32>
    %swap3A_12 = arith.constant 24 : index
    %swap3A_13 = tpu.vector_load %arg6[%swap3A_12] {strides = array<i32>} : memref<40xf32, #tpu.memory_space<vmem>>, vector<16xf32>,
    %swap3A_14 = vector.shape_cast %swap3A_13 : vector<16xf32> to vector<16xf32>
    %swap3A_15 = vector.shape_cast %broadcast_in_dim3A_11 : vector<16xf32> to vector<16xf32>
    tpu.vector_store %arg6[%swap3A_12], %swap3A_15 {strides = array<i32>} : memref<40xf32, #tpu.memory_space<vmem>>, vector<16xf32>,
    %mul3A = arith.constant 640 : i32
    %mul3A_16 = arith.muli %arg1, %mul3A : i32
    "tpu.region"() ({
      %run_scoped3A_36 = tpu.sem_alloc : memref<!tpu.dma_semaphore, #tpu.memory_space<semaphore_mem>>
      %dma_start3A = tpu.memref_slice %arg7[%mul3A_16] : memref<10240xf32, #tpu.memory_space<vmem_shared>> -> memref<640xf32, #tpu.memory_space<vmem_shared>>
      tpu.enqueue_dma source(%arg3 : memref<640xf32, #tpu.memory_space<hbm>>) target(%dma_start3A : memref<640xf32, #tpu.memory_space<vmem_shared>>) target_semaphore(%run_scoped3A_36 : memref<!tpu.dma_semaphore, #tpu.memory_space<semaphore_mem>>)
      %dma_wait3A = tpu.memref_slice %arg7[%mul3A_16] : memref<10240xf32, #tpu.memory_space<vmem_shared>> -> memref<640xf32, #tpu.memory_space<vmem_shared>>
      tpu.wait_dma2 semaphore(%run_scoped3A_36 : memref<!tpu.dma_semaphore, #tpu.memory_space<semaphore_mem>>) src(%arg3 : memref<640xf32, #tpu.memory_space<hbm>>) dst(%dma_wait3A : memref<640xf32, #tpu.memory_space<vmem_shared>>)
      tpu.yield
    }) : () -> ()
    %run_scoped3A = arith.constant 0 : i32
    %run_scoped3A_17 = arith.constant 0 : i32
    "tpu.region"() ({
      %run_scoped3A_36 = tpu.sem_alloc : memref<!tpu.dma_semaphore, #tpu.memory_space<semaphore_mem>>
      %dma_start3A = arith.constant 0 : i32
      %dma_start3A_37 = arith.constant 0 : i32
      %dma_start3A_38 = tpu.memref_slice %arg5[%run_scoped3A_17, %dma_start3A, %dma_start3A_37] : memref<5x100x40xi32, #tpu.memory_space<vmem>> -> memref<1x100x40xi32, #tpu.memory_space<vmem>>
      %dma_start3A_39 = tpu.memref_squeeze %dma_start3A_38 : memref<1x100x40xi32, #tpu.memory_space<vmem>> -> memref<100x40xi32, #tpu.memory_space<vmem>>
      %dma_start3A_40 = arith.constant 0 : i32
      %dma_start3A_41 = arith.constant 0 : i32
      %dma_start3A_42 = tpu.memref_slice %arg2[%arg1, %run_scoped3A, %dma_start3A_40, %dma_start3A_41] : memref<16x5x100x40xi32, #tpu.memory_space<hbm>> -> memref<1x1x100x40xi32, #tpu.memory_space<hbm>>
      %dma_start3A_43 = tpu.memref_squeeze %dma_start3A_42 : memref<1x1x100x40xi32, #tpu.memory_space<hbm>> -> memref<100x40xi32, #tpu.memory_space<hbm>>
      %dma_start3A_44 = arith.constant 0 : i32
      %dma_start3A_45 = arith.constant 0 : i32
      %dma_start3A_46 = tpu.memref_slice %arg5[%run_scoped3A_17, %dma_start3A_44, %dma_start3A_45] : memref<5x100x40xi32, #tpu.memory_space<vmem>> -> memref<1x100x40xi32, #tpu.memory_space<vmem>>
      %dma_start3A_47 = tpu.memref_squeeze %dma_start3A_46 : memref<1x100x40xi32, #tpu.memory_space<vmem>> -> memref<100x40xi32, #tpu.memory_space<vmem>>
      %dma_start3A_48 = arith.constant 0 : i32
      %dma_start3A_49 = arith.constant 0 : i32
      %dma_start3A_50 = tpu.memref_slice %arg2[%arg1, %run_scoped3A, %dma_start3A_48, %dma_start3A_49] : memref<16x5x100x40xi32, #tpu.memory_space<hbm>> -> memref<1x1x100x40xi32, #tpu.memory_space<hbm>>
      %dma_start3A_51 = tpu.memref_squeeze %dma_start3A_50 : memref<1x1x100x40xi32, #tpu.memory_space<hbm>> -> memref<100x40xi32, #tpu.memory_space<hbm>>
      tpu.enqueue_dma source(%dma_start3A_51 : memref<100x40xi32, #tpu.memory_space<hbm>>) target(%dma_start3A_47 : memref<100x40xi32, #tpu.memory_space<vmem>>) target_semaphore(%run_scoped3A_36 : memref<!tpu.dma_semaphore, #tpu.memory_space<semaphore_mem>>)
      %dma_wait3A = arith.constant 0 : i32
      %dma_wait3A_52 = arith.constant 0 : i32
      %dma_wait3A_53 = tpu.memref_slice %arg5[%run_scoped3A_17, %dma_wait3A, %dma_wait3A_52] : memref<5x100x40xi32, #tpu.memory_space<vmem>> -> memref<1x100x40xi32, #tpu.memory_space<vmem>>
      %dma_wait3A_54 = tpu.memref_squeeze %dma_wait3A_53 : memref<1x100x40xi32, #tpu.memory_space<vmem>> -> memref<100x40xi32, #tpu.memory_space<vmem>>
      %dma_wait3A_55 = arith.constant 0 : i32
      %dma_wait3A_56 = arith.constant 0 : i32
      %dma_wait3A_57 = tpu.memref_slice %arg2[%arg1, %run_scoped3A, %dma_wait3A_55, %dma_wait3A_56] : memref<16x5x100x40xi32, #tpu.memory_space<hbm>> -> memref<1x1x100x40xi32, #tpu.memory_space<hbm>>
      %dma_wait3A_58 = tpu.memref_squeeze %dma_wait3A_57 : memref<1x1x100x40xi32, #tpu.memory_space<hbm>> -> memref<100x40xi32, #tpu.memory_space<hbm>>
      %dma_wait3A_59 = arith.constant 0 : i32
      %dma_wait3A_60 = arith.constant 0 : i32
      %dma_wait3A_61 = tpu.memref_slice %arg5[%run_scoped3A_17, %dma_wait3A_59, %dma_wait3A_60] : memref<5x100x40xi32, #tpu.memory_space<vmem>> -> memref<1x100x40xi32, #tpu.memory_space<vmem>>
      %dma_wait3A_62 = tpu.memref_squeeze %dma_wait3A_61 : memref<1x100x40xi32, #tpu.memory_space<vmem>> -> memref<100x40xi32, #tpu.memory_space<vmem>>
      %dma_wait3A_63 = arith.constant 0 : i32
      %dma_wait3A_64 = arith.constant 0 : i32
      %dma_wait3A_65 = tpu.memref_slice %arg2[%arg1, %run_scoped3A, %dma_wait3A_63, %dma_wait3A_64] : memref<16x5x100x40xi32, #tpu.memory_space<hbm>> -> memref<1x1x100x40xi32, #tpu.memory_space<hbm>>
      %dma_wait3A_66 = tpu.memref_squeeze %dma_wait3A_65 : memref<1x1x100x40xi32, #tpu.memory_space<hbm>> -> memref<100x40xi32, #tpu.memory_space<hbm>>
      tpu.wait_dma2 semaphore(%run_scoped3A_36 : memref<!tpu.dma_semaphore, #tpu.memory_space<semaphore_mem>>) src(%dma_wait3A_66 : memref<100x40xi32, #tpu.memory_space<hbm>>) dst(%dma_wait3A_62 : memref<100x40xi32, #tpu.memory_space<vmem>>)
      tpu.yield
    }) : () -> ()
    %run_scoped3A_18 = arith.constant 1 : i32
    %run_scoped3A_19 = arith.constant 1 : i32
    "tpu.region"() ({
      %run_scoped3A_36 = tpu.sem_alloc : memref<!tpu.dma_semaphore, #tpu.memory_space<semaphore_mem>>
      %dma_start3A = arith.constant 0 : i32
      %dma_start3A_37 = arith.constant 0 : i32
      %dma_start3A_38 = tpu.memref_slice %arg5[%run_scoped3A_19, %dma_start3A, %dma_start3A_37] : memref<5x100x40xi32, #tpu.memory_space<vmem>> -> memref<1x100x40xi32, #tpu.memory_space<vmem>>
      %dma_start3A_39 = tpu.memref_squeeze %dma_start3A_38 : memref<1x100x40xi32, #tpu.memory_space<vmem>> -> memref<100x40xi32, #tpu.memory_space<vmem>>
      %dma_start3A_40 = arith.constant 0 : i32
      %dma_start3A_41 = arith.constant 0 : i32
      %dma_start3A_42 = tpu.memref_slice %arg2[%arg1, %run_scoped3A_18, %dma_start3A_40, %dma_start3A_41] : memref<16x5x100x40xi32, #tpu.memory_space<hbm>> -> memref<1x1x100x40xi32, #tpu.memory_space<hbm>>
      %dma_start3A_43 = tpu.memref_squeeze %dma_start3A_42 : memref<1x1x100x40xi32, #tpu.memory_space<hbm>> -> memref<100x40xi32, #tpu.memory_space<hbm>>
      %dma_start3A_44 = arith.constant 0 : i32
      %dma_start3A_45 = arith.constant 0 : i32
      %dma_start3A_46 = tpu.memref_slice %arg5[%run_scoped3A_19, %dma_start3A_44, %dma_start3A_45] : memref<5x100x40xi32, #tpu.memory_space<vmem>> -> memref<1x100x40xi32, #tpu.memory_space<vmem>>
      %dma_start3A_47 = tpu.memref_squeeze %dma_start3A_46 : memref<1x100x40xi32, #tpu.memory_space<vmem>> -> memref<100x40xi32, #tpu.memory_space<vmem>>
      %dma_start3A_48 = arith.constant 0 : i32
      %dma_start3A_49 = arith.constant 0 : i32
      %dma_start3A_50 = tpu.memref_slice %arg2[%arg1, %run_scoped3A_18, %dma_start3A_48, %dma_start3A_49] : memref<16x5x100x40xi32, #tpu.memory_space<hbm>> -> memref<1x1x100x40xi32, #tpu.memory_space<hbm>>
      %dma_start3A_51 = tpu.memref_squeeze %dma_start3A_50 : memref<1x1x100x40xi32, #tpu.memory_space<hbm>> -> memref<100x40xi32, #tpu.memory_space<hbm>>
      tpu.enqueue_dma source(%dma_start3A_51 : memref<100x40xi32, #tpu.memory_space<hbm>>) target(%dma_start3A_47 : memref<100x40xi32, #tpu.memory_space<vmem>>) target_semaphore(%run_scoped3A_36 : memref<!tpu.dma_semaphore, #tpu.memory_space<semaphore_mem>>)
      %dma_wait3A = arith.constant 0 : i32
      %dma_wait3A_52 = arith.constant 0 : i32
      %dma_wait3A_53 = tpu.memref_slice %arg5[%run_scoped3A_19, %dma_wait3A, %dma_wait3A_52] : memref<5x100x40xi32, #tpu.memory_space<vmem>> -> memref<1x100x40xi32, #tpu.memory_space<vmem>>
      %dma_wait3A_54 = tpu.memref_squeeze %dma_wait3A_53 : memref<1x100x40xi32, #tpu.memory_space<vmem>> -> memref<100x40xi32, #tpu.memory_space<vmem>>
      %dma_wait3A_55 = arith.constant 0 : i32
      %dma_wait3A_56 = arith.constant 0 : i32
      %dma_wait3A_57 = tpu.memref_slice %arg2[%arg1, %run_scoped3A_18, %dma_wait3A_55, %dma_wait3A_56] : memref<16x5x100x40xi32, #tpu.memory_space<hbm>> -> memref<1x1x100x40xi32, #tpu.memory_space<hbm>>
      %dma_wait3A_58 = tpu.memref_squeeze %dma_wait3A_57 : memref<1x1x100x40xi32, #tpu.memory_space<hbm>> -> memref<100x40xi32, #tpu.memory_space<hbm>>
      %dma_wait3A_59 = arith.constant 0 : i32
      %dma_wait3A_60 = arith.constant 0 : i32
      %dma_wait3A_61 = tpu.memref_slice %arg5[%run_scoped3A_19, %dma_wait3A_59, %dma_wait3A_60] : memref<5x100x40xi32, #tpu.memory_space<vmem>> -> memref<1x100x40xi32, #tpu.memory_space<vmem>>
      %dma_wait3A_62 = tpu.memref_squeeze %dma_wait3A_61 : memref<1x100x40xi32, #tpu.memory_space<vmem>> -> memref<100x40xi32, #tpu.memory_space<vmem>>
      %dma_wait3A_63 = arith.constant 0 : i32
      %dma_wait3A_64 = arith.constant 0 : i32
      %dma_wait3A_65 = tpu.memref_slice %arg2[%arg1, %run_scoped3A_18, %dma_wait3A_63, %dma_wait3A_64] : memref<16x5x100x40xi32, #tpu.memory_space<hbm>> -> memref<1x1x100x40xi32, #tpu.memory_space<hbm>>
      %dma_wait3A_66 = tpu.memref_squeeze %dma_wait3A_65 : memref<1x1x100x40xi32, #tpu.memory_space<hbm>> -> memref<100x40xi32, #tpu.memory_space<hbm>>
      tpu.wait_dma2 semaphore(%run_scoped3A_36 : memref<!tpu.dma_semaphore, #tpu.memory_space<semaphore_mem>>) src(%dma_wait3A_66 : memref<100x40xi32, #tpu.memory_space<hbm>>) dst(%dma_wait3A_62 : memref<100x40xi32, #tpu.memory_space<vmem>>)
      tpu.yield
    }) : () -> ()
    %run_scoped3A_20 = arith.constant 2 : i32
    %run_scoped3A_21 = arith.constant 2 : i32
    "tpu.region"() ({
      %run_scoped3A_36 = tpu.sem_alloc : memref<!tpu.dma_semaphore, #tpu.memory_space<semaphore_mem>>
      %dma_start3A = arith.constant 0 : i32
      %dma_start3A_37 = arith.constant 0 : i32
      %dma_start3A_38 = tpu.memref_slice %arg5[%run_scoped3A_21, %dma_start3A, %dma_start3A_37] : memref<5x100x40xi32, #tpu.memory_space<vmem>> -> memref<1x100x40xi32, #tpu.memory_space<vmem>>
      %dma_start3A_39 = tpu.memref_squeeze %dma_start3A_38 : memref<1x100x40xi32, #tpu.memory_space<vmem>> -> memref<100x40xi32, #tpu.memory_space<vmem>>
      %dma_start3A_40 = arith.constant 0 : i32
      %dma_start3A_41 = arith.constant 0 : i32
      %dma_start3A_42 = tpu.memref_slice %arg2[%arg1, %run_scoped3A_20, %dma_start3A_40, %dma_start3A_41] : memref<16x5x100x40xi32, #tpu.memory_space<hbm>> -> memref<1x1x100x40xi32, #tpu.memory_space<hbm>>
      %dma_start3A_43 = tpu.memref_squeeze %dma_start3A_42 : memref<1x1x100x40xi32, #tpu.memory_space<hbm>> -> memref<100x40xi32, #tpu.memory_space<hbm>>
      %dma_start3A_44 = arith.constant 0 : i32
      %dma_start3A_45 = arith.constant 0 : i32
      %dma_start3A_46 = tpu.memref_slice %arg5[%run_scoped3A_21, %dma_start3A_44, %dma_start3A_45] : memref<5x100x40xi32, #tpu.memory_space<vmem>> -> memref<1x100x40xi32, #tpu.memory_space<vmem>>
      %dma_start3A_47 = tpu.memref_squeeze %dma_start3A_46 : memref<1x100x40xi32, #tpu.memory_space<vmem>> -> memref<100x40xi32, #tpu.memory_space<vmem>>
      %dma_start3A_48 = arith.constant 0 : i32
      %dma_start3A_49 = arith.constant 0 : i32
      %dma_start3A_50 = tpu.memref_slice %arg2[%arg1, %run_scoped3A_20, %dma_start3A_48, %dma_start3A_49] : memref<16x5x100x40xi32, #tpu.memory_space<hbm>> -> memref<1x1x100x40xi32, #tpu.memory_space<hbm>>
      %dma_start3A_51 = tpu.memref_squeeze %dma_start3A_50 : memref<1x1x100x40xi32, #tpu.memory_space<hbm>> -> memref<100x40xi32, #tpu.memory_space<hbm>>
      tpu.enqueue_dma source(%dma_start3A_51 : memref<100x40xi32, #tpu.memory_space<hbm>>) target(%dma_start3A_47 : memref<100x40xi32, #tpu.memory_space<vmem>>) target_semaphore(%run_scoped3A_36 : memref<!tpu.dma_semaphore, #tpu.memory_space<semaphore_mem>>)
      %dma_wait3A = arith.constant 0 : i32
      %dma_wait3A_52 = arith.constant 0 : i32
      %dma_wait3A_53 = tpu.memref_slice %arg5[%run_scoped3A_21, %dma_wait3A, %dma_wait3A_52] : memref<5x100x40xi32, #tpu.memory_space<vmem>> -> memref<1x100x40xi32, #tpu.memory_space<vmem>>
      %dma_wait3A_54 = tpu.memref_squeeze %dma_wait3A_53 : memref<1x100x40xi32, #tpu.memory_space<vmem>> -> memref<100x40xi32, #tpu.memory_space<vmem>>
      %dma_wait3A_55 = arith.constant 0 : i32
      %dma_wait3A_56 = arith.constant 0 : i32
      %dma_wait3A_57 = tpu.memref_slice %arg2[%arg1, %run_scoped3A_20, %dma_wait3A_55, %dma_wait3A_56] : memref<16x5x100x40xi32, #tpu.memory_space<hbm>> -> memref<1x1x100x40xi32, #tpu.memory_space<hbm>>
      %dma_wait3A_58 = tpu.memref_squeeze %dma_wait3A_57 : memref<1x1x100x40xi32, #tpu.memory_space<hbm>> -> memref<100x40xi32, #tpu.memory_space<hbm>>
      %dma_wait3A_59 = arith.constant 0 : i32
      %dma_wait3A_60 = arith.constant 0 : i32
      %dma_wait3A_61 = tpu.memref_slice %arg5[%run_scoped3A_21, %dma_wait3A_59, %dma_wait3A_60] : memref<5x100x40xi32, #tpu.memory_space<vmem>> -> memref<1x100x40xi32, #tpu.memory_space<vmem>>
      %dma_wait3A_62 = tpu.memref_squeeze %dma_wait3A_61 : memref<1x100x40xi32, #tpu.memory_space<vmem>> -> memref<100x40xi32, #tpu.memory_space<vmem>>
      %dma_wait3A_63 = arith.constant 0 : i32
      %dma_wait3A_64 = arith.constant 0 : i32
      %dma_wait3A_65 = tpu.memref_slice %arg2[%arg1, %run_scoped3A_20, %dma_wait3A_63, %dma_wait3A_64] : memref<16x5x100x40xi32, #tpu.memory_space<hbm>> -> memref<1x1x100x40xi32, #tpu.memory_space<hbm>>
      %dma_wait3A_66 = tpu.memref_squeeze %dma_wait3A_65 : memref<1x1x100x40xi32, #tpu.memory_space<hbm>> -> memref<100x40xi32, #tpu.memory_space<hbm>>
      tpu.wait_dma2 semaphore(%run_scoped3A_36 : memref<!tpu.dma_semaphore, #tpu.memory_space<semaphore_mem>>) src(%dma_wait3A_66 : memref<100x40xi32, #tpu.memory_space<hbm>>) dst(%dma_wait3A_62 : memref<100x40xi32, #tpu.memory_space<vmem>>)
      tpu.yield
    }) : () -> ()
    %run_scoped3A_22 = arith.constant 3 : i32
    %run_scoped3A_23 = arith.constant 3 : i32
    "tpu.region"() ({
      %run_scoped3A_36 = tpu.sem_alloc : memref<!tpu.dma_semaphore, #tpu.memory_space<semaphore_mem>>
      %dma_start3A = arith.constant 0 : i32
      %dma_start3A_37 = arith.constant 0 : i32
      %dma_start3A_38 = tpu.memref_slice %arg5[%run_scoped3A_23, %dma_start3A, %dma_start3A_37] : memref<5x100x40xi32, #tpu.memory_space<vmem>> -> memref<1x100x40xi32, #tpu.memory_space<vmem>>
      %dma_start3A_39 = tpu.memref_squeeze %dma_start3A_38 : memref<1x100x40xi32, #tpu.memory_space<vmem>> -> memref<100x40xi32, #tpu.memory_space<vmem>>
      %dma_start3A_40 = arith.constant 0 : i32
      %dma_start3A_41 = arith.constant 0 : i32
      %dma_start3A_42 = tpu.memref_slice %arg2[%arg1, %run_scoped3A_22, %dma_start3A_40, %dma_start3A_41] : memref<16x5x100x40xi32, #tpu.memory_space<hbm>> -> memref<1x1x100x40xi32, #tpu.memory_space<hbm>>
      %dma_start3A_43 = tpu.memref_squeeze %dma_start3A_42 : memref<1x1x100x40xi32, #tpu.memory_space<hbm>> -> memref<100x40xi32, #tpu.memory_space<hbm>>
      %dma_start3A_44 = arith.constant 0 : i32
      %dma_start3A_45 = arith.constant 0 : i32
      %dma_start3A_46 = tpu.memref_slice %arg5[%run_scoped3A_23, %dma_start3A_44, %dma_start3A_45] : memref<5x100x40xi32, #tpu.memory_space<vmem>> -> memref<1x100x40xi32, #tpu.memory_space<vmem>>
      %dma_start3A_47 = tpu.memref_squeeze %dma_start3A_46 : memref<1x100x40xi32, #tpu.memory_space<vmem>> -> memref<100x40xi32, #tpu.memory_space<vmem>>
      %dma_start3A_48 = arith.constant 0 : i32
      %dma_start3A_49 = arith.constant 0 : i32
      %dma_start3A_50 = tpu.memref_slice %arg2[%arg1, %run_scoped3A_22, %dma_start3A_48, %dma_start3A_49] : memref<16x5x100x40xi32, #tpu.memory_space<hbm>> -> memref<1x1x100x40xi32, #tpu.memory_space<hbm>>
      %dma_start3A_51 = tpu.memref_squeeze %dma_start3A_50 : memref<1x1x100x40xi32, #tpu.memory_space<hbm>> -> memref<100x40xi32, #tpu.memory_space<hbm>>
      tpu.enqueue_dma source(%dma_start3A_51 : memref<100x40xi32, #tpu.memory_space<hbm>>) target(%dma_start3A_47 : memref<100x40xi32, #tpu.memory_space<vmem>>) target_semaphore(%run_scoped3A_36 : memref<!tpu.dma_semaphore, #tpu.memory_space<semaphore_mem>>)
      %dma_wait3A = arith.constant 0 : i32
      %dma_wait3A_52 = arith.constant 0 : i32
      %dma_wait3A_53 = tpu.memref_slice %arg5[%run_scoped3A_23, %dma_wait3A, %dma_wait3A_52] : memref<5x100x40xi32, #tpu.memory_space<vmem>> -> memref<1x100x40xi32, #tpu.memory_space<vmem>>
      %dma_wait3A_54 = tpu.memref_squeeze %dma_wait3A_53 : memref<1x100x40xi32, #tpu.memory_space<vmem>> -> memref<100x40xi32, #tpu.memory_space<vmem>>
      %dma_wait3A_55 = arith.constant 0 : i32
      %dma_wait3A_56 = arith.constant 0 : i32
      %dma_wait3A_57 = tpu.memref_slice %arg2[%arg1, %run_scoped3A_22, %dma_wait3A_55, %dma_wait3A_56] : memref<16x5x100x40xi32, #tpu.memory_space<hbm>> -> memref<1x1x100x40xi32, #tpu.memory_space<hbm>>
      %dma_wait3A_58 = tpu.memref_squeeze %dma_wait3A_57 : memref<1x1x100x40xi32, #tpu.memory_space<hbm>> -> memref<100x40xi32, #tpu.memory_space<hbm>>
      %dma_wait3A_59 = arith.constant 0 : i32
      %dma_wait3A_60 = arith.constant 0 : i32
      %dma_wait3A_61 = tpu.memref_slice %arg5[%run_scoped3A_23, %dma_wait3A_59, %dma_wait3A_60] : memref<5x100x40xi32, #tpu.memory_space<vmem>> -> memref<1x100x40xi32, #tpu.memory_space<vmem>>
      %dma_wait3A_62 = tpu.memref_squeeze %dma_wait3A_61 : memref<1x100x40xi32, #tpu.memory_space<vmem>> -> memref<100x40xi32, #tpu.memory_space<vmem>>
      %dma_wait3A_63 = arith.constant 0 : i32
      %dma_wait3A_64 = arith.constant 0 : i32
      %dma_wait3A_65 = tpu.memref_slice %arg2[%arg1, %run_scoped3A_22, %dma_wait3A_63, %dma_wait3A_64] : memref<16x5x100x40xi32, #tpu.memory_space<hbm>> -> memref<1x1x100x40xi32, #tpu.memory_space<hbm>>
      %dma_wait3A_66 = tpu.memref_squeeze %dma_wait3A_65 : memref<1x1x100x40xi32, #tpu.memory_space<hbm>> -> memref<100x40xi32, #tpu.memory_space<hbm>>
      tpu.wait_dma2 semaphore(%run_scoped3A_36 : memref<!tpu.dma_semaphore, #tpu.memory_space<semaphore_mem>>) src(%dma_wait3A_66 : memref<100x40xi32, #tpu.memory_space<hbm>>) dst(%dma_wait3A_62 : memref<100x40xi32, #tpu.memory_space<vmem>>)
      tpu.yield
    }) : () -> ()
    %run_scoped3A_24 = arith.constant 4 : i32
    %run_scoped3A_25 = arith.constant 4 : i32
    "tpu.region"() ({
      %run_scoped3A_36 = tpu.sem_alloc : memref<!tpu.dma_semaphore, #tpu.memory_space<semaphore_mem>>
      %dma_start3A = arith.constant 0 : i32
      %dma_start3A_37 = arith.constant 0 : i32
      %dma_start3A_38 = tpu.memref_slice %arg5[%run_scoped3A_25, %dma_start3A, %dma_start3A_37] : memref<5x100x40xi32, #tpu.memory_space<vmem>> -> memref<1x100x40xi32, #tpu.memory_space<vmem>>
      %dma_start3A_39 = tpu.memref_squeeze %dma_start3A_38 : memref<1x100x40xi32, #tpu.memory_space<vmem>> -> memref<100x40xi32, #tpu.memory_space<vmem>>
      %dma_start3A_40 = arith.constant 0 : i32
      %dma_start3A_41 = arith.constant 0 : i32
      %dma_start3A_42 = tpu.memref_slice %arg2[%arg1, %run_scoped3A_24, %dma_start3A_40, %dma_start3A_41] : memref<16x5x100x40xi32, #tpu.memory_space<hbm>> -> memref<1x1x100x40xi32, #tpu.memory_space<hbm>>
      %dma_start3A_43 = tpu.memref_squeeze %dma_start3A_42 : memref<1x1x100x40xi32, #tpu.memory_space<hbm>> -> memref<100x40xi32, #tpu.memory_space<hbm>>
      %dma_start3A_44 = arith.constant 0 : i32
      %dma_start3A_45 = arith.constant 0 : i32
      %dma_start3A_46 = tpu.memref_slice %arg5[%run_scoped3A_25, %dma_start3A_44, %dma_start3A_45] : memref<5x100x40xi32, #tpu.memory_space<vmem>> -> memref<1x100x40xi32, #tpu.memory_space<vmem>>
      %dma_start3A_47 = tpu.memref_squeeze %dma_start3A_46 : memref<1x100x40xi32, #tpu.memory_space<vmem>> -> memref<100x40xi32, #tpu.memory_space<vmem>>
      %dma_start3A_48 = arith.constant 0 : i32
      %dma_start3A_49 = arith.constant 0 : i32
      %dma_start3A_50 = tpu.memref_slice %arg2[%arg1, %run_scoped3A_24, %dma_start3A_48, %dma_start3A_49] : memref<16x5x100x40xi32, #tpu.memory_space<hbm>> -> memref<1x1x100x40xi32, #tpu.memory_space<hbm>>
      %dma_start3A_51 = tpu.memref_squeeze %dma_start3A_50 : memref<1x1x100x40xi32, #tpu.memory_space<hbm>> -> memref<100x40xi32, #tpu.memory_space<hbm>>
      tpu.enqueue_dma source(%dma_start3A_51 : memref<100x40xi32, #tpu.memory_space<hbm>>) target(%dma_start3A_47 : memref<100x40xi32, #tpu.memory_space<vmem>>) target_semaphore(%run_scoped3A_36 : memref<!tpu.dma_semaphore, #tpu.memory_space<semaphore_mem>>)
      %dma_wait3A = arith.constant 0 : i32
      %dma_wait3A_52 = arith.constant 0 : i32
      %dma_wait3A_53 = tpu.memref_slice %arg5[%run_scoped3A_25, %dma_wait3A, %dma_wait3A_52] : memref<5x100x40xi32, #tpu.memory_space<vmem>> -> memref<1x100x40xi32, #tpu.memory_space<vmem>>
      %dma_wait3A_54 = tpu.memref_squeeze %dma_wait3A_53 : memref<1x100x40xi32, #tpu.memory_space<vmem>> -> memref<100x40xi32, #tpu.memory_space<vmem>>
      %dma_wait3A_55 = arith.constant 0 : i32
      %dma_wait3A_56 = arith.constant 0 : i32
      %dma_wait3A_57 = tpu.memref_slice %arg2[%arg1, %run_scoped3A_24, %dma_wait3A_55, %dma_wait3A_56] : memref<16x5x100x40xi32, #tpu.memory_space<hbm>> -> memref<1x1x100x40xi32, #tpu.memory_space<hbm>>
      %dma_wait3A_58 = tpu.memref_squeeze %dma_wait3A_57 : memref<1x1x100x40xi32, #tpu.memory_space<hbm>> -> memref<100x40xi32, #tpu.memory_space<hbm>>
      %dma_wait3A_59 = arith.constant 0 : i32
      %dma_wait3A_60 = arith.constant 0 : i32
      %dma_wait3A_61 = tpu.memref_slice %arg5[%run_scoped3A_25, %dma_wait3A_59, %dma_wait3A_60] : memref<5x100x40xi32, #tpu.memory_space<vmem>> -> memref<1x100x40xi32, #tpu.memory_space<vmem>>
      %dma_wait3A_62 = tpu.memref_squeeze %dma_wait3A_61 : memref<1x100x40xi32, #tpu.memory_space<vmem>> -> memref<100x40xi32, #tpu.memory_space<vmem>>
      %dma_wait3A_63 = arith.constant 0 : i32
      %dma_wait3A_64 = arith.constant 0 : i32
      %dma_wait3A_65 = tpu.memref_slice %arg2[%arg1, %run_scoped3A_24, %dma_wait3A_63, %dma_wait3A_64] : memref<16x5x100x40xi32, #tpu.memory_space<hbm>> -> memref<1x1x100x40xi32, #tpu.memory_space<hbm>>
      %dma_wait3A_66 = tpu.memref_squeeze %dma_wait3A_65 : memref<1x1x100x40xi32, #tpu.memory_space<hbm>> -> memref<100x40xi32, #tpu.memory_space<hbm>>
      tpu.wait_dma2 semaphore(%run_scoped3A_36 : memref<!tpu.dma_semaphore, #tpu.memory_space<semaphore_mem>>) src(%dma_wait3A_66 : memref<100x40xi32, #tpu.memory_space<hbm>>) dst(%dma_wait3A_62 : memref<100x40xi32, #tpu.memory_space<vmem>>)
      tpu.yield
    }) : () -> ()
    %barrier3A = arith.constant 0 : index
    tpu.barrier barrier_id(%barrier3A)
    %scan3A = arith.constant 0 : i32
    %scan3A_26 = arith.constant 0 : i32
    %scan3A_27 = arith.constant 25 : i32
    %scan3A_28 = arith.addi %scan3A_26, %scan3A_27 : i32
    %scan3A_29 = arith.constant 1 : i32
    scf.for %scan3A_36 = %scan3A_26 to %scan3A_28 step %scan3A_29  : i32 {
      %jit3A = arith.constant 5 : i32
      %div3A = arith.divsi %scan3A_36, %jit3A : i32
      %sign3A = arith.constant 0 : i32
      %sign3A_37 = arith.cmpi sgt, %scan3A_36, %sign3A : i32
      %sign3A_38 = arith.extui %sign3A_37 : i1 to i32
      %sign3A_39 = arith.constant 0 : i32
      %sign3A_40 = arith.cmpi slt, %scan3A_36, %sign3A_39 : i32
      %sign3A_41 = arith.extui %sign3A_40 : i1 to i32
      %sign3A_42 = arith.subi %sign3A_38, %sign3A_41 : i32
      %sign3A_43 = arith.constant 0 : i32
      %sign3A_44 = arith.cmpi sgt, %jit3A, %sign3A_43 : i32
      %sign3A_45 = arith.extui %sign3A_44 : i1 to i32
      %sign3A_46 = arith.constant 0 : i32
      %sign3A_47 = arith.cmpi slt, %jit3A, %sign3A_46 : i32
      %sign3A_48 = arith.extui %sign3A_47 : i1 to i32
      %sign3A_49 = arith.subi %sign3A_45, %sign3A_48 : i32
      %ne3A = arith.cmpi ne, %sign3A_42, %sign3A_49 : i32
      %rem3A = arith.remsi %scan3A_36, %jit3A : i32
      %ne3A_50 = arith.constant 0 : i32
      %ne3A_51 = arith.cmpi ne, %rem3A, %ne3A_50 : i32
      %and3A = arith.andi %ne3A, %ne3A_51 : i1
      %sub3A = arith.constant 1 : i32
      %sub3A_52 = arith.subi %div3A, %sub3A : i32
      %select_n3A = arith.select %and3A, %sub3A_52, %div3A : i32
      %jit3A_53 = arith.constant 5 : i32
      %eq3A = arith.constant 0 : i32
      %eq3A_54 = arith.cmpi eq, %jit3A_53, %eq3A : i32
      %jit3A_55 = arith.constant 1 : i32
      %select_n3A_56 = arith.select %eq3A_54, %jit3A_55, %jit3A_53 : i32
      %rem3A_57 = arith.remsi %scan3A_36, %select_n3A_56 : i32
      %ne3A_58 = arith.constant 0 : i32
      %ne3A_59 = arith.cmpi ne, %rem3A_57, %ne3A_58 : i32
      %lt3A = arith.constant 0 : i32
      %lt3A_60 = arith.cmpi slt, %rem3A_57, %lt3A : i32
      %lt3A_61 = arith.constant 0 : i32
      %lt3A_62 = arith.cmpi slt, %select_n3A_56, %lt3A_61 : i32
      %ne3A_63 = arith.xori %lt3A_60, %lt3A_62 : i1
      %and3A_64 = arith.andi %ne3A_63, %ne3A_59 : i1
      %add3A = arith.addi %rem3A_57, %select_n3A_56 : i32
      %select_n3A_65 = arith.select %and3A_64, %add3A, %rem3A_57 : i32
      %mul3A_66 = arith.constant 50 : i32
      %mul3A_67 = arith.muli %arg0, %mul3A_66 : i32
      %mul3A_68 = arith.constant 10 : i32
      %mul3A_69 = arith.muli %select_n3A_65, %mul3A_68 : i32
      %add3A_70 = arith.addi %mul3A_67, %mul3A_69 : i32
      %add3A_71 = arith.constant 0 : i32
      %add3A_72 = arith.addi %add3A_70, %add3A_71 : i32
      %dma_start3A = arith.constant 0 : i32
      %dma_start3A_73 = tpu.memref_slice %arg5[%select_n3A, %add3A_72, %dma_start3A] : memref<5x100x40xi32, #tpu.memory_space<vmem>> -> memref<1x1x40xi32, #tpu.memory_space<vmem>>
      %dma_start3A_74 = tpu.memref_squeeze %dma_start3A_73 : memref<1x1x40xi32, #tpu.memory_space<vmem>> -> memref<40xi32, #tpu.memory_space<vmem>>
      %dma_start3A_75 = arith.constant 0 : i32
      %dma_start3A_76 = tpu.memref_slice %arg7[%dma_start3A_75] : memref<10240xf32, #tpu.memory_space<vmem_shared>> -> memref<10240xf32, #tpu.memory_space<vmem_shared>>
      tpu.enqueue_indirect_dma source(%arg6 : memref<40xf32, #tpu.memory_space<vmem>>) target(%dma_start3A_76 : memref<10240xf32, #tpu.memory_space<vmem_shared>>) offsets(%dma_start3A_74 : memref<40xi32, #tpu.memory_space<vmem>>) semaphore(%arg8 : memref<!tpu.dma_semaphore, #tpu.memory_space<semaphore_mem>>) {add = true}
      %mul3A_77 = arith.constant 50 : i32
      %mul3A_78 = arith.muli %arg0, %mul3A_77 : i32
      %mul3A_79 = arith.constant 10 : i32
      %mul3A_80 = arith.muli %select_n3A_65, %mul3A_79 : i32
      %add3A_81 = arith.addi %mul3A_78, %mul3A_80 : i32
      %add3A_82 = arith.constant 1 : i32
      %add3A_83 = arith.addi %add3A_81, %add3A_82 : i32
      %dma_start3A_84 = arith.constant 0 : i32
      %dma_start3A_85 = tpu.memref_slice %arg5[%select_n3A, %add3A_83, %dma_start3A_84] : memref<5x100x40xi32, #tpu.memory_space<vmem>> -> memref<1x1x40xi32, #tpu.memory_space<vmem>>
      %dma_start3A_86 = tpu.memref_squeeze %dma_start3A_85 : memref<1x1x40xi32, #tpu.memory_space<vmem>> -> memref<40xi32, #tpu.memory_space<vmem>>
      %dma_start3A_87 = arith.constant 0 : i32
      %dma_start3A_88 = tpu.memref_slice %arg7[%dma_start3A_87] : memref<10240xf32, #tpu.memory_space<vmem_shared>> -> memref<10240xf32, #tpu.memory_space<vmem_shared>>
      tpu.enqueue_indirect_dma source(%arg6 : memref<40xf32, #tpu.memory_space<vmem>>) target(%dma_start3A_88 : memref<10240xf32, #tpu.memory_space<vmem_shared>>) offsets(%dma_start3A_86 : memref<40xi32, #tpu.memory_space<vmem>>) semaphore(%arg8 : memref<!tpu.dma_semaphore, #tpu.memory_space<semaphore_mem>>) {add = true}
      %mul3A_89 = arith.constant 50 : i32
      %mul3A_90 = arith.muli %arg0, %mul3A_89 : i32
      %mul3A_91 = arith.constant 10 : i32
      %mul3A_92 = arith.muli %select_n3A_65, %mul3A_91 : i32
      %add3A_93 = arith.addi %mul3A_90, %mul3A_92 : i32
      %add3A_94 = arith.constant 2 : i32
      %add3A_95 = arith.addi %add3A_93, %add3A_94 : i32
      %dma_start3A_96 = arith.constant 0 : i32
      %dma_start3A_97 = tpu.memref_slice %arg5[%select_n3A, %add3A_95, %dma_start3A_96] : memref<5x100x40xi32, #tpu.memory_space<vmem>> -> memref<1x1x40xi32, #tpu.memory_space<vmem>>
      %dma_start3A_98 = tpu.memref_squeeze %dma_start3A_97 : memref<1x1x40xi32, #tpu.memory_space<vmem>> -> memref<40xi32, #tpu.memory_space<vmem>>
      %dma_start3A_99 = arith.constant 0 : i32
      %dma_start3A_100 = tpu.memref_slice %arg7[%dma_start3A_99] : memref<10240xf32, #tpu.memory_space<vmem_shared>> -> memref<10240xf32, #tpu.memory_space<vmem_shared>>
      tpu.enqueue_indirect_dma source(%arg6 : memref<40xf32, #tpu.memory_space<vmem>>) target(%dma_start3A_100 : memref<10240xf32, #tpu.memory_space<vmem_shared>>) offsets(%dma_start3A_98 : memref<40xi32, #tpu.memory_space<vmem>>) semaphore(%arg8 : memref<!tpu.dma_semaphore, #tpu.memory_space<semaphore_mem>>) {add = true}
      %mul3A_101 = arith.constant 50 : i32
      %mul3A_102 = arith.muli %arg0, %mul3A_101 : i32
      %mul3A_103 = arith.constant 10 : i32
      %mul3A_104 = arith.muli %select_n3A_65, %mul3A_103 : i32
      %add3A_105 = arith.addi %mul3A_102, %mul3A_104 : i32
      %add3A_106 = arith.constant 3 : i32
      %add3A_107 = arith.addi %add3A_105, %add3A_106 : i32
      %dma_start3A_108 = arith.constant 0 : i32
      %dma_start3A_109 = tpu.memref_slice %arg5[%select_n3A, %add3A_107, %dma_start3A_108] : memref<5x100x40xi32, #tpu.memory_space<vmem>> -> memref<1x1x40xi32, #tpu.memory_space<vmem>>
      %dma_start3A_110 = tpu.memref_squeeze %dma_start3A_109 : memref<1x1x40xi32, #tpu.memory_space<vmem>> -> memref<40xi32, #tpu.memory_space<vmem>>
      %dma_start3A_111 = arith.constant 0 : i32
      %dma_start3A_112 = tpu.memref_slice %arg7[%dma_start3A_111] : memref<10240xf32, #tpu.memory_space<vmem_shared>> -> memref<10240xf32, #tpu.memory_space<vmem_shared>>
      tpu.enqueue_indirect_dma source(%arg6 : memref<40xf32, #tpu.memory_space<vmem>>) target(%dma_start3A_112 : memref<10240xf32, #tpu.memory_space<vmem_shared>>) offsets(%dma_start3A_110 : memref<40xi32, #tpu.memory_space<vmem>>) semaphore(%arg8 : memref<!tpu.dma_semaphore, #tpu.memory_space<semaphore_mem>>) {add = true}
      %mul3A_113 = arith.constant 50 : i32
      %mul3A_114 = arith.muli %arg0, %mul3A_113 : i32
      %mul3A_115 = arith.constant 10 : i32
      %mul3A_116 = arith.muli %select_n3A_65, %mul3A_115 : i32
      %add3A_117 = arith.addi %mul3A_114, %mul3A_116 : i32
      %add3A_118 = arith.constant 4 : i32
      %add3A_119 = arith.addi %add3A_117, %add3A_118 : i32
      %dma_start3A_120 = arith.constant 0 : i32
      %dma_start3A_121 = tpu.memref_slice %arg5[%select_n3A, %add3A_119, %dma_start3A_120] : memref<5x100x40xi32, #tpu.memory_space<vmem>> -> memref<1x1x40xi32, #tpu.memory_space<vmem>>
      %dma_start3A_122 = tpu.memref_squeeze %dma_start3A_121 : memref<1x1x40xi32, #tpu.memory_space<vmem>> -> memref<40xi32, #tpu.memory_space<vmem>>
      %dma_start3A_123 = arith.constant 0 : i32
      %dma_start3A_124 = tpu.memref_slice %arg7[%dma_start3A_123] : memref<10240xf32, #tpu.memory_space<vmem_shared>> -> memref<10240xf32, #tpu.memory_space<vmem_shared>>
      tpu.enqueue_indirect_dma source(%arg6 : memref<40xf32, #tpu.memory_space<vmem>>) target(%dma_start3A_124 : memref<10240xf32, #tpu.memory_space<vmem_shared>>) offsets(%dma_start3A_122 : memref<40xi32, #tpu.memory_space<vmem>>) semaphore(%arg8 : memref<!tpu.dma_semaphore, #tpu.memory_space<semaphore_mem>>) {add = true}
      %mul3A_125 = arith.constant 50 : i32
      %mul3A_126 = arith.muli %arg0, %mul3A_125 : i32
      %mul3A_127 = arith.constant 10 : i32
      %mul3A_128 = arith.muli %select_n3A_65, %mul3A_127 : i32
      %add3A_129 = arith.addi %mul3A_126, %mul3A_128 : i32
      %add3A_130 = arith.constant 5 : i32
      %add3A_131 = arith.addi %add3A_129, %add3A_130 : i32
      %dma_start3A_132 = arith.constant 0 : i32
      %dma_start3A_133 = tpu.memref_slice %arg5[%select_n3A, %add3A_131, %dma_start3A_132] : memref<5x100x40xi32, #tpu.memory_space<vmem>> -> memref<1x1x40xi32, #tpu.memory_space<vmem>>
      %dma_start3A_134 = tpu.memref_squeeze %dma_start3A_133 : memref<1x1x40xi32, #tpu.memory_space<vmem>> -> memref<40xi32, #tpu.memory_space<vmem>>
      %dma_start3A_135 = arith.constant 0 : i32
      %dma_start3A_136 = tpu.memref_slice %arg7[%dma_start3A_135] : memref<10240xf32, #tpu.memory_space<vmem_shared>> -> memref<10240xf32, #tpu.memory_space<vmem_shared>>
      tpu.enqueue_indirect_dma source(%arg6 : memref<40xf32, #tpu.memory_space<vmem>>) target(%dma_start3A_136 : memref<10240xf32, #tpu.memory_space<vmem_shared>>) offsets(%dma_start3A_134 : memref<40xi32, #tpu.memory_space<vmem>>) semaphore(%arg8 : memref<!tpu.dma_semaphore, #tpu.memory_space<semaphore_mem>>) {add = true}
      %mul3A_137 = arith.constant 50 : i32
      %mul3A_138 = arith.muli %arg0, %mul3A_137 : i32
      %mul3A_139 = arith.constant 10 : i32
      %mul3A_140 = arith.muli %select_n3A_65, %mul3A_139 : i32
      %add3A_141 = arith.addi %mul3A_138, %mul3A_140 : i32
      %add3A_142 = arith.constant 6 : i32
      %add3A_143 = arith.addi %add3A_141, %add3A_142 : i32
      %dma_start3A_144 = arith.constant 0 : i32
      %dma_start3A_145 = tpu.memref_slice %arg5[%select_n3A, %add3A_143, %dma_start3A_144] : memref<5x100x40xi32, #tpu.memory_space<vmem>> -> memref<1x1x40xi32, #tpu.memory_space<vmem>>
      %dma_start3A_146 = tpu.memref_squeeze %dma_start3A_145 : memref<1x1x40xi32, #tpu.memory_space<vmem>> -> memref<40xi32, #tpu.memory_space<vmem>>
      %dma_start3A_147 = arith.constant 0 : i32
      %dma_start3A_148 = tpu.memref_slice %arg7[%dma_start3A_147] : memref<10240xf32, #tpu.memory_space<vmem_shared>> -> memref<10240xf32, #tpu.memory_space<vmem_shared>>
      tpu.enqueue_indirect_dma source(%arg6 : memref<40xf32, #tpu.memory_space<vmem>>) target(%dma_start3A_148 : memref<10240xf32, #tpu.memory_space<vmem_shared>>) offsets(%dma_start3A_146 : memref<40xi32, #tpu.memory_space<vmem>>) semaphore(%arg8 : memref<!tpu.dma_semaphore, #tpu.memory_space<semaphore_mem>>) {add = true}
      %mul3A_149 = arith.constant 50 : i32
      %mul3A_150 = arith.muli %arg0, %mul3A_149 : i32
      %mul3A_151 = arith.constant 10 : i32
      %mul3A_152 = arith.muli %select_n3A_65, %mul3A_151 : i32
      %add3A_153 = arith.addi %mul3A_150, %mul3A_152 : i32
      %add3A_154 = arith.constant 7 : i32
      %add3A_155 = arith.addi %add3A_153, %add3A_154 : i32
      %dma_start3A_156 = arith.constant 0 : i32
      %dma_start3A_157 = tpu.memref_slice %arg5[%select_n3A, %add3A_155, %dma_start3A_156] : memref<5x100x40xi32, #tpu.memory_space<vmem>> -> memref<1x1x40xi32, #tpu.memory_space<vmem>>
      %dma_start3A_158 = tpu.memref_squeeze %dma_start3A_157 : memref<1x1x40xi32, #tpu.memory_space<vmem>> -> memref<40xi32, #tpu.memory_space<vmem>>
      %dma_start3A_159 = arith.constant 0 : i32
      %dma_start3A_160 = tpu.memref_slice %arg7[%dma_start3A_159] : memref<10240xf32, #tpu.memory_space<vmem_shared>> -> memref<10240xf32, #tpu.memory_space<vmem_shared>>
      tpu.enqueue_indirect_dma source(%arg6 : memref<40xf32, #tpu.memory_space<vmem>>) target(%dma_start3A_160 : memref<10240xf32, #tpu.memory_space<vmem_shared>>) offsets(%dma_start3A_158 : memref<40xi32, #tpu.memory_space<vmem>>) semaphore(%arg8 : memref<!tpu.dma_semaphore, #tpu.memory_space<semaphore_mem>>) {add = true}
      %mul3A_161 = arith.constant 50 : i32
      %mul3A_162 = arith.muli %arg0, %mul3A_161 : i32
      %mul3A_163 = arith.constant 10 : i32
      %mul3A_164 = arith.muli %select_n3A_65, %mul3A_163 : i32
      %add3A_165 = arith.addi %mul3A_162, %mul3A_164 : i32
      %add3A_166 = arith.constant 8 : i32
      %add3A_167 = arith.addi %add3A_165, %add3A_166 : i32
      %dma_start3A_168 = arith.constant 0 : i32
      %dma_start3A_169 = tpu.memref_slice %arg5[%select_n3A, %add3A_167, %dma_start3A_168] : memref<5x100x40xi32, #tpu.memory_space<vmem>> -> memref<1x1x40xi32, #tpu.memory_space<vmem>>
      %dma_start3A_170 = tpu.memref_squeeze %dma_start3A_169 : memref<1x1x40xi32, #tpu.memory_space<vmem>> -> memref<40xi32, #tpu.memory_space<vmem>>
      %dma_start3A_171 = arith.constant 0 : i32
      %dma_start3A_172 = tpu.memref_slice %arg7[%dma_start3A_171] : memref<10240xf32, #tpu.memory_space<vmem_shared>> -> memref<10240xf32, #tpu.memory_space<vmem_shared>>
      tpu.enqueue_indirect_dma source(%arg6 : memref<40xf32, #tpu.memory_space<vmem>>) target(%dma_start3A_172 : memref<10240xf32, #tpu.memory_space<vmem_shared>>) offsets(%dma_start3A_170 : memref<40xi32, #tpu.memory_space<vmem>>) semaphore(%arg8 : memref<!tpu.dma_semaphore, #tpu.memory_space<semaphore_mem>>) {add = true}
      %mul3A_173 = arith.constant 50 : i32
      %mul3A_174 = arith.muli %arg0, %mul3A_173 : i32
      %mul3A_175 = arith.constant 10 : i32
      %mul3A_176 = arith.muli %select_n3A_65, %mul3A_175 : i32
      %add3A_177 = arith.addi %mul3A_174, %mul3A_176 : i32
      %add3A_178 = arith.constant 9 : i32
      %add3A_179 = arith.addi %add3A_177, %add3A_178 : i32
      %dma_start3A_180 = arith.constant 0 : i32
      %dma_start3A_181 = tpu.memref_slice %arg5[%select_n3A, %add3A_179, %dma_start3A_180] : memref<5x100x40xi32, #tpu.memory_space<vmem>> -> memref<1x1x40xi32, #tpu.memory_space<vmem>>
      %dma_start3A_182 = tpu.memref_squeeze %dma_start3A_181 : memref<1x1x40xi32, #tpu.memory_space<vmem>> -> memref<40xi32, #tpu.memory_space<vmem>>
      %dma_start3A_183 = arith.constant 0 : i32
      %dma_start3A_184 = tpu.memref_slice %arg7[%dma_start3A_183] : memref<10240xf32, #tpu.memory_space<vmem_shared>> -> memref<10240xf32, #tpu.memory_space<vmem_shared>>
      tpu.enqueue_indirect_dma source(%arg6 : memref<40xf32, #tpu.memory_space<vmem>>) target(%dma_start3A_184 : memref<10240xf32, #tpu.memory_space<vmem_shared>>) offsets(%dma_start3A_182 : memref<40xi32, #tpu.memory_space<vmem>>) semaphore(%arg8 : memref<!tpu.dma_semaphore, #tpu.memory_space<semaphore_mem>>) {add = true}
      %dma_wait3A = arith.constant 0 : i32
      %dma_wait3A_185 = tpu.memref_slice %arg5[%select_n3A, %add3A_72, %dma_wait3A] : memref<5x100x40xi32, #tpu.memory_space<vmem>> -> memref<1x1x40xi32, #tpu.memory_space<vmem>>
      %dma_wait3A_186 = tpu.memref_squeeze %dma_wait3A_185 : memref<1x1x40xi32, #tpu.memory_space<vmem>> -> memref<40xi32, #tpu.memory_space<vmem>>
      %dma_wait3A_187 = arith.constant 0 : i32
      %dma_wait3A_188 = tpu.memref_slice %arg7[%dma_wait3A_187] : memref<10240xf32, #tpu.memory_space<vmem_shared>> -> memref<10240xf32, #tpu.memory_space<vmem_shared>>
      tpu.wait_indirect_dma semaphore(%arg8 : memref<!tpu.dma_semaphore, #tpu.memory_space<semaphore_mem>>) src(%arg6 : memref<40xf32, #tpu.memory_space<vmem>>) dst(%dma_wait3A_188 : memref<10240xf32, #tpu.memory_space<vmem_shared>>)
      %dma_wait3A_189 = arith.constant 0 : i32
      %dma_wait3A_190 = tpu.memref_slice %arg5[%select_n3A, %add3A_83, %dma_wait3A_189] : memref<5x100x40xi32, #tpu.memory_space<vmem>> -> memref<1x1x40xi32, #tpu.memory_space<vmem>>
      %dma_wait3A_191 = tpu.memref_squeeze %dma_wait3A_190 : memref<1x1x40xi32, #tpu.memory_space<vmem>> -> memref<40xi32, #tpu.memory_space<vmem>>
      %dma_wait3A_192 = arith.constant 0 : i32
      %dma_wait3A_193 = tpu.memref_slice %arg7[%dma_wait3A_192] : memref<10240xf32, #tpu.memory_space<vmem_shared>> -> memref<10240xf32, #tpu.memory_space<vmem_shared>>
      tpu.wait_indirect_dma semaphore(%arg8 : memref<!tpu.dma_semaphore, #tpu.memory_space<semaphore_mem>>) src(%arg6 : memref<40xf32, #tpu.memory_space<vmem>>) dst(%dma_wait3A_193 : memref<10240xf32, #tpu.memory_space<vmem_shared>>)
      %dma_wait3A_194 = arith.constant 0 : i32
      %dma_wait3A_195 = tpu.memref_slice %arg5[%select_n3A, %add3A_95, %dma_wait3A_194] : memref<5x100x40xi32, #tpu.memory_space<vmem>> -> memref<1x1x40xi32, #tpu.memory_space<vmem>>
      %dma_wait3A_196 = tpu.memref_squeeze %dma_wait3A_195 : memref<1x1x40xi32, #tpu.memory_space<vmem>> -> memref<40xi32, #tpu.memory_space<vmem>>
      %dma_wait3A_197 = arith.constant 0 : i32
      %dma_wait3A_198 = tpu.memref_slice %arg7[%dma_wait3A_197] : memref<10240xf32, #tpu.memory_space<vmem_shared>> -> memref<10240xf32, #tpu.memory_space<vmem_shared>>
      tpu.wait_indirect_dma semaphore(%arg8 : memref<!tpu.dma_semaphore, #tpu.memory_space<semaphore_mem>>) src(%arg6 : memref<40xf32, #tpu.memory_space<vmem>>) dst(%dma_wait3A_198 : memref<10240xf32, #tpu.memory_space<vmem_shared>>)
      %dma_wait3A_199 = arith.constant 0 : i32
      %dma_wait3A_200 = tpu.memref_slice %arg5[%select_n3A, %add3A_107, %dma_wait3A_199] : memref<5x100x40xi32, #tpu.memory_space<vmem>> -> memref<1x1x40xi32, #tpu.memory_space<vmem>>
      %dma_wait3A_201 = tpu.memref_squeeze %dma_wait3A_200 : memref<1x1x40xi32, #tpu.memory_space<vmem>> -> memref<40xi32, #tpu.memory_space<vmem>>
      %dma_wait3A_202 = arith.constant 0 : i32
      %dma_wait3A_203 = tpu.memref_slice %arg7[%dma_wait3A_202] : memref<10240xf32, #tpu.memory_space<vmem_shared>> -> memref<10240xf32, #tpu.memory_space<vmem_shared>>
      tpu.wait_indirect_dma semaphore(%arg8 : memref<!tpu.dma_semaphore, #tpu.memory_space<semaphore_mem>>) src(%arg6 : memref<40xf32, #tpu.memory_space<vmem>>) dst(%dma_wait3A_203 : memref<10240xf32, #tpu.memory_space<vmem_shared>>)
      %dma_wait3A_204 = arith.constant 0 : i32
      %dma_wait3A_205 = tpu.memref_slice %arg5[%select_n3A, %add3A_119, %dma_wait3A_204] : memref<5x100x40xi32, #tpu.memory_space<vmem>> -> memref<1x1x40xi32, #tpu.memory_space<vmem>>
      %dma_wait3A_206 = tpu.memref_squeeze %dma_wait3A_205 : memref<1x1x40xi32, #tpu.memory_space<vmem>> -> memref<40xi32, #tpu.memory_space<vmem>>
      %dma_wait3A_207 = arith.constant 0 : i32
      %dma_wait3A_208 = tpu.memref_slice %arg7[%dma_wait3A_207] : memref<10240xf32, #tpu.memory_space<vmem_shared>> -> memref<10240xf32, #tpu.memory_space<vmem_shared>>
      tpu.wait_indirect_dma semaphore(%arg8 : memref<!tpu.dma_semaphore, #tpu.memory_space<semaphore_mem>>) src(%arg6 : memref<40xf32, #tpu.memory_space<vmem>>) dst(%dma_wait3A_208 : memref<10240xf32, #tpu.memory_space<vmem_shared>>)
      %dma_wait3A_209 = arith.constant 0 : i32
      %dma_wait3A_210 = tpu.memref_slice %arg5[%select_n3A, %add3A_131, %dma_wait3A_209] : memref<5x100x40xi32, #tpu.memory_space<vmem>> -> memref<1x1x40xi32, #tpu.memory_space<vmem>>
      %dma_wait3A_211 = tpu.memref_squeeze %dma_wait3A_210 : memref<1x1x40xi32, #tpu.memory_space<vmem>> -> memref<40xi32, #tpu.memory_space<vmem>>
      %dma_wait3A_212 = arith.constant 0 : i32
      %dma_wait3A_213 = tpu.memref_slice %arg7[%dma_wait3A_212] : memref<10240xf32, #tpu.memory_space<vmem_shared>> -> memref<10240xf32, #tpu.memory_space<vmem_shared>>
      tpu.wait_indirect_dma semaphore(%arg8 : memref<!tpu.dma_semaphore, #tpu.memory_space<semaphore_mem>>) src(%arg6 : memref<40xf32, #tpu.memory_space<vmem>>) dst(%dma_wait3A_213 : memref<10240xf32, #tpu.memory_space<vmem_shared>>)
      %dma_wait3A_214 = arith.constant 0 : i32
      %dma_wait3A_215 = tpu.memref_slice %arg5[%select_n3A, %add3A_143, %dma_wait3A_214] : memref<5x100x40xi32, #tpu.memory_space<vmem>> -> memref<1x1x40xi32, #tpu.memory_space<vmem>>
      %dma_wait3A_216 = tpu.memref_squeeze %dma_wait3A_215 : memref<1x1x40xi32, #tpu.memory_space<vmem>> -> memref<40xi32, #tpu.memory_space<vmem>>
      %dma_wait3A_217 = arith.constant 0 : i32
      %dma_wait3A_218 = tpu.memref_slice %arg7[%dma_wait3A_217] : memref<10240xf32, #tpu.memory_space<vmem_shared>> -> memref<10240xf32, #tpu.memory_space<vmem_shared>>
      tpu.wait_indirect_dma semaphore(%arg8 : memref<!tpu.dma_semaphore, #tpu.memory_space<semaphore_mem>>) src(%arg6 : memref<40xf32, #tpu.memory_space<vmem>>) dst(%dma_wait3A_218 : memref<10240xf32, #tpu.memory_space<vmem_shared>>)
      %dma_wait3A_219 = arith.constant 0 : i32
      %dma_wait3A_220 = tpu.memref_slice %arg5[%select_n3A, %add3A_155, %dma_wait3A_219] : memref<5x100x40xi32, #tpu.memory_space<vmem>> -> memref<1x1x40xi32, #tpu.memory_space<vmem>>
      %dma_wait3A_221 = tpu.memref_squeeze %dma_wait3A_220 : memref<1x1x40xi32, #tpu.memory_space<vmem>> -> memref<40xi32, #tpu.memory_space<vmem>>
      %dma_wait3A_222 = arith.constant 0 : i32
      %dma_wait3A_223 = tpu.memref_slice %arg7[%dma_wait3A_222] : memref<10240xf32, #tpu.memory_space<vmem_shared>> -> memref<10240xf32, #tpu.memory_space<vmem_shared>>
      tpu.wait_indirect_dma semaphore(%arg8 : memref<!tpu.dma_semaphore, #tpu.memory_space<semaphore_mem>>) src(%arg6 : memref<40xf32, #tpu.memory_space<vmem>>) dst(%dma_wait3A_223 : memref<10240xf32, #tpu.memory_space<vmem_shared>>)
      %dma_wait3A_224 = arith.constant 0 : i32
      %dma_wait3A_225 = tpu.memref_slice %arg5[%select_n3A, %add3A_167, %dma_wait3A_224] : memref<5x100x40xi32, #tpu.memory_space<vmem>> -> memref<1x1x40xi32, #tpu.memory_space<vmem>>
      %dma_wait3A_226 = tpu.memref_squeeze %dma_wait3A_225 : memref<1x1x40xi32, #tpu.memory_space<vmem>> -> memref<40xi32, #tpu.memory_space<vmem>>
      %dma_wait3A_227 = arith.constant 0 : i32
      %dma_wait3A_228 = tpu.memref_slice %arg7[%dma_wait3A_227] : memref<10240xf32, #tpu.memory_space<vmem_shared>> -> memref<10240xf32, #tpu.memory_space<vmem_shared>>
      tpu.wait_indirect_dma semaphore(%arg8 : memref<!tpu.dma_semaphore, #tpu.memory_space<semaphore_mem>>) src(%arg6 : memref<40xf32, #tpu.memory_space<vmem>>) dst(%dma_wait3A_228 : memref<10240xf32, #tpu.memory_space<vmem_shared>>)
      %dma_wait3A_229 = arith.constant 0 : i32
      %dma_wait3A_230 = tpu.memref_slice %arg5[%select_n3A, %add3A_179, %dma_wait3A_229] : memref<5x100x40xi32, #tpu.memory_space<vmem>> -> memref<1x1x40xi32, #tpu.memory_space<vmem>>
      %dma_wait3A_231 = tpu.memref_squeeze %dma_wait3A_230 : memref<1x1x40xi32, #tpu.memory_space<vmem>> -> memref<40xi32, #tpu.memory_space<vmem>>
      %dma_wait3A_232 = arith.constant 0 : i32
      %dma_wait3A_233 = tpu.memref_slice %arg7[%dma_wait3A_232] : memref<10240xf32, #tpu.memory_space<vmem_shared>> -> memref<10240xf32, #tpu.memory_space<vmem_shared>>
      tpu.wait_indirect_dma semaphore(%arg8 : memref<!tpu.dma_semaphore, #tpu.memory_space<semaphore_mem>>) src(%arg6 : memref<40xf32, #tpu.memory_space<vmem>>) dst(%dma_wait3A_233 : memref<10240xf32, #tpu.memory_space<vmem_shared>>)
    }
    %scan3A_30 = arith.constant 25 : i32
    %barrier3A_31 = arith.constant 0 : index
    tpu.barrier barrier_id(%barrier3A_31)
    %mul3A_32 = arith.constant 640 : i32
    %mul3A_33 = arith.muli %arg1, %mul3A_32 : i32
    %mul3A_34 = arith.constant 640 : i32
    %mul3A_35 = arith.muli %arg1, %mul3A_34 : i32
    "tpu.region"() ({
      %run_scoped3A_36 = tpu.sem_alloc : memref<!tpu.dma_semaphore, #tpu.memory_space<semaphore_mem>>
      %dma_start3A = tpu.memref_slice %arg4[%arg0, %mul3A_35] : memref<2x10240xf32, #tpu.memory_space<hbm>> -> memref<1x640xf32, #tpu.memory_space<hbm>>
      %dma_start3A_37 = tpu.memref_squeeze %dma_start3A : memref<1x640xf32, #tpu.memory_space<hbm>> -> memref<640xf32, #tpu.memory_space<hbm>>
      %dma_start3A_38 = tpu.memref_slice %arg7[%mul3A_33] : memref<10240xf32, #tpu.memory_space<vmem_shared>> -> memref<640xf32, #tpu.memory_space<vmem_shared>>
      tpu.enqueue_dma source(%dma_start3A_38 : memref<640xf32, #tpu.memory_space<vmem_shared>>) target(%dma_start3A_37 : memref<640xf32, #tpu.memory_space<hbm>>) target_semaphore(%run_scoped3A_36 : memref<!tpu.dma_semaphore, #tpu.memory_space<semaphore_mem>>)
      %dma_wait3A = tpu.memref_slice %arg4[%arg0, %mul3A_35] : memref<2x10240xf32, #tpu.memory_space<hbm>> -> memref<1x640xf32, #tpu.memory_space<hbm>>
      %dma_wait3A_39 = tpu.memref_squeeze %dma_wait3A : memref<1x640xf32, #tpu.memory_space<hbm>> -> memref<640xf32, #tpu.memory_space<hbm>>
      %dma_wait3A_40 = tpu.memref_slice %arg7[%mul3A_33] : memref<10240xf32, #tpu.memory_space<vmem_shared>> -> memref<640xf32, #tpu.memory_space<vmem_shared>>
      tpu.wait_dma2 semaphore(%run_scoped3A_36 : memref<!tpu.dma_semaphore, #tpu.memory_space<semaphore_mem>>) src(%dma_wait3A_40 : memref<640xf32, #tpu.memory_space<vmem_shared>>) dst(%dma_wait3A_39 : memref<640xf32, #tpu.memory_space<hbm>>)
      tpu.yield
    }) : () -> ()
    return
  }
}

module attributes {stable_mosaic.version = 14 : i64} {
  func.func @_dense_body(%arg0: i32, %arg1: memref<1000x128xf32, #tpu.memory_space<vmem>>, %arg2: memref<1000x128xf32, #tpu.memory_space<vmem>>, %arg3: memref<128x128xf32, #tpu.memory_space<vmem>>, %arg4: memref<128x128xf32, #tpu.memory_space<vmem>>, %arg5: memref<1000x1xf32, #tpu.memory_space<vmem>>, %arg6: memref<1000x1xf32, #tpu.memory_space<vmem>>, %arg7: memref<1000x128xf32, #tpu.memory_space<vmem>>, %arg8: memref<1000x128xf32, #tpu.memory_space<vmem>>) attributes {dimension_semantics = [#tpu.dimension_semantics<arbitrary>], iteration_bounds = array<i64: 10>, scalar_prefetch = 0 : i64, scratch_operands = 0 : i64, tpu.core_type = #tpu.core_type<tc>, window_params = [{transform_indices = @transform_0, window_bounds = array<i64: 1000, 128>}, {transform_indices = @transform_1, window_bounds = array<i64: 1000, 128>}, {pipeline_mode = #tpu.pipeline_mode<synchronous>, transform_indices = @transform_2, window_bounds = array<i64: 128, 128>}, {pipeline_mode = #tpu.pipeline_mode<synchronous>, transform_indices = @transform_3, window_bounds = array<i64: 128, 128>}, {transform_indices = @transform_4, window_bounds = array<i64: 1000, 1>}, {transform_indices = @transform_5, window_bounds = array<i64: 1000, 1>}, {transform_indices = @transform_6, window_bounds = array<i64: 1000, 128>}, {transform_indices = @transform_7, window_bounds = array<i64: 1000, 128>}]} {
    %get3A = arith.constant 0 : index
    %get3A_0 = arith.constant 0 : index
    %get3A_1 = vector.load %arg5[%get3A, %get3A_0] : memref<1000x1xf32, #tpu.memory_space<vmem>>, vector<1000x1xf32>
    %get3A_2 = arith.constant 0 : index
    %get3A_3 = arith.constant 0 : index
    %get3A_4 = vector.load %arg6[%get3A_2, %get3A_3] : memref<1000x1xf32, #tpu.memory_space<vmem>>, vector<1000x1xf32>
    %add3A = arith.addf %get3A_1, %get3A_4 : vector<1000x1xf32>
    %add3A_5 = arith.constant 1.000000e+00 : f32
    %add3A_6 = vector.broadcast %add3A_5 : f32 to vector<1000x1xf32>
    %add3A_7 = arith.addf %add3A, %add3A_6 : vector<1000x1xf32>
    %rsqrt3A = math.rsqrt %add3A_7 : vector<1000x1xf32>
    %get3A_8 = arith.constant 0 : index
    %get3A_9 = arith.constant 0 : index
    %get3A_10 = vector.load %arg1[%get3A_8, %get3A_9] : memref<1000x128xf32, #tpu.memory_space<vmem>>, vector<1000x128xf32>
    %get3A_11 = arith.constant 0 : index
    %get3A_12 = arith.constant 0 : index
    %get3A_13 = vector.load %arg3[%get3A_11, %get3A_12] : memref<128x128xf32, #tpu.memory_space<vmem>>, vector<128x128xf32>
    %dot_general3A = arith.constant dense<0.000000e+00> : vector<1000x128xf32>
    %dot_general3A_14 = tpu.matmul %get3A_10, %get3A_13, %dot_general3A {dimension_numbers = #tpu.dot_dimension_numbers<[1], [0], [0], [1], [0, 0, 1, 1], [], []>, transpose_lhs_hint = false} : vector<1000x128xf32>, vector<128x128xf32>, vector<1000x128xf32> -> vector<1000x128xf32>
    %mul3A = vector.broadcast %rsqrt3A : vector<1000x1xf32> to vector<1000x128xf32>
    %mul3A_15 = arith.mulf %dot_general3A_14, %mul3A : vector<1000x128xf32>
    %swap3A = arith.constant 0 : index
    %swap3A_16 = arith.constant 0 : index
    %swap3A_17 = vector.load %arg7[%swap3A, %swap3A_16] : memref<1000x128xf32, #tpu.memory_space<vmem>>, vector<1000x128xf32>
    tpu.vector_store %arg7[%swap3A, %swap3A_16], %mul3A_15 {strides = array<i32>} : memref<1000x128xf32, #tpu.memory_space<vmem>>, vector<1000x128xf32>,
    %get3A_18 = arith.constant 0 : index
    %get3A_19 = arith.constant 0 : index
    %get3A_20 = vector.load %arg4[%get3A_18, %get3A_19] : memref<128x128xf32, #tpu.memory_space<vmem>>, vector<128x128xf32>
    %get3A_21 = arith.constant 0 : index
    %get3A_22 = arith.constant 0 : index
    %get3A_23 = vector.load %arg4[%get3A_21, %get3A_22] : memref<128x128xf32, #tpu.memory_space<vmem>>, vector<128x128xf32>
    %dot_general3A_24 = arith.constant dense<0.000000e+00> : vector<128x128xf32>
    %dot_general3A_25 = tpu.matmul %get3A_20, %get3A_23, %dot_general3A_24 {dimension_numbers = #tpu.dot_dimension_numbers<[0], [0], [1], [1], [0, 1, 1, 1], [], []>, transpose_lhs_hint = false} : vector<128x128xf32>, vector<128x128xf32>, vector<128x128xf32> -> vector<128x128xf32>
    %mul3A_26 = arith.mulf %dot_general3A_25, %dot_general3A_25 : vector<128x128xf32>
    %reduce_sum3A = vector.shape_cast %mul3A_26 : vector<128x128xf32> to vector<1x128x128xf32>
    %reduce_sum3A_27 = arith.constant dense<0.000000e+00> : vector<1xf32>
    %reduce_sum3A_28 = vector.multi_reduction <add>, %reduce_sum3A, %reduce_sum3A_27 [1, 2] : vector<1x128x128xf32> to vector<1xf32>
    %reduce_sum3A_29 = vector.shape_cast %reduce_sum3A_28 : vector<1xf32> to vector<1x1x1xf32>
    %reduce_sum3A_30 = vector.extract %reduce_sum3A_29[0, 0, 0] : f32 from vector<1x1x1xf32>
    %sqrt3A = math.sqrt %reduce_sum3A_30 : f32
    %add3A_31 = arith.constant 9.99999974E-6 : f32
    %add3A_32 = arith.addf %sqrt3A, %add3A_31 : f32
    %get3A_33 = arith.constant 0 : index
    %get3A_34 = arith.constant 0 : index
    %get3A_35 = vector.load %arg2[%get3A_33, %get3A_34] : memref<1000x128xf32, #tpu.memory_space<vmem>>, vector<1000x128xf32>
    %dot_general3A_36 = arith.constant dense<0.000000e+00> : vector<1000x128xf32>
    %dot_general3A_37 = tpu.matmul %get3A_35, %dot_general3A_25, %dot_general3A_36 {dimension_numbers = #tpu.dot_dimension_numbers<[1], [0], [0], [1], [0, 0, 1, 1], [], []>, transpose_lhs_hint = false} : vector<1000x128xf32>, vector<128x128xf32>, vector<1000x128xf32> -> vector<1000x128xf32>
    %div3A = arith.constant 0.949999988 : f32
    %div3A_38 = arith.divf %div3A, %add3A_32 : f32
    %mul3A_39 = vector.broadcast %div3A_38 : f32 to vector<1000x128xf32>
    %mul3A_40 = arith.mulf %dot_general3A_37, %mul3A_39 : vector<1000x128xf32>
    %swap3A_41 = arith.constant 0 : index
    %swap3A_42 = arith.constant 0 : index
    %swap3A_43 = vector.load %arg8[%swap3A_41, %swap3A_42] : memref<1000x128xf32, #tpu.memory_space<vmem>>, vector<1000x128xf32>
    tpu.vector_store %arg8[%swap3A_41, %swap3A_42], %mul3A_40 {strides = array<i32>} : memref<1000x128xf32, #tpu.memory_space<vmem>>, vector<1000x128xf32>,
    return
  }
  func.func @transform_0(%arg0: i32) -> (i32, i32) {
    %c0_i32 = arith.constant 0 : i32
    %c0_i32_0 = arith.constant 0 : i32
    return %arg0, %c0_i32 : i32, i32
  }
  func.func @transform_1(%arg0: i32) -> (i32, i32) {
    %c0_i32 = arith.constant 0 : i32
    %c0_i32_0 = arith.constant 0 : i32
    return %arg0, %c0_i32 : i32, i32
  }
  func.func @transform_2(%arg0: i32) -> (i32, i32) {
    %c0_i32 = arith.constant 0 : i32
    %c0_i32_0 = arith.constant 0 : i32
    %c0_i32_1 = arith.constant 0 : i32
    return %c0_i32, %c0_i32_0 : i32, i32
  }
  func.func @transform_3(%arg0: i32) -> (i32, i32) {
    %c0_i32 = arith.constant 0 : i32
    %c0_i32_0 = arith.constant 0 : i32
    %c0_i32_1 = arith.constant 0 : i32
    return %c0_i32, %c0_i32_0 : i32, i32
  }
  func.func @transform_4(%arg0: i32) -> (i32, i32) {
    %c0_i32 = arith.constant 0 : i32
    %c0_i32_0 = arith.constant 0 : i32
    return %arg0, %c0_i32 : i32, i32
  }
  func.func @transform_5(%arg0: i32) -> (i32, i32) {
    %c0_i32 = arith.constant 0 : i32
    %c0_i32_0 = arith.constant 0 : i32
    return %arg0, %c0_i32 : i32, i32
  }
  func.func @transform_6(%arg0: i32) -> (i32, i32) {
    %c0_i32 = arith.constant 0 : i32
    %c0_i32_0 = arith.constant 0 : i32
    return %arg0, %c0_i32 : i32, i32
  }
  func.func @transform_7(%arg0: i32) -> (i32, i32) {
    %c0_i32 = arith.constant 0 : i32
    %c0_i32_0 = arith.constant 0 : i32
    return %arg0, %c0_i32 : i32, i32
  }
}

module attributes {stable_mosaic.version = 14 : i64} {
  func.func @_comb_body(%arg0: i32, %arg1: memref<1000x128xf32, #tpu.memory_space<vmem>>, %arg2: memref<128x128xf32, #tpu.memory_space<vmem>>, %arg3: memref<1000x1xf32, #tpu.memory_space<vmem>>, %arg4: memref<1000x1xf32, #tpu.memory_space<vmem>>, %arg5: memref<1000x128xf32, #tpu.memory_space<vmem>>, %arg6: memref<1000x128xf32, #tpu.memory_space<vmem>>, %arg7: memref<1x128xf32, #tpu.memory_space<vmem>>, %arg8: memref<1000x128xf32, #tpu.memory_space<vmem>>) attributes {dimension_semantics = [#tpu.dimension_semantics<arbitrary>], iteration_bounds = array<i64: 10>, scalar_prefetch = 0 : i64, scratch_operands = 0 : i64, tpu.core_type = #tpu.core_type<tc>, window_params = [{transform_indices = @transform_0, window_bounds = array<i64: 1000, 128>}, {pipeline_mode = #tpu.pipeline_mode<synchronous>, transform_indices = @transform_1, window_bounds = array<i64: 128, 128>}, {transform_indices = @transform_2, window_bounds = array<i64: 1000, 1>}, {transform_indices = @transform_3, window_bounds = array<i64: 1000, 1>}, {transform_indices = @transform_4, window_bounds = array<i64: 1000, 128>}, {transform_indices = @transform_5, window_bounds = array<i64: 1000, 128>}, {pipeline_mode = #tpu.pipeline_mode<synchronous>, transform_indices = @transform_6, window_bounds = array<i64: 1, 128>}, {transform_indices = @transform_7, window_bounds = array<i64: 1000, 128>}]} {
    %get3A = arith.constant 0 : index
    %get3A_0 = arith.constant 0 : index
    %get3A_1 = vector.load %arg3[%get3A, %get3A_0] : memref<1000x1xf32, #tpu.memory_space<vmem>>, vector<1000x1xf32>
    %get3A_2 = arith.constant 0 : index
    %get3A_3 = arith.constant 0 : index
    %get3A_4 = vector.load %arg4[%get3A_2, %get3A_3] : memref<1000x1xf32, #tpu.memory_space<vmem>>, vector<1000x1xf32>
    %add3A = arith.addf %get3A_1, %get3A_4 : vector<1000x1xf32>
    %add3A_5 = arith.constant 1.000000e+00 : f32
    %add3A_6 = vector.broadcast %add3A_5 : f32 to vector<1000x1xf32>
    %add3A_7 = arith.addf %add3A, %add3A_6 : vector<1000x1xf32>
    %rsqrt3A = math.rsqrt %add3A_7 : vector<1000x1xf32>
    %get3A_8 = arith.constant 0 : index
    %get3A_9 = arith.constant 0 : index
    %get3A_10 = vector.load %arg1[%get3A_8, %get3A_9] : memref<1000x128xf32, #tpu.memory_space<vmem>>, vector<1000x128xf32>
    %get3A_11 = arith.constant 0 : index
    %get3A_12 = arith.constant 0 : index
    %get3A_13 = vector.load %arg2[%get3A_11, %get3A_12] : memref<128x128xf32, #tpu.memory_space<vmem>>, vector<128x128xf32>
    %dot_general3A = arith.constant dense<0.000000e+00> : vector<1000x128xf32>
    %dot_general3A_14 = tpu.matmul %get3A_10, %get3A_13, %dot_general3A {dimension_numbers = #tpu.dot_dimension_numbers<[1], [0], [0], [1], [0, 0, 1, 1], [], []>, transpose_lhs_hint = false} : vector<1000x128xf32>, vector<128x128xf32>, vector<1000x128xf32> -> vector<1000x128xf32>
    %get3A_15 = arith.constant 0 : index
    %get3A_16 = arith.constant 0 : index
    %get3A_17 = vector.load %arg5[%get3A_15, %get3A_16] : memref<1000x128xf32, #tpu.memory_space<vmem>>, vector<1000x128xf32>
    %mul3A = vector.broadcast %rsqrt3A : vector<1000x1xf32> to vector<1000x128xf32>
    %mul3A_18 = arith.mulf %mul3A, %get3A_17 : vector<1000x128xf32>
    %get3A_19 = arith.constant 0 : index
    %get3A_20 = arith.constant 0 : index
    %get3A_21 = vector.load %arg6[%get3A_19, %get3A_20] : memref<1000x128xf32, #tpu.memory_space<vmem>>, vector<1000x128xf32>
    %add3A_22 = arith.addf %mul3A_18, %get3A_21 : vector<1000x128xf32>
    %mul3A_23 = arith.mulf %rsqrt3A, %rsqrt3A : vector<1000x1xf32>
    %mul3A_24 = vector.broadcast %mul3A_23 : vector<1000x1xf32> to vector<1000x128xf32>
    %mul3A_25 = arith.mulf %mul3A_24, %dot_general3A_14 : vector<1000x128xf32>
    %add3A_26 = arith.addf %add3A_22, %mul3A_25 : vector<1000x128xf32>
    %get3A_27 = arith.constant 0 : index
    %get3A_28 = arith.constant 0 : index
    %get3A_29 = vector.load %arg7[%get3A_27, %get3A_28] : memref<1x128xf32, #tpu.memory_space<vmem>>, vector<1x128xf32>
    %add3A_30 = vector.broadcast %get3A_29 : vector<1x128xf32> to vector<1000x128xf32>
    %add3A_31 = arith.addf %add3A_26, %add3A_30 : vector<1000x128xf32>
    %swap3A = arith.constant 0 : index
    %swap3A_32 = arith.constant 0 : index
    %swap3A_33 = vector.load %arg8[%swap3A, %swap3A_32] : memref<1000x128xf32, #tpu.memory_space<vmem>>, vector<1000x128xf32>
    tpu.vector_store %arg8[%swap3A, %swap3A_32], %add3A_31 {strides = array<i32>} : memref<1000x128xf32, #tpu.memory_space<vmem>>, vector<1000x128xf32>,
    return
  }
  func.func @transform_0(%arg0: i32) -> (i32, i32) {
    %c0_i32 = arith.constant 0 : i32
    %c0_i32_0 = arith.constant 0 : i32
    return %arg0, %c0_i32 : i32, i32
  }
  func.func @transform_1(%arg0: i32) -> (i32, i32) {
    %c0_i32 = arith.constant 0 : i32
    %c0_i32_0 = arith.constant 0 : i32
    %c0_i32_1 = arith.constant 0 : i32
    return %c0_i32, %c0_i32_0 : i32, i32
  }
  func.func @transform_2(%arg0: i32) -> (i32, i32) {
    %c0_i32 = arith.constant 0 : i32
    %c0_i32_0 = arith.constant 0 : i32
    return %arg0, %c0_i32 : i32, i32
  }
  func.func @transform_3(%arg0: i32) -> (i32, i32) {
    %c0_i32 = arith.constant 0 : i32
    %c0_i32_0 = arith.constant 0 : i32
    return %arg0, %c0_i32 : i32, i32
  }
  func.func @transform_4(%arg0: i32) -> (i32, i32) {
    %c0_i32 = arith.constant 0 : i32
    %c0_i32_0 = arith.constant 0 : i32
    return %arg0, %c0_i32 : i32, i32
  }
  func.func @transform_5(%arg0: i32) -> (i32, i32) {
    %c0_i32 = arith.constant 0 : i32
    %c0_i32_0 = arith.constant 0 : i32
    return %arg0, %c0_i32 : i32, i32
  }
  func.func @transform_6(%arg0: i32) -> (i32, i32) {
    %c0_i32 = arith.constant 0 : i32
    %c0_i32_0 = arith.constant 0 : i32
    %c0_i32_1 = arith.constant 0 : i32
    return %c0_i32, %c0_i32_0 : i32, i32
  }
  func.func @transform_7(%arg0: i32) -> (i32, i32) {
    %c0_i32 = arith.constant 0 : i32
    %c0_i32_0 = arith.constant 0 : i32
    return %arg0, %c0_i32 : i32, i32
  }
}

</mosaic_0001>

<sc_bundles>
// kernel: kernel.6.cloned.1.call-start
scs
__scs_entry_jumppad:
0x0: {  	(pc) =	sbr.rel $0x88, $3  }
0x1: {  	(tag) =	ssettag $0x0;
	lr =	simm.s32 $0x1  }
0x2: {  	[smem:$0x3F9B] =	sst lr;
	_ =	strace $0xD0000000  }
0x3: {  	_ = 	snop  }
0x4: {  	_ = 	snop  }
0x5: {  	_ = 	snop  }
0x6: {  	_ = 	snop  }
0x7: {  	_ = 	snop  }
__scs_overlays_trampoline_lowered:
0x8: {  	[smem:$0x3FAA] =	sst s0  }
0x9: {  	[smem:$0x3FAB] =	sst s1  }
0xa: {  	[smem:$0x3FAC] =	sst s2  }
0xb: {  	[smem:$0x3FAD] =	sst s3  }
0xc: {  	[smem:$0x3FAE] =	sst s4  }
0xd: {  	[smem:$0x3FAF] =	sst s5  }
0xe: {  	[smem:$0x3FB0] =	sst s6  }
0xf: {  	[smem:$0x3FB1] =	sst s7  }
0x10: {  	[smem:$0x3FB2] =	sst s8  }
0x11: {  	[smem:$0x3FB3] =	sst s9;
	s0 =	simm.s32 @!p0 $0x0  }
0x12: {  	s1 =	sld [smem:$0x3F99];
	s0 =	simm.s32 @p0 $0x1  }
0x13: {  	[smem:$0x3FB4] =	sst s0;
	s0 =	simm.s32 @!p1 $0x0  }
0x14: {  	s2 =	sld [smem:$0x3F98];
	s0 =	simm.s32 @p1 $0x1  }
0x15: {  	[smem:$0x3FB5] =	sst s0;
	s0 =	simm.s32 @!p2 $0x0  }
0x16: {  	s3 =	sld [smem:$0x3FDB];
	s0 =	simm.s32 @p2 $0x1  }
0x17: {  	s4 =	simm.s32 $0x1BF5;
	[smem:$0x3FB7] =	sst s0  }
0x18: {  	s0 =	sld [smem:$0x3F9A];
	_ =	swait.ge [sflag:s4], $0x0  }
0x19: {  	s7 =	sld [smem:$0x3F9B]  }
0x1a: {  	s8 =	sadd.s32 $0xFFFFE003, lr  }
0x1b: {  	s9 =	sadd.s32 $0xFFFFFEF7, lr;
	s5 =	simm.s32 $0xFFFFFFFF;
	p2 =	slt.u32 s8, $0xFFFFF086  }
0x1c: {  	p1 =	slt.u32 s9, $0xF7A;
	s5 =	simm.s32 @!p2 $0x0  }
0x1d: {  	s5 =	simm.s32 @p1 $0x1;
	p0 =	seq.s32 s7, s2  }
0x1e: {  	s7 =	smul.u32 @!p0 $0xF7A, s2;
	p2 =	seq.s32 @!p0 s5, $0x0  }
0x1f: {  	s9 =	smul.u32 $0xF7A, s1;
	s8 =	simm.s32 @!p0 $0x1BF5;
	p2 =	por !p2, p0  }
0x20: {  	[sflag:s8] =	ssyncset.s32 @!p0 $0xFFFFF086;
	s6 =	sadd.s32 @!p0 s3, s7;
	s7 =	simm.s32 @!p0 $0x108  }
0x21: {  	s3 =	sadd.s32 s3, s9;
	s6 =	sadd.s32 @!p0 $0x88, s6;
	s7 =	simm.s32 @p2 $0x1082  }
0x22: {  	[simem:s7], [sflag:s8] =	dma.local @!p0 [hbm:s6], $0xF7A  }
0x23: {  	s9 =	sor.u32 $0xD0000000, s2;
	s6 =	simm.s32 $0x108;
	_ =	swait.ge @!p0 [sflag:s8], $0x0  }
0x24: {  	s3 =	sadd.s32 $0x88, s3;
	s6 =	simm.s32 @!p1 $0x1082;
	[sflag:s4] =	ssyncset.s32 $0xFFFFF086  }
0x25: {  	[simem:s6], [sflag:s4] =	dma.local [hbm:s3], $0xF7A  }
0x26: {  	[smem:$0x3F9B] =	sst s1;
	(tag) =	ssettag s2;
	_ =	strace s9  }
0x27: {  	s1 =	sld [smem:$0x3FAB]  }
0x28: {  	s2 =	sld [smem:$0x3FAC]  }
0x29: {  	s4 =	sld [smem:$0x3FAE]  }
0x2a: {  	p0 =	seq.s32 s5, $0x0;
	s5 =	sld [smem:$0x3FAF]  }
0x2b: {  	s6 =	sld [smem:$0x3FB0]  }
0x2c: {  	s7 =	sld [smem:$0x3FB1]  }
0x2d: {  	s3 =	simm.s32 $0x108;
	s8 =	sld [smem:$0x3FB2]  }
0x2e: {  	s3 =	simm.s32 @!p0 $0x1082;
	s9 =	sld [smem:$0x3FB3]  }
0x2f: {  	lr =	sadd.s32 s0, s3;
	s0 =	sld [smem:$0x3FAA]  }
0x30: {  	s3 =	sld [smem:$0x3FAD]  }
0x31: {  	[smem:$0x3FB6] =	sst s10  }
0x32: {  	s10 =	sld [smem:$0x3FB4];
	_ =	sdelay $0x3  }
0x33: {  	p0 =	seq.s32 s10, $0x1;
	s10 =	sld [smem:$0x3FB6];
	_ =	sdelay $0x3  }
0x34: {  	[smem:$0x3FB6] =	sst s10  }
0x35: {  	s10 =	sld [smem:$0x3FB5];
	_ =	sdelay $0x3  }
0x36: {  	p1 =	seq.s32 s10, $0x1;
	s10 =	sld [smem:$0x3FB6];
	_ =	sdelay $0x3  }
0x37: {  	[smem:$0x3FB6] =	sst s10  }
0x38: {  	s10 =	sld [smem:$0x3FB7]  }
0x39: {  	_ = 	snop;
	(pc) =	sbr.ind lr, $3  }
0x3a: {  	_ = 	snop  }
0x3b: {  	_ = 	snop  }
0x3c: {  	p2 =	seq.s32 s10, $0x1;
	s10 =	sld [smem:$0x3FB6]  }
0x3d: {  	_ =	shalt  }
0x3e: {  	_ =	shalt  }
0x3f: {  	_ =	shalt  }
0x40: {  	_ =	shalt  }
0x41: {  	_ =	shalt  }
0x42: {  	_ =	shalt  }
0x43: {  	_ =	shalt  }
0x44: {  	_ =	shalt  }
0x45: {  	_ =	shalt  }
0x46: {  	_ =	shalt  }
0x47: {  	_ =	shalt  }
0x48: {  	_ =	shalt  }
0x49: {  	_ =	shalt  }
0x4a: {  	_ =	shalt  }
0x4b: {  	_ =	shalt  }
0x4c: {  	_ =	shalt  }
0x4d: {  	_ =	shalt  }
0x4e: {  	_ =	shalt  }
0x4f: {  	_ =	shalt  }
0x50: {  	_ =	shalt  }
0x51: {  	_ =	shalt  }
0x52: {  	_ =	shalt  }
0x53: {  	_ =	shalt  }
0x54: {  	_ =	shalt  }
0x55: {  	_ =	shalt  }
0x56: {  	_ =	shalt  }
0x57: {  	_ =	shalt  }
0x58: {  	_ =	shalt  }
0x59: {  	_ =	shalt  }
0x5a: {  	_ =	shalt  }
0x5b: {  	_ =	shalt  }
0x5c: {  	_ =	shalt  }
0x5d: {  	_ =	shalt  }
0x5e: {  	_ =	shalt  }
0x5f: {  	_ =	shalt  }
0x60: {  	_ =	shalt  }
0x61: {  	_ =	shalt  }
0x62: {  	_ =	shalt  }
0x63: {  	_ =	shalt  }
0x64: {  	_ =	shalt  }
0x65: {  	_ =	shalt  }
0x66: {  	_ =	shalt  }
0x67: {  	_ =	shalt  }
0x68: {  	_ =	shalt  }
0x69: {  	_ =	shalt  }
0x6a: {  	_ =	shalt  }
0x6b: {  	_ =	shalt  }
0x6c: {  	_ =	shalt  }
0x6d: {  	_ =	shalt  }
0x6e: {  	_ =	shalt  }
0x6f: {  	_ =	shalt  }
0x70: {  	_ =	shalt  }
0x71: {  	_ =	shalt  }
0x72: {  	_ =	shalt  }
0x73: {  	_ =	shalt  }
0x74: {  	_ =	shalt  }
0x75: {  	_ =	shalt  }
0x76: {  	_ =	shalt  }
0x77: {  	_ =	shalt  }
0x78: {  	_ =	shalt  }
0x79: {  	_ =	shalt  }
0x7a: {  	_ =	shalt  }
0x7b: {  	_ =	shalt  }
0x7c: {  	_ =	shalt  }
0x7d: {  	_ =	shalt  }
0x7e: {  	_ =	shalt  }
0x7f: {  	_ =	shalt  }
0x80: {  	_ =	shalt  }
0x81: {  	_ =	shalt  }
0x82: {  	_ =	shalt  }
0x83: {  	_ =	shalt  }
0x84: {  	_ =	shalt  }
0x85: {  	_ =	shalt  }
0x86: {  	_ =	shalt  }
0x87: {  	_ =	shalt  }
.Lfunc_end0:
.L_simem_size_0:
called_computation_lowered:
.L_overlay_start_0:
0x88: {  	s2 =	sld [smem:$0x3FD9]  }
0x89: {  	s3 =	sld [smem:$0x3FFE];
	_ =	sdelay $0x1  }
0x8a: {  	s1 =	srdreg.scid  }
0x8b: {  	s0 =	sand.u32 $0x1, s1  }
0x8c: {  	s17 =	sshll.u32 s0, $0xA;
	s2 =	sadd.s32 s3, s2  }
0x8d: {  	s2 =	sadd.s32 s2, s17  }
0x8e: {  	[smem:$0x3FC2] =	sst s2  }
0x8f: {  	_ = 	snop  }
0x90: {  	s2 =	sld [smem:$0x3FD0];
	(tm) =	ssettm $0x1  }
0x91: {  	s18 =	sld [smem:$0x3FFB];
	_ =	sdelay $0x3  }
0x92: {  	_ =	strace s18  }
0x93: {  	s3 =	sld [smem:$0x3FFC];
	_ =	sdelay $0x3  }
0x94: {  	_ =	strace s3  }
0x95: {  	s3 =	sld [smem:$0x3FFD];
	_ =	sdelay $0x3  }
0x96: {  	_ =	strace s3  }
0x97: {  	_ =	strace $0x8FFFFFFF  }
0x98: {  	s19 =	sld [smem:$0x3FDB];
	_ =	sdelay $0x1  }
0x99: {  	s4 =	simm.s32 $_scs_section_size  }
0x9a: {  	s5 =	simm.s32 $_size__tile_overlayer_lowered;
	s6 =	simm.s32 $_tile_overlayer_lowered  }
0x9b: {  	s22 =	simm.s32 $0x1BFF;
	s21 =	sshll.u32 s6, $0x1;
	s3 =	sadd.s32 s4, s19  }
0x9c: {  	s7 =	simm.s32 $0x0;
	s20 =	sshll.u32 s5, $0x1;
	s5 =	sadd.s32 s21, s3  }
0x9d: {  	[timem:s7], [sflag:s22] =	dma.local [hbm:s5], s20  }
0x9e: {  	_ =	swait.ge [sflag:s22], s20  }
0x9f: {  	s4 =	ssub.s32 $0x0, s20;
	[sflag:s22] =	ssyncset.done $0x0  }
0xa0: {  	[sflag:s22] =	ssyncadd.s32 s4;
	_ =	sdelay $0x1  }
0xa1: {  	s23 =	simm.s32 $0x1B8B  }
0xa2: {  	_ =	swait.ge [sflag:s23], $0x1  }
0xa3: {  	[sflag:s23] =	ssyncset.done $0x0  }
0xa4: {  	s25 =	simm.s32 $0x1B8E;
	s24 =	sld [smem:$0x3FFE];
	[sflag:s23] =	ssyncadd.s32 $0xFFFFFFFF  }
0xa5: {  	s26 =	simm.s32 $execute0_lowered;
	[smem:$0x3FD2] =	sst s25  }
0xa6: {  	s5 =	sshll.u32 s26, $0x1;
	_ =	strace $0x80000046;
	[dreg:$0x1] =	wrdreg $0xFFFFFFFF  }
0xa7: {  	s28 =	simm.s32 $_size_execute0_lowered;
	s3 =	sadd.s32 s3, s5;
	[dreg:$0x0] =	wrdreg $0x0  }
0xa8: {  	s5 =	sshll.u32 s28, $0x1;
	[dreg:$0x2] =	wrdreg s3  }
0xa9: {  	[dreg:$0x3] =	wrdreg s5  }
0xaa: {  	[dreg:$0x4] =	wrdreg $0xC0  }
0xab: {  	_ =	task [dreg:s7], $0x5FFFF  }
0xac: {  	[dreg:$0x1] =	wrdreg $0xFFFFFFFF  }
0xad: {  	[dreg:$0x0] =	wrdreg $0x60  }
0xae: {  	[dreg:$0x2] =	wrdreg s24  }
0xaf: {  	[dreg:$0x3] =	wrdreg s2  }
0xb0: {  	[dreg:$0x4] =	wrdreg $0x104800  }
0xb1: {  	[dreg:$0x5] =	wrdreg $0x9  }
0xb2: {  	_ =	task.clear_ibuf [dreg:s7], $0x6FFFF;
	_ =	strace $0x90000046  }
0xb3: {  	s29 =	simm.s32 $0x9;
	_ =	strace $0x80000048  }
0xb4: {  	_ =	swait.ge [sflag:s29], $0x1  }
0xb5: {  	[sflag:s29] =	ssyncadd.s32 $0xFFFFFFFF  }
0xb6: {  	_ =	strace $0x90000048  }
0xb7: {  	_ =	sfence  }
0xb8: {  	s30 =	sld [smem:$0x0];
	_ =	sdelay $0x2  }
0xb9: {  	s31 =	sshll.u32 s1, $0xD;
	s1 =	sshrl.u32 s1, $0x2  }
0xba: {  	s3 =	sand.u32 $0x4000, s31;
	s1 =	sadd.s32 s1, s30  }
0xbb: {  	s0 =	sor.u32 s3, s0;
	s1 =	sshll.u32 s1, $0x11  }
0xbc: {  	s0 =	sor.u32 s1, s0  }
0xbd: {  	s0 =	sadd.s32 $0x8F2B, s0  }
0xbe: {  	[sflag:s0] =	ssyncadd.remote.s32 $0x1  }
0xbf: {  	_ =	sfence.sel $0xFFFF  }
0xc0: {  	[dreg:$0x0] =	wrdreg $0xFFFFFFFF;
	(pc) =	sbr.abs _section_cstart, $3  }
0xc1: {  	[dreg:$0x1] =	wrdreg $0xFFFFFFFF  }
0xc2: {  	_ =	task.clear_ibuf [dreg:s7], $0x2FFFF;
	_ =	strace $0x9FFFFFFF  }
0xc3: {  	(tm) =	ssettm $0x7FFFFFFF  }
tec
execute0_lowered:
.L_overlay_start_1:
0x0: {  	(tag) =	ssettag $0x1  }
0x1: {  	s4 =	rddreg [dreg:$0x0]  }
0x2: {  	s12 =	rddreg [dreg:$0x1]  }
0x3: {  	s2 =	rddreg [dreg:$0x2]  }
0x4: {  	s0 =	rddreg [dreg:$0x3]  }
0x5: {  	s1 =	stileid.u32;
	s3 =	simm.s32 $0x0;
	s6 =	srdreg.scid  }
0x6: {  	s16 =	simm.s32 $0x3400;
	s17 =	simm.s32 $0x6800;
	s18 =	simm.s32 $0x9C00  }
0x7: {  	s19 =	simm.s32 $0xD000;
	s20 =	simm.s32 $0x28;
	s21 =	simm.s32 $0x10400  }
0x8: {  	s22 =	simm.s32 $0x1;
	s23 =	simm.s32 $0x20;
	s24 =	simm.s32 $0x10  }
0x9: {  	s25 =	simm.s32 $0x0;
	s5 =	smul.u32 $0x10400, s1;
	[smem:$0x7FF] =	sst s3  }
0xa: {  	s11 =	sand.u32 $0x1, s6;
	s7 =	smul.u32 $0xA00, s1;
	s31 =	sshll.u32 s1, $0x6  }
0xb: {  	s9 =	smul.u32 $0x500, s1;
	s6 =	ssub.s32 $0x2, s11;
	_ =	strace $0x80000047  }
0xc: {  	s15 =	sshll.u32 s11, $0x7;
	s11 =	smul.u32 $0x32, s11;
	s5 =	sshrl.u32 s5, $0x3  }
0xd: {  	s29 =	sshrl.u32 s6, $0x1;
	s30 =	sshrl.u32 s7, $0x2;
	s15 =	sor.u32 s15, s9  }
0xe: {  	s10 =	sadd.s32 s5, s4;
	s4 =	sadd.s32 $0x23E00, s4;
	s13 =	ssub.s32 s6, s29  }
0xf: {  	s14 =	sadd.s32 s30, s2;
	s5 =	sor.u32 $0x1C02, s31;
	s15 =	sshrl.u32 s15, $0x3  }
0x10: {  	s6 =	sadd.s32 $0x3600, s10;
	s7 =	sadd.s32 $0x3C80, s10;
	s8 =	sadd.s32 $0x4300, s10  }
0x11: {  	s9 =	sadd.s32 $0x4980, s10;
	s10 =	sadd.s32 $0x5000, s10;
	s12 =	sadd.s32 s12, s15  }
0x12: {  	v0 =	vimm.f32 $1.000000000e+00;
	s13 =	smax.u32 s13, $0x1;
	s14 =	sshrl.u32 s14, $0x3;
	s15 =	simm.s32 $0x2  }
.LBB2_1:
0x13: {  	[tilespmem:$0x10400] =	vst v0  }
0x14: {  	[tilespmem:$0x10410] =	vst v0  }
0x15: {  	[tilespmem:$0x10418] =	vst v0  }
0x16: {  	[spmem:s14], [sflag:s5] =	dma.local [hbm:s4], $0x50  }
0x17: {  	_ =	swait.ge [sflag:s15], $0x50  }
0x18: {  	[sflag:s15] =	ssyncset.done $0x0  }
0x19: {  	[sflag:s15] =	ssyncadd.s32 $0xFFFFFFB0  }
0x1a: {  	[tilespmem:s3], [sflag:$0x2] =	stream.linear.gather [hbm4b:s6+s3], $0x3200, $0x38;
	[tilespmem:$0x10700] =	vst v63  }
0x1b: {  	_ =	swait.ge [sflag:s15], $0x3200  }
0x1c: {  	[sflag:s15] =	ssyncset.done $0x0  }
0x1d: {  	[sflag:s15] =	ssyncadd.s32 $0xFFFFCE00  }
0x1e: {  	[tilespmem:s16], [sflag:$0x2] =	stream.linear.gather [hbm4b:s7+s3], $0x3200, $0x38;
	[tilespmem:$0x10700] =	vst v63  }
0x1f: {  	_ =	swait.ge [sflag:s15], $0x3200  }
0x20: {  	[sflag:s15] =	ssyncset.done $0x0  }
0x21: {  	s26 =	smul.u32 $0xCD, s3;
	[sflag:s15] =	ssyncadd.s32 $0xFFFFCE00  }
0x22: {  	[tilespmem:s17], [sflag:$0x2] =	stream.linear.gather [hbm4b:s8+s3], $0x3200, $0x38;
	[tilespmem:$0x10700] =	vst v63  }
0x23: {  	s26 =	sshrl.u32 s26, $0xA;
	_ =	swait.ge [sflag:s15], $0x3200  }
0x24: {  	s26 =	sand.u32 $0x3F, s26;
	[sflag:s15] =	ssyncset.done $0x0  }
0x25: {  	s28 =	smul.u32 $0x5, s26;
	[sflag:s15] =	ssyncadd.s32 $0xFFFFCE00  }
0x26: {  	[tilespmem:s18], [sflag:$0x2] =	stream.linear.gather [hbm4b:s9+s3], $0x3200, $0x38;
	[tilespmem:$0x10700] =	vst v63  }
0x27: {  	_ =	swait.ge [sflag:s15], $0x3200  }
0x28: {  	s28 =	ssub.s32 $0x0, s28;
	[sflag:s15] =	ssyncset.done $0x0  }
0x29: {  	s28 =	smul.u32 $0xA, s28;
	[sflag:s15] =	ssyncadd.s32 $0xFFFFCE00  }
0x2a: {  	[tilespmem:s19], [sflag:$0x2] =	stream.linear.gather [hbm4b:s10+s3], $0x3200, $0x38;
	[tilespmem:$0x10700] =	vst v63  }
0x2b: {  	s26 =	smul.u32 $0xD000, s26;
	s28 =	sand.u32 $0xFE, s28;
	_ =	swait.ge [sflag:s15], $0x3200  }
0x2c: {  	s28 =	sadd.s32 s28, s11;
	[sflag:s15] =	ssyncset.done $0x0  }
0x2d: {  	s26 =	sshrl.u32 s26, $0x2;
	s28 =	sshll.u32 s28, $0x7;
	[sflag:s15] =	ssyncadd.s32 $0xFFFFCE00  }
0x2e: {  	s26 =	sadd.s32 s28, s26;
	[bflag:$0x0] =	sbarrier.arrive $0xFFFF  }
0x2f: {  	[spmem:s2] =	stream.indirect.scatter.add.f32 [tilespmem:s21], [sflag:$0x1], $0x1, s26, s20, $0xb8;
	[tilespmem:$0x10700] =	vst v63  }
0x30: {  	s28 =	sadd.s32 $0x80, s26  }
0x31: {  	[spmem:s2] =	stream.indirect.scatter.add.f32 [tilespmem:s21], [sflag:$0x1], $0x1, s28, s20, $0xb8;
	[tilespmem:$0x10700] =	vst v63  }
0x32: {  	s28 =	sadd.s32 $0x100, s26  }
0x33: {  	[spmem:s2] =	stream.indirect.scatter.add.f32 [tilespmem:s21], [sflag:$0x1], $0x1, s28, s20, $0xb8;
	[tilespmem:$0x10700] =	vst v63  }
0x34: {  	s28 =	sadd.s32 $0x180, s26  }
0x35: {  	[spmem:s2] =	stream.indirect.scatter.add.f32 [tilespmem:s21], [sflag:$0x1], $0x1, s28, s20, $0xb8;
	[tilespmem:$0x10700] =	vst v63  }
0x36: {  	s28 =	sadd.s32 $0x200, s26  }
0x37: {  	[spmem:s2] =	stream.indirect.scatter.add.f32 [tilespmem:s21], [sflag:$0x1], $0x1, s28, s20, $0xb8;
	[tilespmem:$0x10700] =	vst v63  }
0x38: {  	s28 =	sadd.s32 $0x280, s26  }
0x39: {  	[spmem:s2] =	stream.indirect.scatter.add.f32 [tilespmem:s21], [sflag:$0x1], $0x1, s28, s20, $0xb8;
	[tilespmem:$0x10700] =	vst v63  }
0x3a: {  	s28 =	sadd.s32 $0x300, s26  }
0x3b: {  	[spmem:s2] =	stream.indirect.scatter.add.f32 [tilespmem:s21], [sflag:$0x1], $0x1, s28, s20, $0xb8;
	[tilespmem:$0x10700] =	vst v63  }
0x3c: {  	s28 =	sadd.s32 $0x380, s26  }
0x3d: {  	[spmem:s2] =	stream.indirect.scatter.add.f32 [tilespmem:s21], [sflag:$0x1], $0x1, s28, s20, $0xb8;
	[tilespmem:$0x10700] =	vst v63  }
0x3e: {  	s28 =	sadd.s32 $0x400, s26  }
0x3f: {  	[spmem:s2] =	stream.indirect.scatter.add.f32 [tilespmem:s21], [sflag:$0x1], $0x1, s28, s20, $0xb8;
	[tilespmem:$0x10700] =	vst v63  }
0x40: {  	s26 =	sadd.s32 $0x480, s26  }
0x41: {  	[spmem:s2] =	stream.indirect.scatter.add.f32 [tilespmem:s21], [sflag:$0x1], $0x1, s26, s20, $0xb8;
	[tilespmem:$0x10700] =	vst v63  }
0x42: {  	_ =	swait.ge [sflag:s22], $0x28  }
0x43: {  	[sflag:s22] =	ssyncset.done $0x0  }
0x44: {  	[sflag:s22] =	ssyncadd.s32 $0xFFFFFFD8  }
0x45: {  	_ =	swait.ge [sflag:s22], $0x28  }
0x46: {  	[sflag:s22] =	ssyncset.done $0x0  }
0x47: {  	[sflag:s22] =	ssyncadd.s32 $0xFFFFFFD8  }
0x48: {  	_ =	swait.ge [sflag:s22], $0x28  }
0x49: {  	[sflag:s22] =	ssyncset.done $0x0  }
0x4a: {  	[sflag:s22] =	ssyncadd.s32 $0xFFFFFFD8  }
0x4b: {  	_ =	swait.ge [sflag:s22], $0x28  }
0x4c: {  	[sflag:s22] =	ssyncset.done $0x0  }
0x4d: {  	[sflag:s22] =	ssyncadd.s32 $0xFFFFFFD8  }
0x4e: {  	_ =	swait.ge [sflag:s22], $0x28  }
0x4f: {  	[sflag:s22] =	ssyncset.done $0x0  }
0x50: {  	[sflag:s22] =	ssyncadd.s32 $0xFFFFFFD8  }
0x51: {  	_ =	swait.ge [sflag:s22], $0x28  }
0x52: {  	[sflag:s22] =	ssyncset.done $0x0  }
0x53: {  	s31 =	simm.s32 $0x1;
	[sflag:s22] =	ssyncadd.s32 $0xFFFFFFD8  }
0x54: {  	s26 =	smul.u32 $0xCD, s31;
	_ =	swait.ge [sflag:s22], $0x28  }
0x55: {  	[sflag:s22] =	ssyncset.done $0x0  }
0x56: {  	s26 =	sshrl.u32 s26, $0xA;
	[sflag:s22] =	ssyncadd.s32 $0xFFFFFFD8  }
0x57: {  	s26 =	sand.u32 $0x3F, s26;
	_ =	swait.ge [sflag:s22], $0x28  }
0x58: {  	s28 =	smul.u32 $0x5, s26;
	[sflag:s22] =	ssyncset.done $0x0  }
0x59: {  	[sflag:s22] =	ssyncadd.s32 $0xFFFFFFD8  }
0x5a: {  	s28 =	ssub.s32 $0x1, s28;
	_ =	swait.ge [sflag:s22], $0x28  }
0x5b: {  	s28 =	smul.u32 $0xA, s28;
	[sflag:s22] =	ssyncset.done $0x0  }
0x5c: {  	s26 =	smul.u32 $0xD000, s26;
	[sflag:s22] =	ssyncadd.s32 $0xFFFFFFD8  }
0x5d: {  	s30 =	simm.s32 $0x2;
	s28 =	sand.u32 $0xFE, s28;
	_ =	swait.ge [sflag:s22], $0x28  }
0x5e: {  	s29 =	sshrl.u32 s26, $0x2;
	s28 =	sadd.s32 s28, s11;
	[sflag:s22] =	ssyncset.done $0x0  }
.LBB2_2:
0x5f: {  	s31 =	sshll.u32 s28, $0x7  }
0x60: {  	[sflag:s22] =	ssyncadd.s32 $0xFFFFFFD8;
	s28 =	smov.u32 s30;
	s26 =	sadd.s32 $0x1, s30  }
0x61: {  	p0 =	sne.s32 s30, $0x18;
	s29 =	sadd.s32 s31, s29  }
0x62: {  	[spmem:s2] =	stream.indirect.scatter.add.f32 [tilespmem:s21], [sflag:$0x1], $0x1, s29, s20, $0xb8;
	[tilespmem:$0x10700] =	vst v63  }
0x63: {  	s30 =	sadd.s32 $0x80, s29  }
0x64: {  	[spmem:s2] =	stream.indirect.scatter.add.f32 [tilespmem:s21], [sflag:$0x1], $0x1, s30, s20, $0xb8;
	[tilespmem:$0x10700] =	vst v63  }
0x65: {  	s30 =	sadd.s32 $0x100, s29  }
0x66: {  	[spmem:s2] =	stream.indirect.scatter.add.f32 [tilespmem:s21], [sflag:$0x1], $0x1, s30, s20, $0xb8;
	[tilespmem:$0x10700] =	vst v63  }
0x67: {  	s30 =	sadd.s32 $0x180, s29  }
0x68: {  	[spmem:s2] =	stream.indirect.scatter.add.f32 [tilespmem:s21], [sflag:$0x1], $0x1, s30, s20, $0xb8;
	[tilespmem:$0x10700] =	vst v63  }
0x69: {  	s30 =	sadd.s32 $0x200, s29  }
0x6a: {  	[spmem:s2] =	stream.indirect.scatter.add.f32 [tilespmem:s21], [sflag:$0x1], $0x1, s30, s20, $0xb8;
	[tilespmem:$0x10700] =	vst v63  }
0x6b: {  	s30 =	sadd.s32 $0x280, s29  }
0x6c: {  	[spmem:s2] =	stream.indirect.scatter.add.f32 [tilespmem:s21], [sflag:$0x1], $0x1, s30, s20, $0xb8;
	[tilespmem:$0x10700] =	vst v63  }
0x6d: {  	s30 =	sadd.s32 $0x300, s29  }
0x6e: {  	[spmem:s2] =	stream.indirect.scatter.add.f32 [tilespmem:s21], [sflag:$0x1], $0x1, s30, s20, $0xb8;
	[tilespmem:$0x10700] =	vst v63  }
0x6f: {  	s30 =	sadd.s32 $0x380, s29  }
0x70: {  	[spmem:s2] =	stream.indirect.scatter.add.f32 [tilespmem:s21], [sflag:$0x1], $0x1, s30, s20, $0xb8;
	[tilespmem:$0x10700] =	vst v63  }
0x71: {  	s30 =	sadd.s32 $0x400, s29  }
0x72: {  	[spmem:s2] =	stream.indirect.scatter.add.f32 [tilespmem:s21], [sflag:$0x1], $0x1, s30, s20, $0xb8;
	[tilespmem:$0x10700] =	vst v63  }
0x73: {  	s29 =	sadd.s32 $0x480, s29  }
0x74: {  	[spmem:s2] =	stream.indirect.scatter.add.f32 [tilespmem:s21], [sflag:$0x1], $0x1, s29, s20, $0xb8;
	[tilespmem:$0x10700] =	vst v63  }
0x75: {  	_ =	swait.ge [sflag:s22], $0x28  }
0x76: {  	[sflag:s22] =	ssyncset.done $0x0  }
0x77: {  	[sflag:s22] =	ssyncadd.s32 $0xFFFFFFD8  }
0x78: {  	_ =	swait.ge [sflag:s22], $0x28  }
0x79: {  	[sflag:s22] =	ssyncset.done $0x0  }
0x7a: {  	[sflag:s22] =	ssyncadd.s32 $0xFFFFFFD8  }
0x7b: {  	_ =	swait.ge [sflag:s22], $0x28  }
0x7c: {  	[sflag:s22] =	ssyncset.done $0x0  }
0x7d: {  	[sflag:s22] =	ssyncadd.s32 $0xFFFFFFD8  }
0x7e: {  	_ =	swait.ge [sflag:s22], $0x28  }
0x7f: {  	[sflag:s22] =	ssyncset.done $0x0  }
0x80: {  	[sflag:s22] =	ssyncadd.s32 $0xFFFFFFD8  }
0x81: {  	_ =	swait.ge [sflag:s22], $0x28  }
0x82: {  	[sflag:s22] =	ssyncset.done $0x0  }
0x83: {  	[sflag:s22] =	ssyncadd.s32 $0xFFFFFFD8  }
0x84: {  	_ =	swait.ge [sflag:s22], $0x28  }
0x85: {  	[sflag:s22] =	ssyncset.done $0x0  }
0x86: {  	[sflag:s22] =	ssyncadd.s32 $0xFFFFFFD8  }
0x87: {  	s29 =	smul.u32 $0xCD, s28;
	_ =	swait.ge [sflag:s22], $0x28  }
0x88: {  	[sflag:s22] =	ssyncset.done $0x0  }
0x89: {  	s29 =	sshrl.u32 s29, $0xA;
	[sflag:s22] =	ssyncadd.s32 $0xFFFFFFD8  }
0x8a: {  	s29 =	sand.u32 $0x3F, s29;
	_ =	swait.ge [sflag:s22], $0x28  }
0x8b: {  	s30 =	smul.u32 $0x5, s29;
	[sflag:s22] =	ssyncset.done $0x0  }
0x8c: {  	s29 =	smul.u32 $0xD000, s29;
	[sflag:s22] =	ssyncadd.s32 $0xFFFFFFD8  }
.Ltmp0:
0x8d: {  	s28 =	ssub.s32 s28, s30;
	_ =	swait.ge [sflag:s22], $0x28;
	(pc) =	sbr.rel @p0 .LBB2_2-.Ltmp0, $4  }
0x8e: {  	s29 =	sshrl.u32 s29, $0x2;
	s28 =	smul.u32 $0xA, s28;
	[sflag:s22] =	ssyncset.done $0x0  }
0x8f: {  	[sflag:s22] =	ssyncadd.s32 $0xFFFFFFD8  }
0x90: {  	s28 =	sand.u32 $0xFE, s28;
	_ =	swait.ge [sflag:s22], $0x28  }
0x91: {  	s30 =	smov.u32 s26;
	s28 =	sadd.s32 s28, s11;
	[sflag:s22] =	ssyncset.done $0x0  }
0x92: {  	s26 =	sshll.u32 s28, $0x7  }
0x93: {  	[sflag:s22] =	ssyncadd.s32 $0xFFFFFFD8;
	s26 =	sadd.s32 s26, s29  }
0x94: {  	[spmem:s2] =	stream.indirect.scatter.add.f32 [tilespmem:s21], [sflag:$0x1], $0x1, s26, s20, $0xb8;
	[tilespmem:$0x10700] =	vst v63  }
0x95: {  	s30 =	sadd.s32 $0x80, s26  }
0x96: {  	[spmem:s2] =	stream.indirect.scatter.add.f32 [tilespmem:s21], [sflag:$0x1], $0x1, s30, s20, $0xb8;
	[tilespmem:$0x10700] =	vst v63  }
0x97: {  	s31 =	sadd.s32 $0x100, s26  }
0x98: {  	[spmem:s2] =	stream.indirect.scatter.add.f32 [tilespmem:s21], [sflag:$0x1], $0x1, s31, s20, $0xb8;
	[tilespmem:$0x10700] =	vst v63  }
0x99: {  	s29 =	sadd.s32 $0x180, s26  }
0x9a: {  	[spmem:s2] =	stream.indirect.scatter.add.f32 [tilespmem:s21], [sflag:$0x1], $0x1, s29, s20, $0xb8;
	[tilespmem:$0x10700] =	vst v63  }
0x9b: {  	s30 =	sadd.s32 $0x200, s26  }
0x9c: {  	[spmem:s2] =	stream.indirect.scatter.add.f32 [tilespmem:s21], [sflag:$0x1], $0x1, s30, s20, $0xb8;
	[tilespmem:$0x10700] =	vst v63  }
0x9d: {  	s31 =	sadd.s32 $0x280, s26  }
0x9e: {  	[spmem:s2] =	stream.indirect.scatter.add.f32 [tilespmem:s21], [sflag:$0x1], $0x1, s31, s20, $0xb8;
	[tilespmem:$0x10700] =	vst v63  }
0x9f: {  	s29 =	sadd.s32 $0x300, s26  }
0xa0: {  	[spmem:s2] =	stream.indirect.scatter.add.f32 [tilespmem:s21], [sflag:$0x1], $0x1, s29, s20, $0xb8;
	[tilespmem:$0x10700] =	vst v63  }
0xa1: {  	s30 =	sadd.s32 $0x380, s26  }
0xa2: {  	[spmem:s2] =	stream.indirect.scatter.add.f32 [tilespmem:s21], [sflag:$0x1], $0x1, s30, s20, $0xb8;
	[tilespmem:$0x10700] =	vst v63  }
0xa3: {  	s31 =	sadd.s32 $0x400, s26  }
0xa4: {  	[spmem:s2] =	stream.indirect.scatter.add.f32 [tilespmem:s21], [sflag:$0x1], $0x1, s31, s20, $0xb8;
	[tilespmem:$0x10700] =	vst v63  }
0xa5: {  	s26 =	sadd.s32 $0x480, s26  }
0xa6: {  	[spmem:s2] =	stream.indirect.scatter.add.f32 [tilespmem:s21], [sflag:$0x1], $0x1, s26, s20, $0xb8;
	[tilespmem:$0x10700] =	vst v63  }
0xa7: {  	_ =	swait.ge [sflag:s22], $0x28  }
0xa8: {  	[sflag:s22] =	ssyncset.done $0x0  }
0xa9: {  	[sflag:s22] =	ssyncadd.s32 $0xFFFFFFD8  }
0xaa: {  	_ =	swait.ge [sflag:s22], $0x28  }
0xab: {  	[sflag:s22] =	ssyncset.done $0x0  }
0xac: {  	[sflag:s22] =	ssyncadd.s32 $0xFFFFFFD8  }
0xad: {  	_ =	swait.ge [sflag:s22], $0x28  }
0xae: {  	[sflag:s22] =	ssyncset.done $0x0  }
0xaf: {  	[sflag:s22] =	ssyncadd.s32 $0xFFFFFFD8  }
0xb0: {  	_ =	swait.ge [sflag:s22], $0x28  }
0xb1: {  	[sflag:s22] =	ssyncset.done $0x0  }
0xb2: {  	[sflag:s22] =	ssyncadd.s32 $0xFFFFFFD8  }
0xb3: {  	_ =	swait.ge [sflag:s22], $0x28  }
0xb4: {  	[sflag:s22] =	ssyncset.done $0x0  }
0xb5: {  	[sflag:s22] =	ssyncadd.s32 $0xFFFFFFD8  }
0xb6: {  	_ =	swait.ge [sflag:s22], $0x28  }
0xb7: {  	[sflag:s22] =	ssyncset.done $0x0  }
0xb8: {  	[sflag:s22] =	ssyncadd.s32 $0xFFFFFFD8  }
0xb9: {  	_ =	swait.ge [sflag:s22], $0x28  }
0xba: {  	[sflag:s22] =	ssyncset.done $0x0  }
0xbb: {  	[sflag:s22] =	ssyncadd.s32 $0xFFFFFFD8  }
0xbc: {  	_ =	swait.ge [sflag:s22], $0x28  }
0xbd: {  	[sflag:s22] =	ssyncset.done $0x0  }
0xbe: {  	[sflag:s22] =	ssyncadd.s32 $0xFFFFFFD8  }
0xbf: {  	_ =	swait.ge [sflag:s22], $0x28  }
0xc0: {  	[sflag:s22] =	ssyncset.done $0x0  }
0xc1: {  	[sflag:s22] =	ssyncadd.s32 $0xFFFFFFD8  }
0xc2: {  	_ =	swait.ge [sflag:s22], $0x28  }
0xc3: {  	s25 =	sadd.s32 $0x1, s25;
	[sflag:s22] =	ssyncset.done $0x0  }
0xc4: {  	p0 =	sne.s32 s25, s13;
	[sflag:s22] =	ssyncadd.s32 $0xFFFFFFD8  }
.Ltmp1:
0xc5: {  	[bflag:$0x0] =	sbarrier.arrive $0xFFFF;
	(pc) =	sbr.rel @p0 .LBB2_1-.Ltmp1, $4  }
0xc6: {  	[hbm:s12@s23], [sflag:s5] =	dma.strided [spmem:s14@s24], $0x50, s22, $0x10   }
0xc7: {  	_ =	swait.ge [sflag:s15], $0x50  }
0xc8: {  	[sflag:s15] =	ssyncset.done $0x0  }
0xc9: {  	[sflag:s15] =	ssyncadd.s32 $0xFFFFFFB0  }
0xca: {  	_ =	sfence.sel $0x180000  }
0xcb: {  	[bflag:$0x0] =	sbarrier.arrive $0xFFFF  }
0xcc: {  	p0 =	sne.s32 s1, $0x0;
	_ =	strace $0x90000047  }
0xcd: {  	s0 =	sadd.s32 @!p0 $0x100000, s0;
	[bflag:$0x2] =	sbarrier.arrive $0xFFFF  }
0xce: {  	[sflag:s0] =	ssyncadd.tile.s32 @!p0 $0x1;
	_ =	shalt  }
.Lfunc_end2:
_tile_overlayer_lowered:
.L_overlay_start_2:
0xcf: {  	(tag) =	ssettag $0x2  }
0xd0: {  	s0 =	rddreg [dreg:$0x0];
	s2 =	stileid.u32  }
0xd1: {  	s1 =	rddreg [dreg:$0x1];
	p0 =	sne.s32 s2, $0x0  }
0xd2: {  	s3 =	rddreg [dreg:$0x2];
	[bflag:$0x3] =	sbarrier.arrive $0xFFFF;
	s2 =	simm.s32 @!p0 $0x1C02  }
0xd3: {  	[timem:s3], [sflag:s2] =	dma.local @!p0 [hbm:s0], s1  }
0xd4: {  	s0 =	simm.s32 @!p0 $0x2  }
0xd5: {  	_ =	swait.ge @!p0 [sflag:s0], s1  }
0xd6: {  	s1 =	ssub.s32 @!p0 $0x0, s1;
	[sflag:s0] =	ssyncset.done @!p0 $0x0  }
0xd7: {  	[sflag:s0] =	ssyncadd.s32 @!p0 s1  }
0xd8: {  	[bflag:$0x3] =	sbarrier.arrive $0xFFFF  }
0xd9: {  	_ =	shalt  }

// kernel: kernel.9.cloned.1.call-start
scs
__scs_entry_jumppad:
0x0: {  	(pc) =	sbr.rel $0x88, $3  }
0x1: {  	(tag) =	ssettag $0x0;
	lr =	simm.s32 $0x1  }
0x2: {  	[smem:$0x3F9B] =	sst lr;
	_ =	strace $0xD0000000  }
0x3: {  	_ = 	snop  }
0x4: {  	_ = 	snop  }
0x5: {  	_ = 	snop  }
0x6: {  	_ = 	snop  }
0x7: {  	_ = 	snop  }
__scs_overlays_trampoline_lowered:
0x8: {  	[smem:$0x3FAA] =	sst s0  }
0x9: {  	[smem:$0x3FAB] =	sst s1  }
0xa: {  	[smem:$0x3FAC] =	sst s2  }
0xb: {  	[smem:$0x3FAD] =	sst s3  }
0xc: {  	[smem:$0x3FAE] =	sst s4  }
0xd: {  	[smem:$0x3FAF] =	sst s5  }
0xe: {  	[smem:$0x3FB0] =	sst s6  }
0xf: {  	[smem:$0x3FB1] =	sst s7  }
0x10: {  	[smem:$0x3FB2] =	sst s8  }
0x11: {  	[smem:$0x3FB3] =	sst s9;
	s0 =	simm.s32 @!p0 $0x0  }
0x12: {  	s1 =	sld [smem:$0x3F99];
	s0 =	simm.s32 @p0 $0x1  }
0x13: {  	[smem:$0x3FB4] =	sst s0;
	s0 =	simm.s32 @!p1 $0x0  }
0x14: {  	s2 =	sld [smem:$0x3F98];
	s0 =	simm.s32 @p1 $0x1  }
0x15: {  	[smem:$0x3FB5] =	sst s0;
	s0 =	simm.s32 @!p2 $0x0  }
0x16: {  	s3 =	sld [smem:$0x3FDB];
	s0 =	simm.s32 @p2 $0x1  }
0x17: {  	s4 =	simm.s32 $0x1BF5;
	[smem:$0x3FB7] =	sst s0  }
0x18: {  	s0 =	sld [smem:$0x3F9A];
	_ =	swait.ge [sflag:s4], $0x0  }
0x19: {  	s7 =	sld [smem:$0x3F9B]  }
0x1a: {  	s8 =	sadd.s32 $0xFFFFE003, lr  }
0x1b: {  	s9 =	sadd.s32 $0xFFFFFEF7, lr;
	s5 =	simm.s32 $0xFFFFFFFF;
	p2 =	slt.u32 s8, $0xFFFFF086  }
0x1c: {  	p1 =	slt.u32 s9, $0xF7A;
	s5 =	simm.s32 @!p2 $0x0  }
0x1d: {  	s5 =	simm.s32 @p1 $0x1;
	p0 =	seq.s32 s7, s2  }
0x1e: {  	s7 =	smul.u32 @!p0 $0xF7A, s2;
	p2 =	seq.s32 @!p0 s5, $0x0  }
0x1f: {  	s9 =	smul.u32 $0xF7A, s1;
	s8 =	simm.s32 @!p0 $0x1BF5;
	p2 =	por !p2, p0  }
0x20: {  	[sflag:s8] =	ssyncset.s32 @!p0 $0xFFFFF086;
	s6 =	sadd.s32 @!p0 s3, s7;
	s7 =	simm.s32 @!p0 $0x108  }
0x21: {  	s3 =	sadd.s32 s3, s9;
	s6 =	sadd.s32 @!p0 $0x88, s6;
	s7 =	simm.s32 @p2 $0x1082  }
0x22: {  	[simem:s7], [sflag:s8] =	dma.local @!p0 [hbm:s6], $0xF7A  }
0x23: {  	s9 =	sor.u32 $0xD0000000, s2;
	s6 =	simm.s32 $0x108;
	_ =	swait.ge @!p0 [sflag:s8], $0x0  }
0x24: {  	s3 =	sadd.s32 $0x88, s3;
	s6 =	simm.s32 @!p1 $0x1082;
	[sflag:s4] =	ssyncset.s32 $0xFFFFF086  }
0x25: {  	[simem:s6], [sflag:s4] =	dma.local [hbm:s3], $0xF7A  }
0x26: {  	[smem:$0x3F9B] =	sst s1;
	(tag) =	ssettag s2;
	_ =	strace s9  }
0x27: {  	s1 =	sld [smem:$0x3FAB]  }
0x28: {  	s2 =	sld [smem:$0x3FAC]  }
0x29: {  	s4 =	sld [smem:$0x3FAE]  }
0x2a: {  	p0 =	seq.s32 s5, $0x0;
	s5 =	sld [smem:$0x3FAF]  }
0x2b: {  	s6 =	sld [smem:$0x3FB0]  }
0x2c: {  	s7 =	sld [smem:$0x3FB1]  }
0x2d: {  	s3 =	simm.s32 $0x108;
	s8 =	sld [smem:$0x3FB2]  }
0x2e: {  	s3 =	simm.s32 @!p0 $0x1082;
	s9 =	sld [smem:$0x3FB3]  }
0x2f: {  	lr =	sadd.s32 s0, s3;
	s0 =	sld [smem:$0x3FAA]  }
0x30: {  	s3 =	sld [smem:$0x3FAD]  }
0x31: {  	[smem:$0x3FB6] =	sst s10  }
0x32: {  	s10 =	sld [smem:$0x3FB4];
	_ =	sdelay $0x3  }
0x33: {  	p0 =	seq.s32 s10, $0x1;
	s10 =	sld [smem:$0x3FB6];
	_ =	sdelay $0x3  }
0x34: {  	[smem:$0x3FB6] =	sst s10  }
0x35: {  	s10 =	sld [smem:$0x3FB5];
	_ =	sdelay $0x3  }
0x36: {  	p1 =	seq.s32 s10, $0x1;
	s10 =	sld [smem:$0x3FB6];
	_ =	sdelay $0x3  }
0x37: {  	[smem:$0x3FB6] =	sst s10  }
0x38: {  	s10 =	sld [smem:$0x3FB7]  }
0x39: {  	_ = 	snop;
	(pc) =	sbr.ind lr, $3  }
0x3a: {  	_ = 	snop  }
0x3b: {  	_ = 	snop  }
0x3c: {  	p2 =	seq.s32 s10, $0x1;
	s10 =	sld [smem:$0x3FB6]  }
0x3d: {  	_ =	shalt  }
0x3e: {  	_ =	shalt  }
0x3f: {  	_ =	shalt  }
0x40: {  	_ =	shalt  }
0x41: {  	_ =	shalt  }
0x42: {  	_ =	shalt  }
0x43: {  	_ =	shalt  }
0x44: {  	_ =	shalt  }
0x45: {  	_ =	shalt  }
0x46: {  	_ =	shalt  }
0x47: {  	_ =	shalt  }
0x48: {  	_ =	shalt  }
0x49: {  	_ =	shalt  }
0x4a: {  	_ =	shalt  }
0x4b: {  	_ =	shalt  }
0x4c: {  	_ =	shalt  }
0x4d: {  	_ =	shalt  }
0x4e: {  	_ =	shalt  }
0x4f: {  	_ =	shalt  }
0x50: {  	_ =	shalt  }
0x51: {  	_ =	shalt  }
0x52: {  	_ =	shalt  }
0x53: {  	_ =	shalt  }
0x54: {  	_ =	shalt  }
0x55: {  	_ =	shalt  }
0x56: {  	_ =	shalt  }
0x57: {  	_ =	shalt  }
0x58: {  	_ =	shalt  }
0x59: {  	_ =	shalt  }
0x5a: {  	_ =	shalt  }
0x5b: {  	_ =	shalt  }
0x5c: {  	_ =	shalt  }
0x5d: {  	_ =	shalt  }
0x5e: {  	_ =	shalt  }
0x5f: {  	_ =	shalt  }
0x60: {  	_ =	shalt  }
0x61: {  	_ =	shalt  }
0x62: {  	_ =	shalt  }
0x63: {  	_ =	shalt  }
0x64: {  	_ =	shalt  }
0x65: {  	_ =	shalt  }
0x66: {  	_ =	shalt  }
0x67: {  	_ =	shalt  }
0x68: {  	_ =	shalt  }
0x69: {  	_ =	shalt  }
0x6a: {  	_ =	shalt  }
0x6b: {  	_ =	shalt  }
0x6c: {  	_ =	shalt  }
0x6d: {  	_ =	shalt  }
0x6e: {  	_ =	shalt  }
0x6f: {  	_ =	shalt  }
0x70: {  	_ =	shalt  }
0x71: {  	_ =	shalt  }
0x72: {  	_ =	shalt  }
0x73: {  	_ =	shalt  }
0x74: {  	_ =	shalt  }
0x75: {  	_ =	shalt  }
0x76: {  	_ =	shalt  }
0x77: {  	_ =	shalt  }
0x78: {  	_ =	shalt  }
0x79: {  	_ =	shalt  }
0x7a: {  	_ =	shalt  }
0x7b: {  	_ =	shalt  }
0x7c: {  	_ =	shalt  }
0x7d: {  	_ =	shalt  }
0x7e: {  	_ =	shalt  }
0x7f: {  	_ =	shalt  }
0x80: {  	_ =	shalt  }
0x81: {  	_ =	shalt  }
0x82: {  	_ =	shalt  }
0x83: {  	_ =	shalt  }
0x84: {  	_ =	shalt  }
0x85: {  	_ =	shalt  }
0x86: {  	_ =	shalt  }
0x87: {  	_ =	shalt  }
.Lfunc_end0:
.L_simem_size_0:
called_computation.1_lowered:
.L_overlay_start_0:
0x88: {  	s2 =	sld [smem:$0x3FD9]  }
0x89: {  	s3 =	sld [smem:$0x3FFE];
	_ =	sdelay $0x1  }
0x8a: {  	s1 =	srdreg.scid  }
0x8b: {  	s0 =	sand.u32 $0x1, s1  }
0x8c: {  	s17 =	sshll.u32 s0, $0xA;
	s2 =	sadd.s32 s3, s2  }
0x8d: {  	s2 =	sadd.s32 s2, s17  }
0x8e: {  	[smem:$0x3FC2] =	sst s2  }
0x8f: {  	_ = 	snop  }
0x90: {  	s2 =	sld [smem:$0x3FD0];
	(tm) =	ssettm $0x1  }
0x91: {  	s18 =	sld [smem:$0x3FFB];
	_ =	sdelay $0x3  }
0x92: {  	_ =	strace s18  }
0x93: {  	s3 =	sld [smem:$0x3FFC];
	_ =	sdelay $0x3  }
0x94: {  	_ =	strace s3  }
0x95: {  	s3 =	sld [smem:$0x3FFD];
	_ =	sdelay $0x3  }
0x96: {  	_ =	strace s3  }
0x97: {  	_ =	strace $0x8FFFFFFF  }
0x98: {  	s19 =	sld [smem:$0x3FDB];
	_ =	sdelay $0x1  }
0x99: {  	s4 =	simm.s32 $_scs_section_size  }
0x9a: {  	s5 =	simm.s32 $_size__tile_overlayer_lowered;
	s6 =	simm.s32 $_tile_overlayer_lowered  }
0x9b: {  	s22 =	simm.s32 $0x1BFF;
	s21 =	sshll.u32 s6, $0x1;
	s3 =	sadd.s32 s4, s19  }
0x9c: {  	s7 =	simm.s32 $0x0;
	s20 =	sshll.u32 s5, $0x1;
	s5 =	sadd.s32 s21, s3  }
0x9d: {  	[timem:s7], [sflag:s22] =	dma.local [hbm:s5], s20  }
0x9e: {  	_ =	swait.ge [sflag:s22], s20  }
0x9f: {  	s4 =	ssub.s32 $0x0, s20;
	[sflag:s22] =	ssyncset.done $0x0  }
0xa0: {  	[sflag:s22] =	ssyncadd.s32 s4;
	_ =	sdelay $0x1  }
0xa1: {  	s23 =	simm.s32 $0x1B8B  }
0xa2: {  	_ =	swait.ge [sflag:s23], $0x1  }
0xa3: {  	[sflag:s23] =	ssyncset.done $0x0  }
0xa4: {  	s25 =	simm.s32 $0x1B8E;
	s24 =	sld [smem:$0x3FFE];
	[sflag:s23] =	ssyncadd.s32 $0xFFFFFFFF  }
0xa5: {  	s26 =	simm.s32 $execute0_lowered;
	[smem:$0x3FD2] =	sst s25  }
0xa6: {  	s5 =	sshll.u32 s26, $0x1;
	_ =	strace $0x80000049;
	[dreg:$0x1] =	wrdreg $0xFFFFFFFF  }
0xa7: {  	s28 =	simm.s32 $_size_execute0_lowered;
	s3 =	sadd.s32 s3, s5;
	[dreg:$0x0] =	wrdreg $0x0  }
0xa8: {  	s5 =	sshll.u32 s28, $0x1;
	[dreg:$0x2] =	wrdreg s3  }
0xa9: {  	[dreg:$0x3] =	wrdreg s5  }
0xaa: {  	[dreg:$0x4] =	wrdreg $0xC0  }
0xab: {  	_ =	task [dreg:s7], $0x5FFFF  }
0xac: {  	[dreg:$0x1] =	wrdreg $0xFFFFFFFF  }
0xad: {  	[dreg:$0x0] =	wrdreg $0x60  }
0xae: {  	[dreg:$0x2] =	wrdreg s2  }
0xaf: {  	[dreg:$0x3] =	wrdreg s24  }
0xb0: {  	[dreg:$0x4] =	wrdreg $0xB8000  }
0xb1: {  	[dreg:$0x5] =	wrdreg $0x9  }
0xb2: {  	_ =	task.clear_ibuf [dreg:s7], $0x6FFFF;
	_ =	strace $0x90000049  }
0xb3: {  	s29 =	simm.s32 $0x9;
	_ =	strace $0x8000004B  }
0xb4: {  	_ =	swait.ge [sflag:s29], $0x1  }
0xb5: {  	[sflag:s29] =	ssyncadd.s32 $0xFFFFFFFF  }
0xb6: {  	_ =	strace $0x9000004B  }
0xb7: {  	_ =	sfence  }
0xb8: {  	s30 =	sld [smem:$0x0];
	_ =	sdelay $0x2  }
0xb9: {  	s31 =	sshll.u32 s1, $0xD;
	s1 =	sshrl.u32 s1, $0x2  }
0xba: {  	s3 =	sand.u32 $0x4000, s31;
	s1 =	sadd.s32 s1, s30  }
0xbb: {  	s0 =	sor.u32 s3, s0;
	s1 =	sshll.u32 s1, $0x11  }
0xbc: {  	s0 =	sor.u32 s1, s0  }
0xbd: {  	s0 =	sadd.s32 $0x8F2B, s0  }
0xbe: {  	[sflag:s0] =	ssyncadd.remote.s32 $0x1  }
0xbf: {  	_ =	sfence.sel $0xFFFF  }
0xc0: {  	[dreg:$0x0] =	wrdreg $0xFFFFFFFF;
	(pc) =	sbr.abs _section_cstart, $3  }
0xc1: {  	[dreg:$0x1] =	wrdreg $0xFFFFFFFF  }
0xc2: {  	_ =	task.clear_ibuf [dreg:s7], $0x2FFFF;
	_ =	strace $0x9FFFFFFF  }
0xc3: {  	(tm) =	ssettm $0x7FFFFFFF  }
tec
execute0_lowered:
.L_overlay_start_1:
0x0: {  	(tag) =	ssettag $0x1  }
0x1: {  	s1 =	rddreg [dreg:$0x0]  }
0x2: {  	s0 =	rddreg [dreg:$0x1]  }
0x3: {  	s3 =	rddreg [dreg:$0x2];
	s28 =	simm.s32 $0x0  }
0x4: {  	s10 =	stileid.u32;
	[smem:$0x7FF] =	sst s28  }
0x5: {  	s4 =	smul.u32 $0x50000, s10;
	s5 =	sadd.s32 $0x94800, s0;
	s6 =	sadd.s32 $0x24000, s0  }
0x6: {  	s7 =	sadd.s32 $0x3600, s0;
	s9 =	sadd.s32 $0xBBA00, s0;
	s0 =	sadd.s32 $0xE3A00, s0  }
0x7: {  	_ =	strace $0x8000004A;
	[dreg:$0x5] =	wrdreg s9;
	s4 =	sshrl.u32 s4, $0x2  }
0x8: {  	[dreg:$0x7] =	wrdreg s0;
	s29 =	sadd.s32 s4, s3  }
0x9: {  	s4 =	sadd.s32 $0x1400, s29;
	[dreg:$0x6] =	wrdreg s29  }
0xa: {  	s11 =	sadd.s32 $0x2800, s29;
	[dreg:$0x8] =	wrdreg s4  }
0xb: {  	s12 =	sadd.s32 $0x3C00, s29;
	[dreg:$0x9] =	wrdreg s11  }
0xc: {  	s13 =	sadd.s32 $0x5000, s29;
	[dreg:$0xa] =	wrdreg s12  }
0xd: {  	s14 =	sadd.s32 $0x6400, s29;
	[dreg:$0xb] =	wrdreg s13  }
0xe: {  	s15 =	sadd.s32 $0x7800, s29;
	[dreg:$0xc] =	wrdreg s14  }
0xf: {  	s2 =	srdreg.scid;
	s16 =	sadd.s32 $0x8C00, s29;
	[dreg:$0xd] =	wrdreg s15  }
0x10: {  	s30 =	simm.s32 $0x6800;
	s17 =	sadd.s32 $0xA000, s29;
	[dreg:$0xe] =	wrdreg s16  }
0x11: {  	s31 =	simm.s32 $0x1;
	s18 =	sadd.s32 $0xB400, s29;
	[dreg:$0xf] =	wrdreg s17  }
0x12: {  	s2 =	sand.u32 $0x1, s2;
	s19 =	sadd.s32 $0xC800, s29;
	[dreg:$0x10] =	wrdreg s18  }
0x13: {  	s8 =	ssub.s32 $0x2, s2;
	s20 =	sadd.s32 $0xDC00, s29;
	[dreg:$0x11] =	wrdreg s19  }
0x14: {  	s26 =	sshrl.u32 s8, $0x1;
	s21 =	sadd.s32 $0xF000, s29;
	[dreg:$0x12] =	wrdreg s20  }
0x15: {  	s9 =	ssub.s32 s8, s26;
	s22 =	sadd.s32 $0x10400, s29;
	[dreg:$0x13] =	wrdreg s21  }
0x16: {  	s24 =	smul.u32 $0x10400, s10;
	s0 =	smax.u32 s9, $0x1;
	[dreg:$0x14] =	wrdreg s22  }
0x17: {  	p0 =	sne.s32 s2, $0x0;
	s23 =	sadd.s32 $0x11800, s29;
	[dreg:$0x15] =	wrdreg s0  }
0x18: {  	s26 =	smul.u32 $0x2800, s10;
	s25 =	sadd.s32 $0x12C00, s29;
	[dreg:$0x16] =	wrdreg s23  }
0x19: {  	s8 =	simm.s32 $0x3400;
	s10 =	simm.s32 $0x28;
	[dreg:$0x17] =	wrdreg s25  }
0x1a: {  	[dreg:$0x18] =	wrdreg s26;
	s0 =	simm.s32 $0x9;
	s11 =	simm.s32 $0x7C00  }
.Ltmp0:
0x1b: {  	s12 =	simm.s32 $0x100;
	s13 =	simm.s32 $0x9000;
	(pc) =	sbr.rel .LBB2_1-.Ltmp0, $4  }
0x1c: {  	s14 =	simm.s32 $0x180;
	s15 =	simm.s32 $0xA400;
	s16 =	simm.s32 $0x2  }
0x1d: {  	s17 =	simm.s32 $0x3480;
	s18 =	simm.s32 $0x3;
	s19 =	simm.s32 $0x3500  }
0x1e: {  	s20 =	simm.s32 $0x4;
	s21 =	simm.s32 $0x3580;
	s22 =	simm.s32 $0x5  }
0x1f: {  	v0 =	vimm.f32 $0.0e+00;
	s23 =	simm.s32 $0x6;
	s25 =	simm.s32 $0x7;
	s26 =	simm.s32 $0x8  }
.LBB2_12:
0x20: {  	s2 =	rddreg [dreg:$0x18];
	s9 =	stileid.u32;
	[bflag:$0x0] =	sbarrier.arrive $0xFFFF  }
0x21: {  	s2 =	sadd.s32 s4, s2;
	s4 =	sshll.u32 s9, $0x6;
	s29 =	rddreg [dreg:$0x6]  }
0x22: {  	s4 =	sor.u32 $0x1C09, s4;
	s9 =	sshrl.u32 s29, $0x3  }
0x23: {  	[hbm:s2], [sflag:s4] =	dma.local [spmem:s9], $0x2800  }
0x24: {  	_ =	swait.ge [sflag:s0], $0x2800  }
0x25: {  	s28 =	sadd.s32 $0x1, s28;
	s9 =	rddreg [dreg:$0x15]  }
0x26: {  	p1 =	sne.s32 s28, s9  }
.Ltmp1:
0x27: {  	_ = 	snop;
	(pc) =	sbr.rel @!p1 .LBB2_13-.Ltmp1, $3  }
0x28: {  	_ =	sdelay $0x1  }
0x29: {  	[sflag:s0] =	ssyncset.done $0x0  }
0x2a: {  	[sflag:s0] =	ssyncadd.s32 $0xFFFFD800  }
.LBB2_1:
0x2b: {  	[dreg:$0x4] =	wrdreg s28;
	s4 =	simm.s32 $0x0;
	s9 =	simm.s32 $0x200  }
.LBB2_2:
0x2c: {  	p1 =	sne.s32 s9, $0x4E00;
	[tilespmem:s4+$0x6870] =	vst v0  }
0x2d: {  	[tilespmem:s4+$0x6800] =	vst v0  }
0x2e: {  	[tilespmem:s4+$0x6810] =	vst v0  }
.Ltmp2:
0x2f: {  	[tilespmem:s4+$0x6820] =	vst v0;
	(pc) =	sbr.rel @p1 .LBB2_2-.Ltmp2, $4  }
0x30: {  	[tilespmem:s4+$0x6830] =	vst v0  }
0x31: {  	[tilespmem:s4+$0x6840] =	vst v0  }
0x32: {  	[tilespmem:s4+$0x6850] =	vst v0  }
0x33: {  	[tilespmem:s4+$0x6860] =	vst v0;
	s4 =	sshra.s32 s9, $0x2;
	s9 =	sadd.s32 $0x200, s9  }
0x34: {  	[tilespmem:s4+$0x6870] =	vst v0  }
0x35: {  	[tilespmem:s4+$0x6800] =	vst v0  }
0x36: {  	[tilespmem:s4+$0x6810] =	vst v0  }
0x37: {  	[tilespmem:s4+$0x6820] =	vst v0  }
0x38: {  	[tilespmem:s4+$0x6830] =	vst v0  }
0x39: {  	[tilespmem:s4+$0x6840] =	vst v0  }
0x3a: {  	[tilespmem:s4+$0x6850] =	vst v0  }
0x3b: {  	[tilespmem:s4+$0x6860] =	vst v0  }
0x3c: {  	[spmem:s29] =	stream.linear.scatter [tilespmem:s30], [sflag:$0x1], $0x1400, $0x38;
	[tilespmem:$0x1F800] =	vst v63  }
0x3d: {  	s2 =	rddreg [dreg:$0x8]  }
0x3e: {  	[spmem:s2] =	stream.linear.scatter [tilespmem:s30], [sflag:$0x1], $0x1400, $0x38;
	[tilespmem:$0x1F800] =	vst v63  }
0x3f: {  	s4 =	rddreg [dreg:$0x9]  }
0x40: {  	[spmem:s4] =	stream.linear.scatter [tilespmem:s30], [sflag:$0x1], $0x1400, $0x38;
	[tilespmem:$0x1F800] =	vst v63  }
0x41: {  	s9 =	rddreg [dreg:$0xa]  }
0x42: {  	[spmem:s9] =	stream.linear.scatter [tilespmem:s30], [sflag:$0x1], $0x1400, $0x38;
	[tilespmem:$0x1F800] =	vst v63  }
0x43: {  	s4 =	rddreg [dreg:$0xb]  }
0x44: {  	[spmem:s4] =	stream.linear.scatter [tilespmem:s30], [sflag:$0x1], $0x1400, $0x38;
	[tilespmem:$0x1F800] =	vst v63  }
0x45: {  	s9 =	rddreg [dreg:$0xc]  }
0x46: {  	[spmem:s9] =	stream.linear.scatter [tilespmem:s30], [sflag:$0x1], $0x1400, $0x38;
	[tilespmem:$0x1F800] =	vst v63  }
0x47: {  	s4 =	rddreg [dreg:$0xd]  }
0x48: {  	[spmem:s4] =	stream.linear.scatter [tilespmem:s30], [sflag:$0x1], $0x1400, $0x38;
	[tilespmem:$0x1F800] =	vst v63  }
0x49: {  	s9 =	rddreg [dreg:$0xe]  }
0x4a: {  	[spmem:s9] =	stream.linear.scatter [tilespmem:s30], [sflag:$0x1], $0x1400, $0x38;
	[tilespmem:$0x1F800] =	vst v63  }
0x4b: {  	s4 =	rddreg [dreg:$0xf]  }
0x4c: {  	[spmem:s4] =	stream.linear.scatter [tilespmem:s30], [sflag:$0x1], $0x1400, $0x38;
	[tilespmem:$0x1F800] =	vst v63  }
0x4d: {  	s9 =	rddreg [dreg:$0x10]  }
0x4e: {  	[spmem:s9] =	stream.linear.scatter [tilespmem:s30], [sflag:$0x1], $0x1400, $0x38;
	[tilespmem:$0x1F800] =	vst v63  }
0x4f: {  	s4 =	rddreg [dreg:$0x11]  }
0x50: {  	[spmem:s4] =	stream.linear.scatter [tilespmem:s30], [sflag:$0x1], $0x1400, $0x38;
	[tilespmem:$0x1F800] =	vst v63  }
0x51: {  	s9 =	rddreg [dreg:$0x12]  }
0x52: {  	[spmem:s9] =	stream.linear.scatter [tilespmem:s30], [sflag:$0x1], $0x1400, $0x38;
	[tilespmem:$0x1F800] =	vst v63  }
0x53: {  	s4 =	rddreg [dreg:$0x13]  }
0x54: {  	[spmem:s4] =	stream.linear.scatter [tilespmem:s30], [sflag:$0x1], $0x1400, $0x38;
	[tilespmem:$0x1F800] =	vst v63  }
0x55: {  	s9 =	rddreg [dreg:$0x14]  }
0x56: {  	[spmem:s9] =	stream.linear.scatter [tilespmem:s30], [sflag:$0x1], $0x1400, $0x38;
	[tilespmem:$0x1F800] =	vst v63  }
0x57: {  	s4 =	rddreg [dreg:$0x16]  }
0x58: {  	[spmem:s4] =	stream.linear.scatter [tilespmem:s30], [sflag:$0x1], $0x1400, $0x38;
	[tilespmem:$0x1F800] =	vst v63  }
0x59: {  	s9 =	rddreg [dreg:$0x17]  }
0x5a: {  	[spmem:s9] =	stream.linear.scatter [tilespmem:s30], [sflag:$0x1], $0x1400, $0x38;
	[tilespmem:$0x1F800] =	vst v63  }
0x5b: {  	_ =	swait.ge [sflag:s31], $0x1400  }
0x5c: {  	[sflag:s31] =	ssyncset.done $0x0  }
0x5d: {  	[sflag:s31] =	ssyncadd.s32 $0xFFFFEC00  }
0x5e: {  	_ =	swait.ge [sflag:s31], $0x1400  }
0x5f: {  	[sflag:s31] =	ssyncset.done $0x0  }
0x60: {  	[sflag:s31] =	ssyncadd.s32 $0xFFFFEC00  }
0x61: {  	_ =	swait.ge [sflag:s31], $0x1400  }
0x62: {  	[sflag:s31] =	ssyncset.done $0x0  }
0x63: {  	[sflag:s31] =	ssyncadd.s32 $0xFFFFEC00  }
0x64: {  	_ =	swait.ge [sflag:s31], $0x1400  }
0x65: {  	[sflag:s31] =	ssyncset.done $0x0  }
0x66: {  	[sflag:s31] =	ssyncadd.s32 $0xFFFFEC00  }
0x67: {  	_ =	swait.ge [sflag:s31], $0x1400  }
0x68: {  	[sflag:s31] =	ssyncset.done $0x0  }
0x69: {  	[sflag:s31] =	ssyncadd.s32 $0xFFFFEC00  }
0x6a: {  	_ =	swait.ge [sflag:s31], $0x1400  }
0x6b: {  	[sflag:s31] =	ssyncset.done $0x0  }
0x6c: {  	[sflag:s31] =	ssyncadd.s32 $0xFFFFEC00  }
0x6d: {  	_ =	swait.ge [sflag:s31], $0x1400  }
0x6e: {  	[sflag:s31] =	ssyncset.done $0x0  }
0x6f: {  	[sflag:s31] =	ssyncadd.s32 $0xFFFFEC00  }
0x70: {  	_ =	swait.ge [sflag:s31], $0x1400  }
0x71: {  	[sflag:s31] =	ssyncset.done $0x0  }
0x72: {  	[sflag:s31] =	ssyncadd.s32 $0xFFFFEC00  }
0x73: {  	_ =	swait.ge [sflag:s31], $0x1400  }
0x74: {  	[sflag:s31] =	ssyncset.done $0x0  }
0x75: {  	[sflag:s31] =	ssyncadd.s32 $0xFFFFEC00  }
0x76: {  	_ =	swait.ge [sflag:s31], $0x1400  }
0x77: {  	[sflag:s31] =	ssyncset.done $0x0  }
0x78: {  	[sflag:s31] =	ssyncadd.s32 $0xFFFFEC00  }
0x79: {  	_ =	swait.ge [sflag:s31], $0x1400  }
0x7a: {  	[sflag:s31] =	ssyncset.done $0x0  }
0x7b: {  	[sflag:s31] =	ssyncadd.s32 $0xFFFFEC00  }
0x7c: {  	_ =	swait.ge [sflag:s31], $0x1400  }
0x7d: {  	[sflag:s31] =	ssyncset.done $0x0  }
0x7e: {  	[sflag:s31] =	ssyncadd.s32 $0xFFFFEC00  }
0x7f: {  	_ =	swait.ge [sflag:s31], $0x1400  }
0x80: {  	[sflag:s31] =	ssyncset.done $0x0  }
0x81: {  	[sflag:s31] =	ssyncadd.s32 $0xFFFFEC00  }
0x82: {  	_ =	swait.ge [sflag:s31], $0x1400  }
0x83: {  	[sflag:s31] =	ssyncset.done $0x0  }
0x84: {  	[sflag:s31] =	ssyncadd.s32 $0xFFFFEC00  }
0x85: {  	_ =	swait.ge [sflag:s31], $0x1400  }
0x86: {  	[sflag:s31] =	ssyncset.done $0x0  }
0x87: {  	[sflag:s31] =	ssyncadd.s32 $0xFFFFEC00  }
.Ltmp3:
0x88: {  	_ =	swait.ge [sflag:s31], $0x1400;
	(pc) =	sbr.rel @p0 .LBB2_8-.Ltmp3, $4  }
0x89: {  	[sflag:s31] =	ssyncset.done $0x0  }
0x8a: {  	[sflag:s31] =	ssyncadd.s32 $0xFFFFEC00  }
0x8b: {  	[bflag:$0x0] =	sbarrier.arrive $0xFFFF  }
0x8c: {  	s28 =	simm.s32 $0x0;
	s29 =	simm.s32 $0x0;
	s9 =	simm.s32 $0x0  }
.LBB2_4:
0x8d: {  	s4 =	smul.u32 $0x3400, s29;
	_ =	sdelay $0x1  }
0x8e: {  	s4 =	sadd.s32 s24, s4  }
0x8f: {  	s4 =	sshrl.u32 s4, $0x3  }
0x90: {  	s9 =	sadd.s32 s6, s4  }
0x91: {  	[tilespmem:s28], [sflag:$0x9] =	stream.linear.gather [hbm4b:s9+s28], $0x3200, $0x38;
	[tilespmem:$0x1F800] =	vst v63  }
0x92: {  	_ =	swait.ge [sflag:s0], $0x3200  }
0x93: {  	[sflag:s0] =	ssyncset.done $0x0  }
0x94: {  	s4 =	sadd.s32 s7, s4;
	[sflag:s0] =	ssyncadd.s32 $0xFFFFCE00  }
0x95: {  	[tilespmem:s8], [sflag:$0x9] =	stream.linear.gather [hbm4b:s4+s28], $0x3200, $0x38;
	[tilespmem:$0x1F800] =	vst v63  }
0x96: {  	_ =	swait.ge [sflag:s0], $0x3200  }
0x97: {  	[sflag:s0] =	ssyncset.done $0x0  }
0x98: {  	[sflag:s0] =	ssyncadd.s32 $0xFFFFCE00  }
0x99: {  	[tilespmem:s30], [sflag:$0x1] =	stream.indirect.gather [hbm4b:s1+s10], $0x80, s28, s10, $0xb8;
	[tilespmem:$0x1F800] =	vst v63  }
0x9a: {  	s2 =	simm.s32 $0x80  }
0x9b: {  	[tilespmem:s11], [sflag:$0x2] =	stream.indirect.gather [hbm4b:s1+s10], $0x80, s2, s10, $0xb8;
	[tilespmem:$0x1F800] =	vst v63  }
0x9c: {  	_ = 	snop  }
0x9d: {  	[tilespmem:s13], [sflag:$0x3] =	stream.indirect.gather [hbm4b:s1+s10], $0x80, s12, s10, $0xb8;
	[tilespmem:$0x1F800] =	vst v63  }
0x9e: {  	_ = 	snop  }
0x9f: {  	[tilespmem:s15], [sflag:$0x4] =	stream.indirect.gather [hbm4b:s1+s10], $0x80, s14, s10, $0xb8;
	[tilespmem:$0x1F800] =	vst v63  }
0xa0: {  	_ =	swait.ge [sflag:s31], $0x1400  }
0xa1: {  	[sflag:s31] =	ssyncset.done $0x0  }
0xa2: {  	[sflag:s31] =	ssyncadd.s32 $0xFFFFEC00  }
0xa3: {  	[spmem:s3] =	stream.indirect.scatter.add.f32 [tilespmem:s30], [sflag:$0x5], $0x80, s8, s10, $0xb8;
	[tilespmem:$0x1F800] =	vst v63  }
0xa4: {  	_ =	swait.ge [sflag:s16], $0x1400  }
0xa5: {  	[sflag:s16] =	ssyncset.done $0x0  }
0xa6: {  	[sflag:s16] =	ssyncadd.s32 $0xFFFFEC00  }
0xa7: {  	[spmem:s3] =	stream.indirect.scatter.add.f32 [tilespmem:s11], [sflag:$0x6], $0x80, s17, s10, $0xb8;
	[tilespmem:$0x1F800] =	vst v63  }
0xa8: {  	_ =	swait.ge [sflag:s18], $0x1400  }
0xa9: {  	[sflag:s18] =	ssyncset.done $0x0  }
0xaa: {  	[sflag:s18] =	ssyncadd.s32 $0xFFFFEC00  }
0xab: {  	[spmem:s3] =	stream.indirect.scatter.add.f32 [tilespmem:s13], [sflag:$0x7], $0x80, s19, s10, $0xb8;
	[tilespmem:$0x1F800] =	vst v63  }
0xac: {  	_ =	swait.ge [sflag:s20], $0x1400  }
0xad: {  	[sflag:s20] =	ssyncset.done $0x0  }
0xae: {  	[sflag:s20] =	ssyncadd.s32 $0xFFFFEC00  }
0xaf: {  	[spmem:s3] =	stream.indirect.scatter.add.f32 [tilespmem:s15], [sflag:$0x8], $0x80, s21, s10, $0xb8;
	[tilespmem:$0x1F800] =	vst v63  }
0xb0: {  	_ =	swait.ge [sflag:s22], $0x1400  }
0xb1: {  	[sflag:s22] =	ssyncset.done $0x0  }
0xb2: {  	s9 =	simm.s32 $0x200;
	[sflag:s22] =	ssyncadd.s32 $0xFFFFEC00  }
0xb3: {  	[tilespmem:s30], [sflag:$0x1] =	stream.indirect.gather [hbm4b:s1+s10], $0x80, s9, s10, $0xb8;
	[tilespmem:$0x1F800] =	vst v63  }
0xb4: {  	_ =	swait.ge [sflag:s23], $0x1400  }
0xb5: {  	[sflag:s23] =	ssyncset.done $0x0  }
0xb6: {  	s2 =	simm.s32 $0x280;
	[sflag:s23] =	ssyncadd.s32 $0xFFFFEC00  }
0xb7: {  	[tilespmem:s11], [sflag:$0x2] =	stream.indirect.gather [hbm4b:s1+s10], $0x80, s2, s10, $0xb8;
	[tilespmem:$0x1F800] =	vst v63  }
0xb8: {  	_ =	swait.ge [sflag:s25], $0x1400  }
0xb9: {  	[sflag:s25] =	ssyncset.done $0x0  }
0xba: {  	s9 =	simm.s32 $0x300;
	[sflag:s25] =	ssyncadd.s32 $0xFFFFEC00  }
0xbb: {  	[tilespmem:s13], [sflag:$0x3] =	stream.indirect.gather [hbm4b:s1+s10], $0x80, s9, s10, $0xb8;
	[tilespmem:$0x1F800] =	vst v63  }
0xbc: {  	_ =	swait.ge [sflag:s26], $0x1400  }
0xbd: {  	[sflag:s26] =	ssyncset.done $0x0  }
0xbe: {  	s2 =	simm.s32 $0x380;
	[sflag:s26] =	ssyncadd.s32 $0xFFFFEC00  }
0xbf: {  	[tilespmem:s15], [sflag:$0x4] =	stream.indirect.gather [hbm4b:s1+s10], $0x80, s2, s10, $0xb8;
	[tilespmem:$0x1F800] =	vst v63  }
0xc0: {  	_ =	swait.ge [sflag:s31], $0x1400  }
0xc1: {  	[sflag:s31] =	ssyncset.done $0x0  }
0xc2: {  	s9 =	simm.s32 $0x3600;
	[sflag:s31] =	ssyncadd.s32 $0xFFFFEC00  }
0xc3: {  	[spmem:s3] =	stream.indirect.scatter.add.f32 [tilespmem:s30], [sflag:$0x5], $0x80, s9, s10, $0xb8;
	[tilespmem:$0x1F800] =	vst v63  }
0xc4: {  	_ =	swait.ge [sflag:s16], $0x1400  }
0xc5: {  	[sflag:s16] =	ssyncset.done $0x0  }
0xc6: {  	s2 =	simm.s32 $0x3680;
	[sflag:s16] =	ssyncadd.s32 $0xFFFFEC00  }
0xc7: {  	[spmem:s3] =	stream.indirect.scatter.add.f32 [tilespmem:s11], [sflag:$0x6], $0x80, s2, s10, $0xb8;
	[tilespmem:$0x1F800] =	vst v63  }
0xc8: {  	_ =	swait.ge [sflag:s18], $0x1400  }
0xc9: {  	[sflag:s18] =	ssyncset.done $0x0  }
0xca: {  	s9 =	simm.s32 $0x3700;
	[sflag:s18] =	ssyncadd.s32 $0xFFFFEC00  }
0xcb: {  	[spmem:s3] =	stream.indirect.scatter.add.f32 [tilespmem:s13], [sflag:$0x7], $0x80, s9, s10, $0xb8;
	[tilespmem:$0x1F800] =	vst v63  }
0xcc: {  	_ =	swait.ge [sflag:s20], $0x1400  }
0xcd: {  	[sflag:s20] =	ssyncset.done $0x0  }
0xce: {  	s4 =	simm.s32 $0x3780;
	s9 =	simm.s32 $0x800;
	[sflag:s20] =	ssyncadd.s32 $0xFFFFEC00  }
.LBB2_5:
0xcf: {  	[spmem:s3] =	stream.indirect.scatter.add.f32 [tilespmem:s15], [sflag:$0x8], $0x80, s4, s10, $0xb8;
	[tilespmem:$0x1F800] =	vst v63  }
0xd0: {  	s4 =	smov.u32 s9  }
0xd1: {  	p1 =	sne.s32 s9, $0xB800;
	s9 =	sadd.s32 $0x800, s9;
	_ =	swait.ge [sflag:s22], $0x1400  }
0xd2: {  	s4 =	sshra.s32 s4, $0x2;
	[sflag:s22] =	ssyncset.done $0x0  }
0xd3: {  	s2 =	sadd.s32 $0x200, s4;
	[sflag:s22] =	ssyncadd.s32 $0xFFFFEC00  }
0xd4: {  	[tilespmem:s30], [sflag:$0x1] =	stream.indirect.gather [hbm4b:s1+s10], $0x80, s2, s10, $0xb8;
	[tilespmem:$0x1F800] =	vst v63  }
0xd5: {  	_ =	swait.ge [sflag:s23], $0x1400  }
0xd6: {  	[sflag:s23] =	ssyncset.done $0x0  }
0xd7: {  	s2 =	sadd.s32 $0x280, s4;
	[sflag:s23] =	ssyncadd.s32 $0xFFFFEC00  }
0xd8: {  	[tilespmem:s11], [sflag:$0x2] =	stream.indirect.gather [hbm4b:s1+s10], $0x80, s2, s10, $0xb8;
	[tilespmem:$0x1F800] =	vst v63  }
0xd9: {  	_ =	swait.ge [sflag:s25], $0x1400  }
0xda: {  	[sflag:s25] =	ssyncset.done $0x0  }
0xdb: {  	s2 =	sadd.s32 $0x300, s4;
	[sflag:s25] =	ssyncadd.s32 $0xFFFFEC00  }
0xdc: {  	[tilespmem:s13], [sflag:$0x3] =	stream.indirect.gather [hbm4b:s1+s10], $0x80, s2, s10, $0xb8;
	[tilespmem:$0x1F800] =	vst v63  }
0xdd: {  	_ =	swait.ge [sflag:s26], $0x1400  }
0xde: {  	[sflag:s26] =	ssyncset.done $0x0  }
0xdf: {  	s2 =	sadd.s32 $0x380, s4;
	[sflag:s26] =	ssyncadd.s32 $0xFFFFEC00  }
0xe0: {  	[tilespmem:s15], [sflag:$0x4] =	stream.indirect.gather [hbm4b:s1+s10], $0x80, s2, s10, $0xb8;
	[tilespmem:$0x1F800] =	vst v63  }
0xe1: {  	_ =	swait.ge [sflag:s31], $0x1400  }
0xe2: {  	[sflag:s31] =	ssyncset.done $0x0  }
0xe3: {  	s2 =	sadd.s32 $0x3600, s4;
	[sflag:s31] =	ssyncadd.s32 $0xFFFFEC00  }
0xe4: {  	[spmem:s3] =	stream.indirect.scatter.add.f32 [tilespmem:s30], [sflag:$0x5], $0x80, s2, s10, $0xb8;
	[tilespmem:$0x1F800] =	vst v63  }
0xe5: {  	_ =	swait.ge [sflag:s16], $0x1400  }
0xe6: {  	[sflag:s16] =	ssyncset.done $0x0  }
0xe7: {  	s2 =	sadd.s32 $0x3680, s4;
	[sflag:s16] =	ssyncadd.s32 $0xFFFFEC00  }
0xe8: {  	[spmem:s3] =	stream.indirect.scatter.add.f32 [tilespmem:s11], [sflag:$0x6], $0x80, s2, s10, $0xb8;
	[tilespmem:$0x1F800] =	vst v63  }
0xe9: {  	_ =	swait.ge [sflag:s18], $0x1400  }
0xea: {  	[sflag:s18] =	ssyncset.done $0x0  }
.Ltmp4:
0xeb: {  	s2 =	sadd.s32 $0x3700, s4;
	[sflag:s18] =	ssyncadd.s32 $0xFFFFEC00;
	(pc) =	sbr.rel @p1 .LBB2_5-.Ltmp4, $4  }
0xec: {  	[spmem:s3] =	stream.indirect.scatter.add.f32 [tilespmem:s13], [sflag:$0x7], $0x80, s2, s10, $0xb8;
	[tilespmem:$0x1F800] =	vst v63  }
0xed: {  	_ =	swait.ge [sflag:s20], $0x1400  }
0xee: {  	[sflag:s20] =	ssyncset.done $0x0  }
0xef: {  	s4 =	sadd.s32 $0x3780, s4;
	[sflag:s20] =	ssyncadd.s32 $0xFFFFEC00  }
0xf0: {  	[spmem:s3] =	stream.indirect.scatter.add.f32 [tilespmem:s15], [sflag:$0x8], $0x80, s4, s10, $0xb8;
	[tilespmem:$0x1F800] =	vst v63  }
0xf1: {  	_ =	swait.ge [sflag:s22], $0x1400  }
0xf2: {  	[sflag:s22] =	ssyncset.done $0x0  }
0xf3: {  	[sflag:s22] =	ssyncadd.s32 $0xFFFFEC00  }
0xf4: {  	_ =	swait.ge [sflag:s23], $0x1400  }
0xf5: {  	[sflag:s23] =	ssyncset.done $0x0  }
0xf6: {  	s29 =	sadd.s32 $0x1, s29;
	[sflag:s23] =	ssyncadd.s32 $0xFFFFEC00  }
0xf7: {  	p1 =	seq.s32 s29, $0x5;
	_ =	swait.ge [sflag:s25], $0x1400  }
.Ltmp5:
0xf8: {  	[sflag:s25] =	ssyncset.done $0x0;
	(pc) =	sbr.rel @!p1 .LBB2_4-.Ltmp5, $4  }
0xf9: {  	[sflag:s25] =	ssyncadd.s32 $0xFFFFEC00  }
0xfa: {  	_ =	swait.ge [sflag:s26], $0x1400  }
0xfb: {  	[sflag:s26] =	ssyncset.done $0x0  }
0xfc: {  	[sflag:s26] =	ssyncadd.s32 $0xFFFFEC00  }
.Ltmp6:
0xfd: {  	(pc) =	sbr.rel .LBB2_12-.Ltmp6, $3  }
0xfe: {  	_ =	sdelay $0x1  }
0xff: {  	s4 =	rddreg [dreg:$0x5]  }
0x100: {  	s28 =	rddreg [dreg:$0x4]  }
.LBB2_8:
0x101: {  	s2 =	smul.u32 $0x3400, s9;
	_ =	sdelay $0x1  }
0x102: {  	s2 =	sadd.s32 s24, s2  }
0x103: {  	s2 =	sshrl.u32 s2, $0x3  }
0x104: {  	s4 =	sadd.s32 s6, s2  }
0x105: {  	[tilespmem:s28], [sflag:$0x9] =	stream.linear.gather [hbm4b:s4+s28], $0x3200, $0x38;
	[tilespmem:$0x1F800] =	vst v63  }
0x106: {  	_ =	swait.ge [sflag:s0], $0x3200  }
0x107: {  	[sflag:s0] =	ssyncset.done $0x0  }
0x108: {  	s2 =	sadd.s32 s7, s2;
	[sflag:s0] =	ssyncadd.s32 $0xFFFFCE00  }
0x109: {  	[tilespmem:s8], [sflag:$0x9] =	stream.linear.gather [hbm4b:s2+s28], $0x3200, $0x38;
	[tilespmem:$0x1F800] =	vst v63  }
0x10a: {  	_ =	swait.ge [sflag:s0], $0x3200  }
0x10b: {  	[sflag:s0] =	ssyncset.done $0x0  }
0x10c: {  	[sflag:s0] =	ssyncadd.s32 $0xFFFFCE00  }
0x10d: {  	[tilespmem:s30], [sflag:$0x1] =	stream.indirect.gather [hbm4b:s5+s10], $0x80, s28, s10, $0xb8;
	[tilespmem:$0x1F800] =	vst v63  }
0x10e: {  	s4 =	simm.s32 $0x80  }
0x10f: {  	[tilespmem:s11], [sflag:$0x2] =	stream.indirect.gather [hbm4b:s5+s10], $0x80, s4, s10, $0xb8;
	[tilespmem:$0x1F800] =	vst v63  }
0x110: {  	_ = 	snop  }
0x111: {  	[tilespmem:s13], [sflag:$0x3] =	stream.indirect.gather [hbm4b:s5+s10], $0x80, s12, s10, $0xb8;
	[tilespmem:$0x1F800] =	vst v63  }
0x112: {  	_ = 	snop  }
0x113: {  	[tilespmem:s15], [sflag:$0x4] =	stream.indirect.gather [hbm4b:s5+s10], $0x80, s14, s10, $0xb8;
	[tilespmem:$0x1F800] =	vst v63  }
0x114: {  	_ =	swait.ge [sflag:s31], $0x1400  }
0x115: {  	[sflag:s31] =	ssyncset.done $0x0  }
0x116: {  	[sflag:s31] =	ssyncadd.s32 $0xFFFFEC00  }
0x117: {  	[spmem:s3] =	stream.indirect.scatter.add.f32 [tilespmem:s30], [sflag:$0x5], $0x80, s8, s10, $0xb8;
	[tilespmem:$0x1F800] =	vst v63  }
0x118: {  	_ =	swait.ge [sflag:s16], $0x1400  }
0x119: {  	[sflag:s16] =	ssyncset.done $0x0  }
0x11a: {  	[sflag:s16] =	ssyncadd.s32 $0xFFFFEC00  }
0x11b: {  	[spmem:s3] =	stream.indirect.scatter.add.f32 [tilespmem:s11], [sflag:$0x6], $0x80, s17, s10, $0xb8;
	[tilespmem:$0x1F800] =	vst v63  }
0x11c: {  	_ =	swait.ge [sflag:s18], $0x1400  }
0x11d: {  	[sflag:s18] =	ssyncset.done $0x0  }
0x11e: {  	[sflag:s18] =	ssyncadd.s32 $0xFFFFEC00  }
0x11f: {  	[spmem:s3] =	stream.indirect.scatter.add.f32 [tilespmem:s13], [sflag:$0x7], $0x80, s19, s10, $0xb8;
	[tilespmem:$0x1F800] =	vst v63  }
0x120: {  	_ =	swait.ge [sflag:s20], $0x1400  }
0x121: {  	[sflag:s20] =	ssyncset.done $0x0  }
0x122: {  	[sflag:s20] =	ssyncadd.s32 $0xFFFFEC00  }
0x123: {  	[spmem:s3] =	stream.indirect.scatter.add.f32 [tilespmem:s15], [sflag:$0x8], $0x80, s21, s10, $0xb8;
	[tilespmem:$0x1F800] =	vst v63  }
0x124: {  	_ =	swait.ge [sflag:s22], $0x1400  }
0x125: {  	[sflag:s22] =	ssyncset.done $0x0  }
0x126: {  	s4 =	simm.s32 $0x200;
	[sflag:s22] =	ssyncadd.s32 $0xFFFFEC00  }
0x127: {  	[tilespmem:s30], [sflag:$0x1] =	stream.indirect.gather [hbm4b:s5+s10], $0x80, s4, s10, $0xb8;
	[tilespmem:$0x1F800] =	vst v63  }
0x128: {  	_ =	swait.ge [sflag:s23], $0x1400  }
0x129: {  	[sflag:s23] =	ssyncset.done $0x0  }
0x12a: {  	s4 =	simm.s32 $0x280;
	[sflag:s23] =	ssyncadd.s32 $0xFFFFEC00  }
0x12b: {  	[tilespmem:s11], [sflag:$0x2] =	stream.indirect.gather [hbm4b:s5+s10], $0x80, s4, s10, $0xb8;
	[tilespmem:$0x1F800] =	vst v63  }
0x12c: {  	_ =	swait.ge [sflag:s25], $0x1400  }
0x12d: {  	[sflag:s25] =	ssyncset.done $0x0  }
0x12e: {  	s4 =	simm.s32 $0x300;
	[sflag:s25] =	ssyncadd.s32 $0xFFFFEC00  }
0x12f: {  	[tilespmem:s13], [sflag:$0x3] =	stream.indirect.gather [hbm4b:s5+s10], $0x80, s4, s10, $0xb8;
	[tilespmem:$0x1F800] =	vst v63  }
0x130: {  	_ =	swait.ge [sflag:s26], $0x1400  }
0x131: {  	[sflag:s26] =	ssyncset.done $0x0  }
0x132: {  	s4 =	simm.s32 $0x380;
	[sflag:s26] =	ssyncadd.s32 $0xFFFFEC00  }
0x133: {  	[tilespmem:s15], [sflag:$0x4] =	stream.indirect.gather [hbm4b:s5+s10], $0x80, s4, s10, $0xb8;
	[tilespmem:$0x1F800] =	vst v63  }
0x134: {  	_ =	swait.ge [sflag:s31], $0x1400  }
0x135: {  	[sflag:s31] =	ssyncset.done $0x0  }
0x136: {  	s4 =	simm.s32 $0x3600;
	[sflag:s31] =	ssyncadd.s32 $0xFFFFEC00  }
0x137: {  	[spmem:s3] =	stream.indirect.scatter.add.f32 [tilespmem:s30], [sflag:$0x5], $0x80, s4, s10, $0xb8;
	[tilespmem:$0x1F800] =	vst v63  }
0x138: {  	_ =	swait.ge [sflag:s16], $0x1400  }
0x139: {  	[sflag:s16] =	ssyncset.done $0x0  }
0x13a: {  	s4 =	simm.s32 $0x3680;
	[sflag:s16] =	ssyncadd.s32 $0xFFFFEC00  }
0x13b: {  	[spmem:s3] =	stream.indirect.scatter.add.f32 [tilespmem:s11], [sflag:$0x6], $0x80, s4, s10, $0xb8;
	[tilespmem:$0x1F800] =	vst v63  }
0x13c: {  	_ =	swait.ge [sflag:s18], $0x1400  }
0x13d: {  	[sflag:s18] =	ssyncset.done $0x0  }
0x13e: {  	s4 =	simm.s32 $0x3700;
	[sflag:s18] =	ssyncadd.s32 $0xFFFFEC00  }
0x13f: {  	[spmem:s3] =	stream.indirect.scatter.add.f32 [tilespmem:s13], [sflag:$0x7], $0x80, s4, s10, $0xb8;
	[tilespmem:$0x1F800] =	vst v63  }
0x140: {  	_ =	swait.ge [sflag:s20], $0x1400  }
0x141: {  	[sflag:s20] =	ssyncset.done $0x0  }
0x142: {  	s29 =	simm.s32 $0x800;
	s4 =	simm.s32 $0x3780;
	[sflag:s20] =	ssyncadd.s32 $0xFFFFEC00  }
.LBB2_9:
0x143: {  	[spmem:s3] =	stream.indirect.scatter.add.f32 [tilespmem:s15], [sflag:$0x8], $0x80, s4, s10, $0xb8;
	[tilespmem:$0x1F800] =	vst v63  }
0x144: {  	s2 =	smov.u32 s29  }
0x145: {  	p1 =	sne.s32 s29, $0xB800;
	s29 =	sadd.s32 $0x800, s29;
	_ =	swait.ge [sflag:s22], $0x1400  }
0x146: {  	s4 =	sshra.s32 s2, $0x2;
	[sflag:s22] =	ssyncset.done $0x0  }
0x147: {  	s2 =	sadd.s32 $0x200, s4;
	[sflag:s22] =	ssyncadd.s32 $0xFFFFEC00  }
0x148: {  	[tilespmem:s30], [sflag:$0x1] =	stream.indirect.gather [hbm4b:s5+s10], $0x80, s2, s10, $0xb8;
	[tilespmem:$0x1F800] =	vst v63  }
0x149: {  	_ =	swait.ge [sflag:s23], $0x1400  }
0x14a: {  	[sflag:s23] =	ssyncset.done $0x0  }
0x14b: {  	s2 =	sadd.s32 $0x280, s4;
	[sflag:s23] =	ssyncadd.s32 $0xFFFFEC00  }
0x14c: {  	[tilespmem:s11], [sflag:$0x2] =	stream.indirect.gather [hbm4b:s5+s10], $0x80, s2, s10, $0xb8;
	[tilespmem:$0x1F800] =	vst v63  }
0x14d: {  	_ =	swait.ge [sflag:s25], $0x1400  }
0x14e: {  	[sflag:s25] =	ssyncset.done $0x0  }
0x14f: {  	s2 =	sadd.s32 $0x300, s4;
	[sflag:s25] =	ssyncadd.s32 $0xFFFFEC00  }
0x150: {  	[tilespmem:s13], [sflag:$0x3] =	stream.indirect.gather [hbm4b:s5+s10], $0x80, s2, s10, $0xb8;
	[tilespmem:$0x1F800] =	vst v63  }
0x151: {  	_ =	swait.ge [sflag:s26], $0x1400  }
0x152: {  	[sflag:s26] =	ssyncset.done $0x0  }
0x153: {  	s2 =	sadd.s32 $0x380, s4;
	[sflag:s26] =	ssyncadd.s32 $0xFFFFEC00  }
0x154: {  	[tilespmem:s15], [sflag:$0x4] =	stream.indirect.gather [hbm4b:s5+s10], $0x80, s2, s10, $0xb8;
	[tilespmem:$0x1F800] =	vst v63  }
0x155: {  	_ =	swait.ge [sflag:s31], $0x1400  }
0x156: {  	[sflag:s31] =	ssyncset.done $0x0  }
0x157: {  	s2 =	sadd.s32 $0x3600, s4;
	[sflag:s31] =	ssyncadd.s32 $0xFFFFEC00  }
0x158: {  	[spmem:s3] =	stream.indirect.scatter.add.f32 [tilespmem:s30], [sflag:$0x5], $0x80, s2, s10, $0xb8;
	[tilespmem:$0x1F800] =	vst v63  }
0x159: {  	_ =	swait.ge [sflag:s16], $0x1400  }
0x15a: {  	[sflag:s16] =	ssyncset.done $0x0  }
0x15b: {  	s2 =	sadd.s32 $0x3680, s4;
	[sflag:s16] =	ssyncadd.s32 $0xFFFFEC00  }
0x15c: {  	[spmem:s3] =	stream.indirect.scatter.add.f32 [tilespmem:s11], [sflag:$0x6], $0x80, s2, s10, $0xb8;
	[tilespmem:$0x1F800] =	vst v63  }
0x15d: {  	_ =	swait.ge [sflag:s18], $0x1400  }
0x15e: {  	[sflag:s18] =	ssyncset.done $0x0  }
.Ltmp7:
0x15f: {  	s2 =	sadd.s32 $0x3700, s4;
	[sflag:s18] =	ssyncadd.s32 $0xFFFFEC00;
	(pc) =	sbr.rel @p1 .LBB2_9-.Ltmp7, $4  }
0x160: {  	[spmem:s3] =	stream.indirect.scatter.add.f32 [tilespmem:s13], [sflag:$0x7], $0x80, s2, s10, $0xb8;
	[tilespmem:$0x1F800] =	vst v63  }
0x161: {  	_ =	swait.ge [sflag:s20], $0x1400  }
0x162: {  	[sflag:s20] =	ssyncset.done $0x0  }
0x163: {  	s4 =	sadd.s32 $0x3780, s4;
	[sflag:s20] =	ssyncadd.s32 $0xFFFFEC00  }
0x164: {  	[spmem:s3] =	stream.indirect.scatter.add.f32 [tilespmem:s15], [sflag:$0x8], $0x80, s4, s10, $0xb8;
	[tilespmem:$0x1F800] =	vst v63  }
0x165: {  	_ =	swait.ge [sflag:s22], $0x1400  }
0x166: {  	[sflag:s22] =	ssyncset.done $0x0  }
0x167: {  	[sflag:s22] =	ssyncadd.s32 $0xFFFFEC00  }
0x168: {  	_ =	swait.ge [sflag:s23], $0x1400  }
0x169: {  	[sflag:s23] =	ssyncset.done $0x0  }
0x16a: {  	s9 =	sadd.s32 $0x1, s9;
	[sflag:s23] =	ssyncadd.s32 $0xFFFFEC00  }
0x16b: {  	p1 =	sne.s32 s9, $0x5;
	_ =	swait.ge [sflag:s25], $0x1400  }
.Ltmp8:
0x16c: {  	[sflag:s25] =	ssyncset.done $0x0;
	(pc) =	sbr.rel @p1 .LBB2_8-.Ltmp8, $4  }
0x16d: {  	[sflag:s25] =	ssyncadd.s32 $0xFFFFEC00  }
0x16e: {  	_ =	swait.ge [sflag:s26], $0x1400  }
0x16f: {  	[sflag:s26] =	ssyncset.done $0x0  }
0x170: {  	[sflag:s26] =	ssyncadd.s32 $0xFFFFEC00  }
.Ltmp9:
0x171: {  	(pc) =	sbr.rel .LBB2_12-.Ltmp9, $3  }
0x172: {  	_ =	sdelay $0x1  }
0x173: {  	s4 =	rddreg [dreg:$0x7]  }
0x174: {  	s28 =	rddreg [dreg:$0x4]  }
.LBB2_13:
0x175: {  	_ =	sfence.sel $0x180000  }
0x176: {  	[bflag:$0x0] =	sbarrier.arrive $0xFFFF  }
0x177: {  	_ =	strace $0x9000004A  }
0x178: {  	s0 =	stileid.u32;
	[bflag:$0x2] =	sbarrier.arrive $0xFFFF  }
0x179: {  	p0 =	sne.s32 s0, $0x0;
	s0 =	rddreg [dreg:$0x3]  }
0x17a: {  	s0 =	sadd.s32 @!p0 $0x100000, s0  }
0x17b: {  	[sflag:s0] =	ssyncadd.tile.s32 @!p0 $0x1;
	_ =	shalt  }
.Lfunc_end2:
_tile_overlayer_lowered:
.L_overlay_start_2:
0x17c: {  	(tag) =	ssettag $0x2  }
0x17d: {  	s0 =	rddreg [dreg:$0x0];
	s2 =	stileid.u32  }
0x17e: {  	s1 =	rddreg [dreg:$0x1];
	p0 =	sne.s32 s2, $0x0  }
0x17f: {  	s3 =	rddreg [dreg:$0x2];
	[bflag:$0x3] =	sbarrier.arrive $0xFFFF;
	s2 =	simm.s32 @!p0 $0x1C09  }
0x180: {  	[timem:s3], [sflag:s2] =	dma.local @!p0 [hbm:s0], s1  }
0x181: {  	s0 =	simm.s32 @!p0 $0x9  }
0x182: {  	_ =	swait.ge @!p0 [sflag:s0], s1  }
0x183: {  	s1 =	ssub.s32 @!p0 $0x0, s1;
	[sflag:s0] =	ssyncset.done @!p0 $0x0  }
0x184: {  	[sflag:s0] =	ssyncadd.s32 @!p0 s1  }
0x185: {  	[bflag:$0x3] =	sbarrier.arrive $0xFFFF  }
0x186: {  	_ =	shalt  }

</sc_bundles>
